<compile_context>
chip_gen: v7x
topology: tpu7x:2x2x1
jax: 0.10.2.dev20260603
libtpu: 0.0.44.dev20260713+nightly
codegen_flags: <defaults>
</compile_context>

<pallas_src>
import functools

import numpy as np
import jax
import jax.numpy as jnp
from jax import lax
from jax.experimental import pallas as pl
from jax.experimental.pallas import tpu as pltpu
from jax.experimental.pallas import tpu_sc as plsc

NC = 2
NS = 16
CH = 128
LANES = 16


def _cdiv(a, b):
    return (a + b - 1) // b


@functools.cache
def _deg_kernel(E, E_pad, P, rpt):
    mesh = plsc.VectorSubcoreMesh(core_axis_name="c", subcore_axis_name="s")
    nreal = E // CH
    nmax = _cdiv(nreal, NS * 8) * 8
    assert nmax * NS <= E_pad // CH

    @functools.partial(
        pl.kernel,
        out_type=(jax.ShapeDtypeStruct((P,), jnp.float32),
                  jax.ShapeDtypeStruct((P,), jnp.float32)),
        mesh=mesh,
        scratch_types=[
            pltpu.VMEM((nmax, CH), jnp.int32),
            pltpu.VMEM((CH,), jnp.float32),
            pltpu.VMEM((rpt,), jnp.float32),
            pltpu.VMEM_SHARED((P,), jnp.float32),
        ],
    )
    def k(src_h, dst_h, dout_h, din_h, idx_v, ones_v, stage_v, acc_s):
        c = lax.axis_index("c")
        s = lax.axis_index("s")
        for j in range(CH // LANES):
            ones_v[pl.ds(j * LANES, LANES)] = jnp.ones((LANES,), jnp.float32)

        def zero_body(i, carry):
            stage_v[pl.ds(i * LANES, LANES)] = jnp.zeros((LANES,), jnp.float32)
            return carry

        lax.fori_loop(0, rpt // LANES, zero_body, 0)
        pltpu.sync_copy(stage_v, acc_s.at[pl.ds(s * rpt, rpt)])
        plsc.subcore_barrier()
        start = s * nmax
        cnt = jnp.clip(nreal - s * nmax, 0, nmax)

        @pl.when(c == 0)
        def _():
            pltpu.sync_copy(src_h.at[pl.ds(start, nmax)], idx_v)

            def body(i, carry):
                pltpu.sync_copy(ones_v, acc_s.at[idx_v.at[i]], add=True)
                return carry

            lax.fori_loop(0, cnt, body, 0)

        @pl.when(c == 1)
        def _():
            pltpu.sync_copy(dst_h.at[pl.ds(start, nmax)], idx_v)

            def body(i, carry):
                pltpu.sync_copy(ones_v, acc_s.at[idx_v.at[i]], add=True)
                return carry

            lax.fori_loop(0, cnt, body, 0)

        plsc.subcore_barrier()
        pltpu.sync_copy(acc_s.at[pl.ds(s * rpt, rpt)], stage_v)

        @pl.when(c == 0)
        def _():
            pltpu.sync_copy(stage_v, dout_h.at[pl.ds(s * rpt, rpt)])

        @pl.when(c == 1)
        def _():
            pltpu.sync_copy(stage_v, din_h.at[pl.ds(s * rpt, rpt)])

    return k


@functools.cache
def _prop_kernel(E_pad, N, P, D, rpt):
    mesh = plsc.VectorSubcoreMesh(core_axis_name="c", subcore_axis_name="s")
    per_worker = E_pad // (NC * NS)
    nch = per_worker // CH
    assert nch % 2 == 0 and nch >= 4

    @functools.partial(
        pl.kernel,
        out_type=(jax.ShapeDtypeStruct((P, D), jnp.float32),
                  jax.ShapeDtypeStruct((P, D), jnp.float32)),
        mesh=mesh,
        scratch_types=[
            pltpu.VMEM((nch // 2, CH), jnp.int32),
            pltpu.VMEM((nch // 2, CH), jnp.int32),
            pltpu.VMEM((CH, D), jnp.float32),
            pltpu.VMEM((CH, D), jnp.float32),
            pltpu.VMEM_SHARED((P, D), jnp.float32),
            pltpu.SemaphoreType.DMA,
            pltpu.SemaphoreType.DMA,
        ],
    )
    def k(src_h, dst_h, xs_h, o0_h, o1_h, src_v, dst_v, rows0_v, rows1_v,
          acc_s, gsem0, gsem1):
        c = lax.axis_index("c")
        s = lax.axis_index("s")
        rows = (rows0_v, rows1_v)
        gsems = (gsem0, gsem1)

        def zero_body(row, carry):
            for j in range(D // LANES):
                rows0_v[row, pl.ds(j * LANES, LANES)] = (
                    jnp.zeros((LANES,), jnp.float32))
            return carry

        lax.fori_loop(0, CH, zero_body, 0)
        for j in range(rpt // CH):
            pltpu.async_copy(rows0_v, acc_s.at[pl.ds(s * rpt + j * CH, CH)],
                             gsem0)
        for j in range(rpt // CH):
            pltpu.make_async_copy(
                rows0_v, acc_s.at[pl.ds(s * rpt + j * CH, CH)], gsem0).wait()
        plsc.subcore_barrier()

        w = c * NS + s
        nh = nch // 2
        for half in range(2):
            hbase = w * nch + half * nh
            pltpu.sync_copy(src_h.at[pl.ds(hbase, nh)], src_v)
            pltpu.sync_copy(dst_h.at[pl.ds(hbase, nh)], dst_v)
            pltpu.async_copy(xs_h.at[src_v.at[0]], rows0_v, gsem0)

            def pair_body(t, carry):
                for u in (0, 1):
                    i = 2 * t + u
                    pltpu.async_copy(xs_h.at[src_v.at[i + 1]], rows[1 - u],
                                     gsems[1 - u])
                    pltpu.make_async_copy(xs_h.at[src_v.at[i]], rows[u],
                                          gsems[u]).wait()
                    pltpu.sync_copy(rows[u], acc_s.at[dst_v.at[i]], add=True)
                return carry

            lax.fori_loop(0, (nh - 2) // 2, pair_body, 0)
            pltpu.async_copy(xs_h.at[src_v.at[nh - 1]], rows1_v, gsem1)
            pltpu.make_async_copy(xs_h.at[src_v.at[nh - 2]], rows0_v,
                                  gsem0).wait()
            pltpu.sync_copy(rows0_v, acc_s.at[dst_v.at[nh - 2]], add=True)
            pltpu.make_async_copy(xs_h.at[src_v.at[nh - 1]], rows1_v,
                                  gsem1).wait()
            pltpu.sync_copy(rows1_v, acc_s.at[dst_v.at[nh - 1]], add=True)
        plsc.subcore_barrier()
        ndr = rpt // CH
        for j in range(ndr):
            b = rows[j % 2]
            sl = pl.ds(s * rpt + j * CH, CH)
            if j >= 2:
                psl = pl.ds(s * rpt + (j - 2) * CH, CH)

                @pl.when(c == 0)
                def _():
                    pltpu.make_async_copy(rows[j % 2], o0_h.at[psl],
                                          gsems[j % 2]).wait()

                @pl.when(c == 1)
                def _():
                    pltpu.make_async_copy(rows[j % 2], o1_h.at[psl],
                                          gsems[j % 2]).wait()

            pltpu.sync_copy(acc_s.at[sl], b)

            @pl.when(c == 0)
            def _():
                pltpu.async_copy(b, o0_h.at[sl], gsems[j % 2])

            @pl.when(c == 1)
            def _():
                pltpu.async_copy(b, o1_h.at[sl], gsems[j % 2])

        for j in range(max(ndr - 2, 0), ndr):
            sl = pl.ds(s * rpt + j * CH, CH)

            @pl.when(c == 0)
            def _():
                pltpu.make_async_copy(rows[j % 2], o0_h.at[sl],
                                      gsems[j % 2]).wait()

            @pl.when(c == 1)
            def _():
                pltpu.make_async_copy(rows[j % 2], o1_h.at[sl],
                                      gsems[j % 2]).wait()

    return k


@functools.cache
def _pre_kernel(P, D, br):
    def body(f_ref, do_ref, di_ref, xs_ref, rin_ref, rout_ref):
        r_o = lax.rsqrt(jnp.maximum(do_ref[...], 1.0))
        r_i = lax.rsqrt(jnp.maximum(di_ref[...], 1.0))
        xs_ref[...] = f_ref[...] * r_o
        rin_ref[...] = r_i
        rout_ref[...] = r_o

    rb = pl.BlockSpec((br, D), lambda i: (i, 0))
    cb = pl.BlockSpec((br, 1), lambda i: (i, 0))
    return pl.pallas_call(
        body,
        grid=(P // br,),
        in_specs=[rb, cb, cb],
        out_specs=[rb, cb, cb],
        out_shape=[jax.ShapeDtypeStruct((P, D), jnp.float32),
                   jax.ShapeDtypeStruct((P, 1), jnp.float32),
                   jax.ShapeDtypeStruct((P, 1), jnp.float32)],
    )


@functools.cache
def _mid_kernel(P, D, H, br):
    def body(p0_ref, p1_ref, rin_ref, rout_ref, w1_ref, b1_ref, w2_ref,
             out_ref):
        g = (p0_ref[...] + p1_ref[...]) * rin_ref[...]
        y = jnp.where(g > 0, g, jnp.exp(g) - 1.0)
        w1e = w1_ref[0:D, :] + w1_ref[D:2 * D, :]
        h = jnp.dot(y, w1e, preferred_element_type=jnp.float32) + b1_ref[...]
        z = jnp.dot(h, w2_ref[...], preferred_element_type=jnp.float32)
        out_ref[...] = z * rout_ref[...]

    rb = pl.BlockSpec((br, D), lambda i: (i, 0))
    cb = pl.BlockSpec((br, 1), lambda i: (i, 0))
    return pl.pallas_call(
        body,
        grid=(P // br,),
        in_specs=[rb, rb, cb, cb,
                  pl.BlockSpec((2 * D, 2 * H), lambda i: (0, 0)),
                  pl.BlockSpec((1, 2 * H), lambda i: (0, 0)),
                  pl.BlockSpec((2 * H, D), lambda i: (0, 0))],
        out_specs=rb,
        out_shape=jax.ShapeDtypeStruct((P, D), jnp.float32),
    )


@functools.cache
def _fin_kernel(P, D, br):
    def body(q0_ref, q1_ref, rin_ref, b2_ref, out_ref):
        out_ref[...] = ((q0_ref[...] + q1_ref[...]) * rin_ref[...]
                        + b2_ref[...])

    rb = pl.BlockSpec((br, D), lambda i: (i, 0))
    cb = pl.BlockSpec((br, 1), lambda i: (i, 0))
    return pl.pallas_call(
        body,
        grid=(P // br,),
        in_specs=[rb, rb, cb, pl.BlockSpec((1, D), lambda i: (0, 0))],
        out_specs=rb,
        out_shape=jax.ShapeDtypeStruct((P, D), jnp.float32),
    )


def kernel(feature, edge_index, W1, b1, W2, b2):
    N, D = feature.shape
    E = edge_index.shape[1]
    H = W2.shape[0] // 2

    rpt = _cdiv(N + 1, NS * CH) * CH
    P = NS * rpt
    E_pad = _cdiv(E, 2 * NC * NS * CH) * (2 * NC * NS * CH)
    br = rpt

    npad = E_pad - E
    pad_idx = jnp.asarray(N + np.arange(npad, dtype=np.int32) % (P - N))
    src_p = jnp.concatenate([edge_index[0], pad_idx]).reshape(E_pad // CH, CH)
    dst_p = jnp.concatenate([edge_index[1], pad_idx]).reshape(E_pad // CH, CH)
    feature_p = jnp.pad(feature, ((0, P - N), (0, 0)))

    d_out, d_in = _deg_kernel(E, E_pad, P, rpt)(src_p, dst_p)
    xs, r_in, r_out = _pre_kernel(P, D, br)(
        feature_p, d_out.reshape(P, 1), d_in.reshape(P, 1))
    p0, p1 = _prop_kernel(E_pad, N, P, D, rpt)(src_p, dst_p, xs)
    zs = _mid_kernel(P, D, H, br)(p0, p1, r_in, r_out, W1,
                                  b1.reshape(1, 2 * H), W2)
    q0, q1 = _prop_kernel(E_pad, N, P, D, rpt)(src_p, dst_p, zs)
    out = _fin_kernel(P, D, br)(q0, q1, r_in, b2.reshape(1, D))
    return out[:N]

# --- scband reference (transcript-rebuilt; emitter-appended) ---
"""Pipeline reference for scband-gcnnet-directed-67336497266904 (READ-ONLY COPY).

The authoritative reference and input builder live on the scoring server;
editing this copy changes nothing except your own understanding.
"""

import jax, jax.numpy as jnp
import numpy as np


def directed_gcn(x, edge_index):
    # Parameter-free directed GCN propagation:
    # out[dst] = sum_{(src,dst) in E} x[src] / sqrt(deg_out[src] * deg_in[dst])
    src = edge_index[0]
    dst = edge_index[1]
    n = x.shape[0]
    ones = jnp.ones(src.shape, x.dtype)
    deg_out = jnp.zeros((n,), x.dtype).at[src].add(ones)
    deg_in = jnp.zeros((n,), x.dtype).at[dst].add(ones)
    deg_out = jnp.maximum(deg_out, 1.0)
    deg_in = jnp.maximum(deg_in, 1.0)
    norm = jax.lax.rsqrt(deg_out)[src] * jax.lax.rsqrt(deg_in)[dst]
    msg = x[src] * norm[:, None]
    return jnp.zeros_like(x).at[dst].add(msg)


def setup_inputs(seed: int = 0):
    key = jax.random.key(seed)
    k1, k2, k3, k4 = jax.random.split(key, 4)
    N = 10000
    E = 320000
    d_in = 128
    hidden = 512
    d_out = 128
    feature = jax.random.normal(k1, (N, d_in), dtype=jnp.float32)
    edge_index = jax.random.randint(k2, (2, E), 0, N, dtype=jnp.int32)
    # linear1: (input_size*2) -> (hidden_size*2)
    W1 = jax.random.normal(k3, (2 * d_in, 2 * hidden), dtype=jnp.float32) * (1.0 / np.sqrt(2 * d_in))
    b1 = jnp.zeros((2 * hidden,), dtype=jnp.float32)
    # linear2: (hidden_size*2) -> output_size
    W2 = jax.random.normal(k4, (2 * hidden, d_out), dtype=jnp.float32) * (1.0 / np.sqrt(2 * hidden))
    b2 = jnp.zeros((d_out,), dtype=jnp.float32)
    return {"feature": feature, "edge_index": edge_index, "W1": W1, "b1": b1, "W2": W2, "b2": b2}


def reference(feature, edge_index, W1, b1, W2, b2):
    # dropout is identity in eval mode
    x = feature
    x = jnp.concatenate([x, x], axis=1)
    x = directed_gcn(x, edge_index)
    x = jax.nn.elu(x)
    x = x @ W1 + b1
    # dropout identity
    x = directed_gcn(x, edge_index)
    x = x @ W2 + b2
    return x

if __name__ == "__main__":
    import jax
    _d = setup_inputs()
    print(jax.jit(kernel)(*tuple(_d.values())))

</pallas_src>

<mosaic_0001>
#map = affine_map<(d0, d1) -> (0, 0)>
#map1 = affine_map<(d0, d1) -> (0)>
module attributes {stable_mosaic.version = 14 : i64} {
  func.func @k(%arg0: i32, %arg1: i32, %arg2: memref<2560x128xi32, #tpu.memory_space<hbm>>, %arg3: memref<2560x128xi32, #tpu.memory_space<hbm>>, %arg4: memref<10240xf32, #tpu.memory_space<hbm>>, %arg5: memref<10240xf32, #tpu.memory_space<hbm>>, %arg6: memref<160x128xi32, #tpu.memory_space<vmem>>, %arg7: memref<128xf32, #tpu.memory_space<vmem>>, %arg8: memref<640xf32, #tpu.memory_space<vmem>>, %arg9: memref<10240xf32, #tpu.memory_space<vmem_shared>>) attributes {dimension_semantics = [#tpu.dimension_semantics<core_parallel>, #tpu.dimension_semantics<subcore_parallel>], iteration_bounds = array<i64: 2, 16>, scalar_prefetch = 0 : i64, scratch_operands = 4 : i64, tpu.core_type = #tpu.core_type<sc_vector_subcore>, window_params = [{transform_indices = #map}, {transform_indices = #map}, {transform_indices = #map1}, {transform_indices = #map1}]} {
    %broadcast_in_dim3A = arith.constant 1.000000e+00 : f32
    %broadcast_in_dim3A_0 = vector.broadcast %broadcast_in_dim3A : f32 to vector<16xf32>
    %swap3A = arith.constant 0 : index
    %swap3A_1 = tpu.vector_load %arg7[%swap3A] {strides = array<i32>} : memref<128xf32, #tpu.memory_space<vmem>>, vector<16xf32>,
    %swap3A_2 = vector.shape_cast %swap3A_1 : vector<16xf32> to vector<16xf32>
    %swap3A_3 = vector.shape_cast %broadcast_in_dim3A_0 : vector<16xf32> to vector<16xf32>
    tpu.vector_store %arg7[%swap3A], %swap3A_3 {strides = array<i32>} : memref<128xf32, #tpu.memory_space<vmem>>, vector<16xf32>,
    %broadcast_in_dim3A_4 = arith.constant 1.000000e+00 : f32
    %broadcast_in_dim3A_5 = vector.broadcast %broadcast_in_dim3A_4 : f32 to vector<16xf32>
    %swap3A_6 = arith.constant 16 : index
    %swap3A_7 = tpu.vector_load %arg7[%swap3A_6] {strides = array<i32>} : memref<128xf32, #tpu.memory_space<vmem>>, vector<16xf32>,
    %swap3A_8 = vector.shape_cast %swap3A_7 : vector<16xf32> to vector<16xf32>
    %swap3A_9 = vector.shape_cast %broadcast_in_dim3A_5 : vector<16xf32> to vector<16xf32>
    tpu.vector_store %arg7[%swap3A_6], %swap3A_9 {strides = array<i32>} : memref<128xf32, #tpu.memory_space<vmem>>, vector<16xf32>,
    %broadcast_in_dim3A_10 = arith.constant 1.000000e+00 : f32
    %broadcast_in_dim3A_11 = vector.broadcast %broadcast_in_dim3A_10 : f32 to vector<16xf32>
    %swap3A_12 = arith.constant 32 : index
    %swap3A_13 = tpu.vector_load %arg7[%swap3A_12] {strides = array<i32>} : memref<128xf32, #tpu.memory_space<vmem>>, vector<16xf32>,
    %swap3A_14 = vector.shape_cast %swap3A_13 : vector<16xf32> to vector<16xf32>
    %swap3A_15 = vector.shape_cast %broadcast_in_dim3A_11 : vector<16xf32> to vector<16xf32>
    tpu.vector_store %arg7[%swap3A_12], %swap3A_15 {strides = array<i32>} : memref<128xf32, #tpu.memory_space<vmem>>, vector<16xf32>,
    %broadcast_in_dim3A_16 = arith.constant 1.000000e+00 : f32
    %broadcast_in_dim3A_17 = vector.broadcast %broadcast_in_dim3A_16 : f32 to vector<16xf32>
    %swap3A_18 = arith.constant 48 : index
    %swap3A_19 = tpu.vector_load %arg7[%swap3A_18] {strides = array<i32>} : memref<128xf32, #tpu.memory_space<vmem>>, vector<16xf32>,
    %swap3A_20 = vector.shape_cast %swap3A_19 : vector<16xf32> to vector<16xf32>
    %swap3A_21 = vector.shape_cast %broadcast_in_dim3A_17 : vector<16xf32> to vector<16xf32>
    tpu.vector_store %arg7[%swap3A_18], %swap3A_21 {strides = array<i32>} : memref<128xf32, #tpu.memory_space<vmem>>, vector<16xf32>,
    %broadcast_in_dim3A_22 = arith.constant 1.000000e+00 : f32
    %broadcast_in_dim3A_23 = vector.broadcast %broadcast_in_dim3A_22 : f32 to vector<16xf32>
    %swap3A_24 = arith.constant 64 : index
    %swap3A_25 = tpu.vector_load %arg7[%swap3A_24] {strides = array<i32>} : memref<128xf32, #tpu.memory_space<vmem>>, vector<16xf32>,
    %swap3A_26 = vector.shape_cast %swap3A_25 : vector<16xf32> to vector<16xf32>
    %swap3A_27 = vector.shape_cast %broadcast_in_dim3A_23 : vector<16xf32> to vector<16xf32>
    tpu.vector_store %arg7[%swap3A_24], %swap3A_27 {strides = array<i32>} : memref<128xf32, #tpu.memory_space<vmem>>, vector<16xf32>,
    %broadcast_in_dim3A_28 = arith.constant 1.000000e+00 : f32
    %broadcast_in_dim3A_29 = vector.broadcast %broadcast_in_dim3A_28 : f32 to vector<16xf32>
    %swap3A_30 = arith.constant 80 : index
    %swap3A_31 = tpu.vector_load %arg7[%swap3A_30] {strides = array<i32>} : memref<128xf32, #tpu.memory_space<vmem>>, vector<16xf32>,
    %swap3A_32 = vector.shape_cast %swap3A_31 : vector<16xf32> to vector<16xf32>
    %swap3A_33 = vector.shape_cast %broadcast_in_dim3A_29 : vector<16xf32> to vector<16xf32>
    tpu.vector_store %arg7[%swap3A_30], %swap3A_33 {strides = array<i32>} : memref<128xf32, #tpu.memory_space<vmem>>, vector<16xf32>,
    %broadcast_in_dim3A_34 = arith.constant 1.000000e+00 : f32
    %broadcast_in_dim3A_35 = vector.broadcast %broadcast_in_dim3A_34 : f32 to vector<16xf32>
    %swap3A_36 = arith.constant 96 : index
    %swap3A_37 = tpu.vector_load %arg7[%swap3A_36] {strides = array<i32>} : memref<128xf32, #tpu.memory_space<vmem>>, vector<16xf32>,
    %swap3A_38 = vector.shape_cast %swap3A_37 : vector<16xf32> to vector<16xf32>
    %swap3A_39 = vector.shape_cast %broadcast_in_dim3A_35 : vector<16xf32> to vector<16xf32>
    tpu.vector_store %arg7[%swap3A_36], %swap3A_39 {strides = array<i32>} : memref<128xf32, #tpu.memory_space<vmem>>, vector<16xf32>,
    %broadcast_in_dim3A_40 = arith.constant 1.000000e+00 : f32
    %broadcast_in_dim3A_41 = vector.broadcast %broadcast_in_dim3A_40 : f32 to vector<16xf32>
    %swap3A_42 = arith.constant 112 : index
    %swap3A_43 = tpu.vector_load %arg7[%swap3A_42] {strides = array<i32>} : memref<128xf32, #tpu.memory_space<vmem>>, vector<16xf32>,
    %swap3A_44 = vector.shape_cast %swap3A_43 : vector<16xf32> to vector<16xf32>
    %swap3A_45 = vector.shape_cast %broadcast_in_dim3A_41 : vector<16xf32> to vector<16xf32>
    tpu.vector_store %arg7[%swap3A_42], %swap3A_45 {strides = array<i32>} : memref<128xf32, #tpu.memory_space<vmem>>, vector<16xf32>,
    %scan3A = arith.constant 0 : i32
    %scan3A_46 = arith.constant 0 : i32
    %scan3A_47 = arith.constant 40 : i32
    %scan3A_48 = arith.addi %scan3A_46, %scan3A_47 : i32
    %scan3A_49 = arith.constant 1 : i32
    scf.for %scan3A_78 = %scan3A_46 to %scan3A_48 step %scan3A_49  : i32 {
      %broadcast_in_dim3A_79 = arith.constant 0.000000e+00 : f32
      %broadcast_in_dim3A_80 = vector.broadcast %broadcast_in_dim3A_79 : f32 to vector<16xf32>
      %mul3A_81 = arith.constant 16 : i32
      %mul3A_82 = arith.muli %scan3A_78, %mul3A_81 : i32
      %swap3A_83 = arith.index_cast %mul3A_82 : i32 to index
      %swap3A_84 = tpu.vector_load %arg8[%swap3A_83] {strides = array<i32>} : memref<640xf32, #tpu.memory_space<vmem>>, vector<16xf32>,
      %swap3A_85 = vector.shape_cast %swap3A_84 : vector<16xf32> to vector<16xf32>
      %swap3A_86 = vector.shape_cast %broadcast_in_dim3A_80 : vector<16xf32> to vector<16xf32>
      tpu.vector_store %arg8[%swap3A_83], %swap3A_86 {strides = array<i32>} : memref<640xf32, #tpu.memory_space<vmem>>, vector<16xf32>,
    }
    %scan3A_50 = arith.constant 40 : i32
    %mul3A = arith.constant 640 : i32
    %mul3A_51 = arith.muli %arg1, %mul3A : i32
    "tpu.region"() ({
      %run_scoped3A = tpu.sem_alloc : memref<!tpu.dma_semaphore, #tpu.memory_space<semaphore_mem>>
      %dma_start3A = tpu.memref_slice %arg9[%mul3A_51] : memref<10240xf32, #tpu.memory_space<vmem_shared>> -> memref<640xf32, #tpu.memory_space<vmem_shared>>
      %dma_start3A_78 = tpu.memref_slice %arg9[%mul3A_51] : memref<10240xf32, #tpu.memory_space<vmem_shared>> -> memref<640xf32, #tpu.memory_space<vmem_shared>>
      tpu.enqueue_dma source(%arg8 : memref<640xf32, #tpu.memory_space<vmem>>) target(%dma_start3A_78 : memref<640xf32, #tpu.memory_space<vmem_shared>>) target_semaphore(%run_scoped3A : memref<!tpu.dma_semaphore, #tpu.memory_space<semaphore_mem>>)
      %dma_wait3A = tpu.memref_slice %arg9[%mul3A_51] : memref<10240xf32, #tpu.memory_space<vmem_shared>> -> memref<640xf32, #tpu.memory_space<vmem_shared>>
      %dma_wait3A_79 = tpu.memref_slice %arg9[%mul3A_51] : memref<10240xf32, #tpu.memory_space<vmem_shared>> -> memref<640xf32, #tpu.memory_space<vmem_shared>>
      tpu.wait_dma2 semaphore(%run_scoped3A : memref<!tpu.dma_semaphore, #tpu.memory_space<semaphore_mem>>) src(%arg8 : memref<640xf32, #tpu.memory_space<vmem>>) dst(%dma_wait3A_79 : memref<640xf32, #tpu.memory_space<vmem_shared>>)
      tpu.yield
    }) : () -> ()
    %barrier3A = arith.constant 0 : index
    tpu.barrier barrier_id(%barrier3A)
    %mul3A_52 = arith.constant 160 : i32
    %mul3A_53 = arith.muli %arg1, %mul3A_52 : i32
    %mul3A_54 = arith.constant 160 : i32
    %mul3A_55 = arith.muli %arg1, %mul3A_54 : i32
    %sub3A = arith.constant 2500 : i32
    %sub3A_56 = arith.subi %sub3A, %mul3A_55 : i32
    %jit3A = arith.constant 0 : i32
    %jit3A_57 = arith.constant 160 : i32
    %max3A = arith.maxsi %jit3A, %sub3A_56 : i32
    %min3A = arith.minsi %jit3A_57, %max3A : i32
    %eq3A = arith.constant 0 : i32
    %eq3A_58 = arith.cmpi eq, %arg0, %eq3A : i32
    %convert_element_type3A = arith.extui %eq3A_58 : i1 to i32
    %cond3A = arith.constant 0 : i32
    %cond3A_59 = arith.cmpi ne, %convert_element_type3A, %cond3A : i32
    scf.if %cond3A_59 {
      "tpu.region"() ({
        %run_scoped3A = tpu.sem_alloc : memref<!tpu.dma_semaphore, #tpu.memory_space<semaphore_mem>>
        %dma_start3A = arith.constant 0 : i32
        %dma_start3A_87 = tpu.memref_slice %arg2[%mul3A_53, %dma_start3A] : memref<2560x128xi32, #tpu.memory_space<hbm>> -> memref<160x128xi32, #tpu.memory_space<hbm>>
        %dma_start3A_88 = arith.constant 0 : i32
        %dma_start3A_89 = tpu.memref_slice %arg2[%mul3A_53, %dma_start3A_88] : memref<2560x128xi32, #tpu.memory_space<hbm>> -> memref<160x128xi32, #tpu.memory_space<hbm>>
        tpu.enqueue_dma source(%dma_start3A_89 : memref<160x128xi32, #tpu.memory_space<hbm>>) target(%arg6 : memref<160x128xi32, #tpu.memory_space<vmem>>) target_semaphore(%run_scoped3A : memref<!tpu.dma_semaphore, #tpu.memory_space<semaphore_mem>>)
        %dma_wait3A = arith.constant 0 : i32
        %dma_wait3A_90 = tpu.memref_slice %arg2[%mul3A_53, %dma_wait3A] : memref<2560x128xi32, #tpu.memory_space<hbm>> -> memref<160x128xi32, #tpu.memory_space<hbm>>
        %dma_wait3A_91 = arith.constant 0 : i32
        %dma_wait3A_92 = tpu.memref_slice %arg2[%mul3A_53, %dma_wait3A_91] : memref<2560x128xi32, #tpu.memory_space<hbm>> -> memref<160x128xi32, #tpu.memory_space<hbm>>
        tpu.wait_dma2 semaphore(%run_scoped3A : memref<!tpu.dma_semaphore, #tpu.memory_space<semaphore_mem>>) src(%dma_wait3A_92 : memref<160x128xi32, #tpu.memory_space<hbm>>) dst(%arg6 : memref<160x128xi32, #tpu.memory_space<vmem>>)
        tpu.yield
      }) : () -> ()
      %while3A = arith.constant 0 : i32
      %while3A_78 = arith.constant 0 : i32
      %while3A_79 = arith.subi %min3A, %while3A_78 : i32
      %while3A_80 = arith.addi %while3A_78, %while3A_79 : i32
      %while3A_81 = arith.constant 1 : i32
      %while3A_82 = arith.divsi %while3A_79, %while3A_81 : i32
      %while3A_83 = arith.muli %while3A_82, %while3A_81 : i32
      %while3A_84 = arith.addi %while3A_78, %while3A_83 : i32
      %while3A_85 = arith.constant 1 : i32
      scf.for %while3A_87 = %while3A_78 to %while3A_84 step %while3A_85  : i32 {
        "tpu.region"() ({
          %run_scoped3A = tpu.sem_alloc : memref<!tpu.dma_semaphore, #tpu.memory_space<semaphore_mem>>
          %dma_start3A = arith.constant 0 : i32
          %dma_start3A_88 = tpu.memref_slice %arg6[%while3A_87, %dma_start3A] : memref<160x128xi32, #tpu.memory_space<vmem>> -> memref<1x128xi32, #tpu.memory_space<vmem>>
          %dma_start3A_89 = tpu.memref_squeeze %dma_start3A_88 : memref<1x128xi32, #tpu.memory_space<vmem>> -> memref<128xi32, #tpu.memory_space<vmem>>
          %dma_start3A_90 = arith.constant 0 : i32
          %dma_start3A_91 = tpu.memref_slice %arg9[%dma_start3A_90] : memref<10240xf32, #tpu.memory_space<vmem_shared>> -> memref<10240xf32, #tpu.memory_space<vmem_shared>>
          tpu.enqueue_indirect_dma source(%arg7 : memref<128xf32, #tpu.memory_space<vmem>>) target(%dma_start3A_91 : memref<10240xf32, #tpu.memory_space<vmem_shared>>) offsets(%dma_start3A_89 : memref<128xi32, #tpu.memory_space<vmem>>) semaphore(%run_scoped3A : memref<!tpu.dma_semaphore, #tpu.memory_space<semaphore_mem>>) {add = true}
          %dma_wait3A = arith.constant 0 : i32
          %dma_wait3A_92 = tpu.memref_slice %arg6[%while3A_87, %dma_wait3A] : memref<160x128xi32, #tpu.memory_space<vmem>> -> memref<1x128xi32, #tpu.memory_space<vmem>>
          %dma_wait3A_93 = tpu.memref_squeeze %dma_wait3A_92 : memref<1x128xi32, #tpu.memory_space<vmem>> -> memref<128xi32, #tpu.memory_space<vmem>>
          %dma_wait3A_94 = arith.constant 0 : i32
          %dma_wait3A_95 = tpu.memref_slice %arg9[%dma_wait3A_94] : memref<10240xf32, #tpu.memory_space<vmem_shared>> -> memref<10240xf32, #tpu.memory_space<vmem_shared>>
          tpu.wait_indirect_dma semaphore(%run_scoped3A : memref<!tpu.dma_semaphore, #tpu.memory_space<semaphore_mem>>) src(%arg7 : memref<128xf32, #tpu.memory_space<vmem>>) dst(%dma_wait3A_95 : memref<10240xf32, #tpu.memory_space<vmem_shared>>)
          tpu.yield
        }) : () -> ()
      }
      %while3A_86 = arith.constant 1 : i32
      scf.for %while3A_87 = %while3A_84 to %while3A_80 step %while3A_86  : i32 {
        "tpu.region"() ({
          %run_scoped3A = tpu.sem_alloc : memref<!tpu.dma_semaphore, #tpu.memory_space<semaphore_mem>>
          %dma_start3A = arith.constant 0 : i32
          %dma_start3A_88 = tpu.memref_slice %arg6[%while3A_87, %dma_start3A] : memref<160x128xi32, #tpu.memory_space<vmem>> -> memref<1x128xi32, #tpu.memory_space<vmem>>
          %dma_start3A_89 = tpu.memref_squeeze %dma_start3A_88 : memref<1x128xi32, #tpu.memory_space<vmem>> -> memref<128xi32, #tpu.memory_space<vmem>>
          %dma_start3A_90 = arith.constant 0 : i32
          %dma_start3A_91 = tpu.memref_slice %arg9[%dma_start3A_90] : memref<10240xf32, #tpu.memory_space<vmem_shared>> -> memref<10240xf32, #tpu.memory_space<vmem_shared>>
          tpu.enqueue_indirect_dma source(%arg7 : memref<128xf32, #tpu.memory_space<vmem>>) target(%dma_start3A_91 : memref<10240xf32, #tpu.memory_space<vmem_shared>>) offsets(%dma_start3A_89 : memref<128xi32, #tpu.memory_space<vmem>>) semaphore(%run_scoped3A : memref<!tpu.dma_semaphore, #tpu.memory_space<semaphore_mem>>) {add = true}
          %dma_wait3A = arith.constant 0 : i32
          %dma_wait3A_92 = tpu.memref_slice %arg6[%while3A_87, %dma_wait3A] : memref<160x128xi32, #tpu.memory_space<vmem>> -> memref<1x128xi32, #tpu.memory_space<vmem>>
          %dma_wait3A_93 = tpu.memref_squeeze %dma_wait3A_92 : memref<1x128xi32, #tpu.memory_space<vmem>> -> memref<128xi32, #tpu.memory_space<vmem>>
          %dma_wait3A_94 = arith.constant 0 : i32
          %dma_wait3A_95 = tpu.memref_slice %arg9[%dma_wait3A_94] : memref<10240xf32, #tpu.memory_space<vmem_shared>> -> memref<10240xf32, #tpu.memory_space<vmem_shared>>
          tpu.wait_indirect_dma semaphore(%run_scoped3A : memref<!tpu.dma_semaphore, #tpu.memory_space<semaphore_mem>>) src(%arg7 : memref<128xf32, #tpu.memory_space<vmem>>) dst(%dma_wait3A_95 : memref<10240xf32, #tpu.memory_space<vmem_shared>>)
          tpu.yield
        }) : () -> ()
      }
    } else {
    }
    %eq3A_60 = arith.constant 1 : i32
    %eq3A_61 = arith.cmpi eq, %arg0, %eq3A_60 : i32
    %convert_element_type3A_62 = arith.extui %eq3A_61 : i1 to i32
    %cond3A_63 = arith.constant 0 : i32
    %cond3A_64 = arith.cmpi ne, %convert_element_type3A_62, %cond3A_63 : i32
    scf.if %cond3A_64 {
      "tpu.region"() ({
        %run_scoped3A = tpu.sem_alloc : memref<!tpu.dma_semaphore, #tpu.memory_space<semaphore_mem>>
        %dma_start3A = arith.constant 0 : i32
        %dma_start3A_87 = tpu.memref_slice %arg3[%mul3A_53, %dma_start3A] : memref<2560x128xi32, #tpu.memory_space<hbm>> -> memref<160x128xi32, #tpu.memory_space<hbm>>
        %dma_start3A_88 = arith.constant 0 : i32
        %dma_start3A_89 = tpu.memref_slice %arg3[%mul3A_53, %dma_start3A_88] : memref<2560x128xi32, #tpu.memory_space<hbm>> -> memref<160x128xi32, #tpu.memory_space<hbm>>
        tpu.enqueue_dma source(%dma_start3A_89 : memref<160x128xi32, #tpu.memory_space<hbm>>) target(%arg6 : memref<160x128xi32, #tpu.memory_space<vmem>>) target_semaphore(%run_scoped3A : memref<!tpu.dma_semaphore, #tpu.memory_space<semaphore_mem>>)
        %dma_wait3A = arith.constant 0 : i32
        %dma_wait3A_90 = tpu.memref_slice %arg3[%mul3A_53, %dma_wait3A] : memref<2560x128xi32, #tpu.memory_space<hbm>> -> memref<160x128xi32, #tpu.memory_space<hbm>>
        %dma_wait3A_91 = arith.constant 0 : i32
        %dma_wait3A_92 = tpu.memref_slice %arg3[%mul3A_53, %dma_wait3A_91] : memref<2560x128xi32, #tpu.memory_space<hbm>> -> memref<160x128xi32, #tpu.memory_space<hbm>>
        tpu.wait_dma2 semaphore(%run_scoped3A : memref<!tpu.dma_semaphore, #tpu.memory_space<semaphore_mem>>) src(%dma_wait3A_92 : memref<160x128xi32, #tpu.memory_space<hbm>>) dst(%arg6 : memref<160x128xi32, #tpu.memory_space<vmem>>)
        tpu.yield
      }) : () -> ()
      %while3A = arith.constant 0 : i32
      %while3A_78 = arith.constant 0 : i32
      %while3A_79 = arith.subi %min3A, %while3A_78 : i32
      %while3A_80 = arith.addi %while3A_78, %while3A_79 : i32
      %while3A_81 = arith.constant 1 : i32
      %while3A_82 = arith.divsi %while3A_79, %while3A_81 : i32
      %while3A_83 = arith.muli %while3A_82, %while3A_81 : i32
      %while3A_84 = arith.addi %while3A_78, %while3A_83 : i32
      %while3A_85 = arith.constant 1 : i32
      scf.for %while3A_87 = %while3A_78 to %while3A_84 step %while3A_85  : i32 {
        "tpu.region"() ({
          %run_scoped3A = tpu.sem_alloc : memref<!tpu.dma_semaphore, #tpu.memory_space<semaphore_mem>>
          %dma_start3A = arith.constant 0 : i32
          %dma_start3A_88 = tpu.memref_slice %arg6[%while3A_87, %dma_start3A] : memref<160x128xi32, #tpu.memory_space<vmem>> -> memref<1x128xi32, #tpu.memory_space<vmem>>
          %dma_start3A_89 = tpu.memref_squeeze %dma_start3A_88 : memref<1x128xi32, #tpu.memory_space<vmem>> -> memref<128xi32, #tpu.memory_space<vmem>>
          %dma_start3A_90 = arith.constant 0 : i32
          %dma_start3A_91 = tpu.memref_slice %arg9[%dma_start3A_90] : memref<10240xf32, #tpu.memory_space<vmem_shared>> -> memref<10240xf32, #tpu.memory_space<vmem_shared>>
          tpu.enqueue_indirect_dma source(%arg7 : memref<128xf32, #tpu.memory_space<vmem>>) target(%dma_start3A_91 : memref<10240xf32, #tpu.memory_space<vmem_shared>>) offsets(%dma_start3A_89 : memref<128xi32, #tpu.memory_space<vmem>>) semaphore(%run_scoped3A : memref<!tpu.dma_semaphore, #tpu.memory_space<semaphore_mem>>) {add = true}
          %dma_wait3A = arith.constant 0 : i32
          %dma_wait3A_92 = tpu.memref_slice %arg6[%while3A_87, %dma_wait3A] : memref<160x128xi32, #tpu.memory_space<vmem>> -> memref<1x128xi32, #tpu.memory_space<vmem>>
          %dma_wait3A_93 = tpu.memref_squeeze %dma_wait3A_92 : memref<1x128xi32, #tpu.memory_space<vmem>> -> memref<128xi32, #tpu.memory_space<vmem>>
          %dma_wait3A_94 = arith.constant 0 : i32
          %dma_wait3A_95 = tpu.memref_slice %arg9[%dma_wait3A_94] : memref<10240xf32, #tpu.memory_space<vmem_shared>> -> memref<10240xf32, #tpu.memory_space<vmem_shared>>
          tpu.wait_indirect_dma semaphore(%run_scoped3A : memref<!tpu.dma_semaphore, #tpu.memory_space<semaphore_mem>>) src(%arg7 : memref<128xf32, #tpu.memory_space<vmem>>) dst(%dma_wait3A_95 : memref<10240xf32, #tpu.memory_space<vmem_shared>>)
          tpu.yield
        }) : () -> ()
      }
      %while3A_86 = arith.constant 1 : i32
      scf.for %while3A_87 = %while3A_84 to %while3A_80 step %while3A_86  : i32 {
        "tpu.region"() ({
          %run_scoped3A = tpu.sem_alloc : memref<!tpu.dma_semaphore, #tpu.memory_space<semaphore_mem>>
          %dma_start3A = arith.constant 0 : i32
          %dma_start3A_88 = tpu.memref_slice %arg6[%while3A_87, %dma_start3A] : memref<160x128xi32, #tpu.memory_space<vmem>> -> memref<1x128xi32, #tpu.memory_space<vmem>>
          %dma_start3A_89 = tpu.memref_squeeze %dma_start3A_88 : memref<1x128xi32, #tpu.memory_space<vmem>> -> memref<128xi32, #tpu.memory_space<vmem>>
          %dma_start3A_90 = arith.constant 0 : i32
          %dma_start3A_91 = tpu.memref_slice %arg9[%dma_start3A_90] : memref<10240xf32, #tpu.memory_space<vmem_shared>> -> memref<10240xf32, #tpu.memory_space<vmem_shared>>
          tpu.enqueue_indirect_dma source(%arg7 : memref<128xf32, #tpu.memory_space<vmem>>) target(%dma_start3A_91 : memref<10240xf32, #tpu.memory_space<vmem_shared>>) offsets(%dma_start3A_89 : memref<128xi32, #tpu.memory_space<vmem>>) semaphore(%run_scoped3A : memref<!tpu.dma_semaphore, #tpu.memory_space<semaphore_mem>>) {add = true}
          %dma_wait3A = arith.constant 0 : i32
          %dma_wait3A_92 = tpu.memref_slice %arg6[%while3A_87, %dma_wait3A] : memref<160x128xi32, #tpu.memory_space<vmem>> -> memref<1x128xi32, #tpu.memory_space<vmem>>
          %dma_wait3A_93 = tpu.memref_squeeze %dma_wait3A_92 : memref<1x128xi32, #tpu.memory_space<vmem>> -> memref<128xi32, #tpu.memory_space<vmem>>
          %dma_wait3A_94 = arith.constant 0 : i32
          %dma_wait3A_95 = tpu.memref_slice %arg9[%dma_wait3A_94] : memref<10240xf32, #tpu.memory_space<vmem_shared>> -> memref<10240xf32, #tpu.memory_space<vmem_shared>>
          tpu.wait_indirect_dma semaphore(%run_scoped3A : memref<!tpu.dma_semaphore, #tpu.memory_space<semaphore_mem>>) src(%arg7 : memref<128xf32, #tpu.memory_space<vmem>>) dst(%dma_wait3A_95 : memref<10240xf32, #tpu.memory_space<vmem_shared>>)
          tpu.yield
        }) : () -> ()
      }
    } else {
    }
    %barrier3A_65 = arith.constant 0 : index
    tpu.barrier barrier_id(%barrier3A_65)
    %mul3A_66 = arith.constant 640 : i32
    %mul3A_67 = arith.muli %arg1, %mul3A_66 : i32
    "tpu.region"() ({
      %run_scoped3A = tpu.sem_alloc : memref<!tpu.dma_semaphore, #tpu.memory_space<semaphore_mem>>
      %dma_start3A = tpu.memref_slice %arg9[%mul3A_67] : memref<10240xf32, #tpu.memory_space<vmem_shared>> -> memref<640xf32, #tpu.memory_space<vmem_shared>>
      %dma_start3A_78 = tpu.memref_slice %arg9[%mul3A_67] : memref<10240xf32, #tpu.memory_space<vmem_shared>> -> memref<640xf32, #tpu.memory_space<vmem_shared>>
      tpu.enqueue_dma source(%dma_start3A_78 : memref<640xf32, #tpu.memory_space<vmem_shared>>) target(%arg8 : memref<640xf32, #tpu.memory_space<vmem>>) target_semaphore(%run_scoped3A : memref<!tpu.dma_semaphore, #tpu.memory_space<semaphore_mem>>)
      %dma_wait3A = tpu.memref_slice %arg9[%mul3A_67] : memref<10240xf32, #tpu.memory_space<vmem_shared>> -> memref<640xf32, #tpu.memory_space<vmem_shared>>
      %dma_wait3A_79 = tpu.memref_slice %arg9[%mul3A_67] : memref<10240xf32, #tpu.memory_space<vmem_shared>> -> memref<640xf32, #tpu.memory_space<vmem_shared>>
      tpu.wait_dma2 semaphore(%run_scoped3A : memref<!tpu.dma_semaphore, #tpu.memory_space<semaphore_mem>>) src(%dma_wait3A_79 : memref<640xf32, #tpu.memory_space<vmem_shared>>) dst(%arg8 : memref<640xf32, #tpu.memory_space<vmem>>)
      tpu.yield
    }) : () -> ()
    %eq3A_68 = arith.constant 0 : i32
    %eq3A_69 = arith.cmpi eq, %arg0, %eq3A_68 : i32
    %convert_element_type3A_70 = arith.extui %eq3A_69 : i1 to i32
    %cond3A_71 = arith.constant 0 : i32
    %cond3A_72 = arith.cmpi ne, %convert_element_type3A_70, %cond3A_71 : i32
    scf.if %cond3A_72 {
      %mul3A_78 = arith.constant 640 : i32
      %mul3A_79 = arith.muli %arg1, %mul3A_78 : i32
      "tpu.region"() ({
        %run_scoped3A = tpu.sem_alloc : memref<!tpu.dma_semaphore, #tpu.memory_space<semaphore_mem>>
        %dma_start3A = tpu.memref_slice %arg4[%mul3A_79] : memref<10240xf32, #tpu.memory_space<hbm>> -> memref<640xf32, #tpu.memory_space<hbm>>
        %dma_start3A_80 = tpu.memref_slice %arg4[%mul3A_79] : memref<10240xf32, #tpu.memory_space<hbm>> -> memref<640xf32, #tpu.memory_space<hbm>>
        tpu.enqueue_dma source(%arg8 : memref<640xf32, #tpu.memory_space<vmem>>) target(%dma_start3A_80 : memref<640xf32, #tpu.memory_space<hbm>>) target_semaphore(%run_scoped3A : memref<!tpu.dma_semaphore, #tpu.memory_space<semaphore_mem>>)
        %dma_wait3A = tpu.memref_slice %arg4[%mul3A_79] : memref<10240xf32, #tpu.memory_space<hbm>> -> memref<640xf32, #tpu.memory_space<hbm>>
        %dma_wait3A_81 = tpu.memref_slice %arg4[%mul3A_79] : memref<10240xf32, #tpu.memory_space<hbm>> -> memref<640xf32, #tpu.memory_space<hbm>>
        tpu.wait_dma2 semaphore(%run_scoped3A : memref<!tpu.dma_semaphore, #tpu.memory_space<semaphore_mem>>) src(%arg8 : memref<640xf32, #tpu.memory_space<vmem>>) dst(%dma_wait3A_81 : memref<640xf32, #tpu.memory_space<hbm>>)
        tpu.yield
      }) : () -> ()
    } else {
    }
    %eq3A_73 = arith.constant 1 : i32
    %eq3A_74 = arith.cmpi eq, %arg0, %eq3A_73 : i32
    %convert_element_type3A_75 = arith.extui %eq3A_74 : i1 to i32
    %cond3A_76 = arith.constant 0 : i32
    %cond3A_77 = arith.cmpi ne, %convert_element_type3A_75, %cond3A_76 : i32
    scf.if %cond3A_77 {
      %mul3A_78 = arith.constant 640 : i32
      %mul3A_79 = arith.muli %arg1, %mul3A_78 : i32
      "tpu.region"() ({
        %run_scoped3A = tpu.sem_alloc : memref<!tpu.dma_semaphore, #tpu.memory_space<semaphore_mem>>
        %dma_start3A = tpu.memref_slice %arg5[%mul3A_79] : memref<10240xf32, #tpu.memory_space<hbm>> -> memref<640xf32, #tpu.memory_space<hbm>>
        %dma_start3A_80 = tpu.memref_slice %arg5[%mul3A_79] : memref<10240xf32, #tpu.memory_space<hbm>> -> memref<640xf32, #tpu.memory_space<hbm>>
        tpu.enqueue_dma source(%arg8 : memref<640xf32, #tpu.memory_space<vmem>>) target(%dma_start3A_80 : memref<640xf32, #tpu.memory_space<hbm>>) target_semaphore(%run_scoped3A : memref<!tpu.dma_semaphore, #tpu.memory_space<semaphore_mem>>)
        %dma_wait3A = tpu.memref_slice %arg5[%mul3A_79] : memref<10240xf32, #tpu.memory_space<hbm>> -> memref<640xf32, #tpu.memory_space<hbm>>
        %dma_wait3A_81 = tpu.memref_slice %arg5[%mul3A_79] : memref<10240xf32, #tpu.memory_space<hbm>> -> memref<640xf32, #tpu.memory_space<hbm>>
        tpu.wait_dma2 semaphore(%run_scoped3A : memref<!tpu.dma_semaphore, #tpu.memory_space<semaphore_mem>>) src(%arg8 : memref<640xf32, #tpu.memory_space<vmem>>) dst(%dma_wait3A_81 : memref<640xf32, #tpu.memory_space<hbm>>)
        tpu.yield
      }) : () -> ()
    } else {
    }
    return
  }
}

#map = affine_map<(d0, d1) -> (0, 0)>
module attributes {stable_mosaic.version = 14 : i64} {
  func.func @k(%arg0: i32, %arg1: i32, %arg2: memref<2560x128xi32, #tpu.memory_space<hbm>>, %arg3: memref<2560x128xi32, #tpu.memory_space<hbm>>, %arg4: memref<10240x128xf32, #tpu.memory_space<hbm>>, %arg5: memref<10240x128xf32, #tpu.memory_space<hbm>>, %arg6: memref<10240x128xf32, #tpu.memory_space<hbm>>, %arg7: memref<40x128xi32, #tpu.memory_space<vmem>>, %arg8: memref<40x128xi32, #tpu.memory_space<vmem>>, %arg9: memref<128x128xf32, #tpu.memory_space<vmem>>, %arg10: memref<128x128xf32, #tpu.memory_space<vmem>>, %arg11: memref<10240x128xf32, #tpu.memory_space<vmem_shared>>, %arg12: memref<!tpu.dma_semaphore, #tpu.memory_space<semaphore_mem>>, %arg13: memref<!tpu.dma_semaphore, #tpu.memory_space<semaphore_mem>>) attributes {dimension_semantics = [#tpu.dimension_semantics<core_parallel>, #tpu.dimension_semantics<subcore_parallel>], iteration_bounds = array<i64: 2, 16>, scalar_prefetch = 0 : i64, scratch_operands = 7 : i64, tpu.core_type = #tpu.core_type<sc_vector_subcore>, window_params = [{transform_indices = #map}, {transform_indices = #map}, {transform_indices = #map}, {transform_indices = #map}, {transform_indices = #map}]} {
    %scan3A = arith.constant 0 : i32
    %scan3A_0 = arith.constant 0 : i32
    %scan3A_1 = arith.constant 128 : i32
    %scan3A_2 = arith.addi %scan3A_0, %scan3A_1 : i32
    %scan3A_3 = arith.constant 1 : i32
    scf.for %scan3A_301 = %scan3A_0 to %scan3A_2 step %scan3A_3  : i32 {
      %broadcast_in_dim3A = arith.constant 0.000000e+00 : f32
      %broadcast_in_dim3A_302 = vector.broadcast %broadcast_in_dim3A : f32 to vector<16xf32>
      %swap3A = arith.index_cast %scan3A_301 : i32 to index
      %swap3A_303 = arith.constant 0 : index
      %swap3A_304 = tpu.vector_load %arg9[%swap3A, %swap3A_303] {strides = array<i32>} : memref<128x128xf32, #tpu.memory_space<vmem>>, vector<1x16xf32>,
      %swap3A_305 = vector.shape_cast %swap3A_304 : vector<1x16xf32> to vector<16xf32>
      %swap3A_306 = vector.shape_cast %broadcast_in_dim3A_302 : vector<16xf32> to vector<1x16xf32>
      tpu.vector_store %arg9[%swap3A, %swap3A_303], %swap3A_306 {strides = array<i32>} : memref<128x128xf32, #tpu.memory_space<vmem>>, vector<1x16xf32>,
      %broadcast_in_dim3A_307 = arith.constant 0.000000e+00 : f32
      %broadcast_in_dim3A_308 = vector.broadcast %broadcast_in_dim3A_307 : f32 to vector<16xf32>
      %swap3A_309 = arith.index_cast %scan3A_301 : i32 to index
      %swap3A_310 = arith.constant 16 : index
      %swap3A_311 = tpu.vector_load %arg9[%swap3A_309, %swap3A_310] {strides = array<i32>} : memref<128x128xf32, #tpu.memory_space<vmem>>, vector<1x16xf32>,
      %swap3A_312 = vector.shape_cast %swap3A_311 : vector<1x16xf32> to vector<16xf32>
      %swap3A_313 = vector.shape_cast %broadcast_in_dim3A_308 : vector<16xf32> to vector<1x16xf32>
      tpu.vector_store %arg9[%swap3A_309, %swap3A_310], %swap3A_313 {strides = array<i32>} : memref<128x128xf32, #tpu.memory_space<vmem>>, vector<1x16xf32>,
      %broadcast_in_dim3A_314 = arith.constant 0.000000e+00 : f32
      %broadcast_in_dim3A_315 = vector.broadcast %broadcast_in_dim3A_314 : f32 to vector<16xf32>
      %swap3A_316 = arith.index_cast %scan3A_301 : i32 to index
      %swap3A_317 = arith.constant 32 : index
      %swap3A_318 = tpu.vector_load %arg9[%swap3A_316, %swap3A_317] {strides = array<i32>} : memref<128x128xf32, #tpu.memory_space<vmem>>, vector<1x16xf32>,
      %swap3A_319 = vector.shape_cast %swap3A_318 : vector<1x16xf32> to vector<16xf32>
      %swap3A_320 = vector.shape_cast %broadcast_in_dim3A_315 : vector<16xf32> to vector<1x16xf32>
      tpu.vector_store %arg9[%swap3A_316, %swap3A_317], %swap3A_320 {strides = array<i32>} : memref<128x128xf32, #tpu.memory_space<vmem>>, vector<1x16xf32>,
      %broadcast_in_dim3A_321 = arith.constant 0.000000e+00 : f32
      %broadcast_in_dim3A_322 = vector.broadcast %broadcast_in_dim3A_321 : f32 to vector<16xf32>
      %swap3A_323 = arith.index_cast %scan3A_301 : i32 to index
      %swap3A_324 = arith.constant 48 : index
      %swap3A_325 = tpu.vector_load %arg9[%swap3A_323, %swap3A_324] {strides = array<i32>} : memref<128x128xf32, #tpu.memory_space<vmem>>, vector<1x16xf32>,
      %swap3A_326 = vector.shape_cast %swap3A_325 : vector<1x16xf32> to vector<16xf32>
      %swap3A_327 = vector.shape_cast %broadcast_in_dim3A_322 : vector<16xf32> to vector<1x16xf32>
      tpu.vector_store %arg9[%swap3A_323, %swap3A_324], %swap3A_327 {strides = array<i32>} : memref<128x128xf32, #tpu.memory_space<vmem>>, vector<1x16xf32>,
      %broadcast_in_dim3A_328 = arith.constant 0.000000e+00 : f32
      %broadcast_in_dim3A_329 = vector.broadcast %broadcast_in_dim3A_328 : f32 to vector<16xf32>
      %swap3A_330 = arith.index_cast %scan3A_301 : i32 to index
      %swap3A_331 = arith.constant 64 : index
      %swap3A_332 = tpu.vector_load %arg9[%swap3A_330, %swap3A_331] {strides = array<i32>} : memref<128x128xf32, #tpu.memory_space<vmem>>, vector<1x16xf32>,
      %swap3A_333 = vector.shape_cast %swap3A_332 : vector<1x16xf32> to vector<16xf32>
      %swap3A_334 = vector.shape_cast %broadcast_in_dim3A_329 : vector<16xf32> to vector<1x16xf32>
      tpu.vector_store %arg9[%swap3A_330, %swap3A_331], %swap3A_334 {strides = array<i32>} : memref<128x128xf32, #tpu.memory_space<vmem>>, vector<1x16xf32>,
      %broadcast_in_dim3A_335 = arith.constant 0.000000e+00 : f32
      %broadcast_in_dim3A_336 = vector.broadcast %broadcast_in_dim3A_335 : f32 to vector<16xf32>
      %swap3A_337 = arith.index_cast %scan3A_301 : i32 to index
      %swap3A_338 = arith.constant 80 : index
      %swap3A_339 = tpu.vector_load %arg9[%swap3A_337, %swap3A_338] {strides = array<i32>} : memref<128x128xf32, #tpu.memory_space<vmem>>, vector<1x16xf32>,
      %swap3A_340 = vector.shape_cast %swap3A_339 : vector<1x16xf32> to vector<16xf32>
      %swap3A_341 = vector.shape_cast %broadcast_in_dim3A_336 : vector<16xf32> to vector<1x16xf32>
      tpu.vector_store %arg9[%swap3A_337, %swap3A_338], %swap3A_341 {strides = array<i32>} : memref<128x128xf32, #tpu.memory_space<vmem>>, vector<1x16xf32>,
      %broadcast_in_dim3A_342 = arith.constant 0.000000e+00 : f32
      %broadcast_in_dim3A_343 = vector.broadcast %broadcast_in_dim3A_342 : f32 to vector<16xf32>
      %swap3A_344 = arith.index_cast %scan3A_301 : i32 to index
      %swap3A_345 = arith.constant 96 : index
      %swap3A_346 = tpu.vector_load %arg9[%swap3A_344, %swap3A_345] {strides = array<i32>} : memref<128x128xf32, #tpu.memory_space<vmem>>, vector<1x16xf32>,
      %swap3A_347 = vector.shape_cast %swap3A_346 : vector<1x16xf32> to vector<16xf32>
      %swap3A_348 = vector.shape_cast %broadcast_in_dim3A_343 : vector<16xf32> to vector<1x16xf32>
      tpu.vector_store %arg9[%swap3A_344, %swap3A_345], %swap3A_348 {strides = array<i32>} : memref<128x128xf32, #tpu.memory_space<vmem>>, vector<1x16xf32>,
      %broadcast_in_dim3A_349 = arith.constant 0.000000e+00 : f32
      %broadcast_in_dim3A_350 = vector.broadcast %broadcast_in_dim3A_349 : f32 to vector<16xf32>
      %swap3A_351 = arith.index_cast %scan3A_301 : i32 to index
      %swap3A_352 = arith.constant 112 : index
      %swap3A_353 = tpu.vector_load %arg9[%swap3A_351, %swap3A_352] {strides = array<i32>} : memref<128x128xf32, #tpu.memory_space<vmem>>, vector<1x16xf32>,
      %swap3A_354 = vector.shape_cast %swap3A_353 : vector<1x16xf32> to vector<16xf32>
      %swap3A_355 = vector.shape_cast %broadcast_in_dim3A_350 : vector<16xf32> to vector<1x16xf32>
      tpu.vector_store %arg9[%swap3A_351, %swap3A_352], %swap3A_355 {strides = array<i32>} : memref<128x128xf32, #tpu.memory_space<vmem>>, vector<1x16xf32>,
    }
    %scan3A_4 = arith.constant 128 : i32
    %mul3A = arith.constant 640 : i32
    %mul3A_5 = arith.muli %arg1, %mul3A : i32
    %add3A = arith.constant 0 : i32
    %add3A_6 = arith.addi %mul3A_5, %add3A : i32
    %dma_start3A = arith.constant 0 : i32
    %dma_start3A_7 = tpu.memref_slice %arg11[%add3A_6, %dma_start3A] : memref<10240x128xf32, #tpu.memory_space<vmem_shared>> -> memref<128x128xf32, #tpu.memory_space<vmem_shared>>
    %dma_start3A_8 = arith.constant 0 : i32
    %dma_start3A_9 = tpu.memref_slice %arg11[%add3A_6, %dma_start3A_8] : memref<10240x128xf32, #tpu.memory_space<vmem_shared>> -> memref<128x128xf32, #tpu.memory_space<vmem_shared>>
    tpu.enqueue_dma source(%arg9 : memref<128x128xf32, #tpu.memory_space<vmem>>) target(%dma_start3A_9 : memref<128x128xf32, #tpu.memory_space<vmem_shared>>) target_semaphore(%arg12 : memref<!tpu.dma_semaphore, #tpu.memory_space<semaphore_mem>>)
    %mul3A_10 = arith.constant 640 : i32
    %mul3A_11 = arith.muli %arg1, %mul3A_10 : i32
    %add3A_12 = arith.constant 128 : i32
    %add3A_13 = arith.addi %mul3A_11, %add3A_12 : i32
    %dma_start3A_14 = arith.constant 0 : i32
    %dma_start3A_15 = tpu.memref_slice %arg11[%add3A_13, %dma_start3A_14] : memref<10240x128xf32, #tpu.memory_space<vmem_shared>> -> memref<128x128xf32, #tpu.memory_space<vmem_shared>>
    %dma_start3A_16 = arith.constant 0 : i32
    %dma_start3A_17 = tpu.memref_slice %arg11[%add3A_13, %dma_start3A_16] : memref<10240x128xf32, #tpu.memory_space<vmem_shared>> -> memref<128x128xf32, #tpu.memory_space<vmem_shared>>
    tpu.enqueue_dma source(%arg9 : memref<128x128xf32, #tpu.memory_space<vmem>>) target(%dma_start3A_17 : memref<128x128xf32, #tpu.memory_space<vmem_shared>>) target_semaphore(%arg12 : memref<!tpu.dma_semaphore, #tpu.memory_space<semaphore_mem>>)
    %mul3A_18 = arith.constant 640 : i32
    %mul3A_19 = arith.muli %arg1, %mul3A_18 : i32
    %add3A_20 = arith.constant 256 : i32
    %add3A_21 = arith.addi %mul3A_19, %add3A_20 : i32
    %dma_start3A_22 = arith.constant 0 : i32
    %dma_start3A_23 = tpu.memref_slice %arg11[%add3A_21, %dma_start3A_22] : memref<10240x128xf32, #tpu.memory_space<vmem_shared>> -> memref<128x128xf32, #tpu.memory_space<vmem_shared>>
    %dma_start3A_24 = arith.constant 0 : i32
    %dma_start3A_25 = tpu.memref_slice %arg11[%add3A_21, %dma_start3A_24] : memref<10240x128xf32, #tpu.memory_space<vmem_shared>> -> memref<128x128xf32, #tpu.memory_space<vmem_shared>>
    tpu.enqueue_dma source(%arg9 : memref<128x128xf32, #tpu.memory_space<vmem>>) target(%dma_start3A_25 : memref<128x128xf32, #tpu.memory_space<vmem_shared>>) target_semaphore(%arg12 : memref<!tpu.dma_semaphore, #tpu.memory_space<semaphore_mem>>)
    %mul3A_26 = arith.constant 640 : i32
    %mul3A_27 = arith.muli %arg1, %mul3A_26 : i32
    %add3A_28 = arith.constant 384 : i32
    %add3A_29 = arith.addi %mul3A_27, %add3A_28 : i32
    %dma_start3A_30 = arith.constant 0 : i32
    %dma_start3A_31 = tpu.memref_slice %arg11[%add3A_29, %dma_start3A_30] : memref<10240x128xf32, #tpu.memory_space<vmem_shared>> -> memref<128x128xf32, #tpu.memory_space<vmem_shared>>
    %dma_start3A_32 = arith.constant 0 : i32
    %dma_start3A_33 = tpu.memref_slice %arg11[%add3A_29, %dma_start3A_32] : memref<10240x128xf32, #tpu.memory_space<vmem_shared>> -> memref<128x128xf32, #tpu.memory_space<vmem_shared>>
    tpu.enqueue_dma source(%arg9 : memref<128x128xf32, #tpu.memory_space<vmem>>) target(%dma_start3A_33 : memref<128x128xf32, #tpu.memory_space<vmem_shared>>) target_semaphore(%arg12 : memref<!tpu.dma_semaphore, #tpu.memory_space<semaphore_mem>>)
    %mul3A_34 = arith.constant 640 : i32
    %mul3A_35 = arith.muli %arg1, %mul3A_34 : i32
    %add3A_36 = arith.constant 512 : i32
    %add3A_37 = arith.addi %mul3A_35, %add3A_36 : i32
    %dma_start3A_38 = arith.constant 0 : i32
    %dma_start3A_39 = tpu.memref_slice %arg11[%add3A_37, %dma_start3A_38] : memref<10240x128xf32, #tpu.memory_space<vmem_shared>> -> memref<128x128xf32, #tpu.memory_space<vmem_shared>>
    %dma_start3A_40 = arith.constant 0 : i32
    %dma_start3A_41 = tpu.memref_slice %arg11[%add3A_37, %dma_start3A_40] : memref<10240x128xf32, #tpu.memory_space<vmem_shared>> -> memref<128x128xf32, #tpu.memory_space<vmem_shared>>
    tpu.enqueue_dma source(%arg9 : memref<128x128xf32, #tpu.memory_space<vmem>>) target(%dma_start3A_41 : memref<128x128xf32, #tpu.memory_space<vmem_shared>>) target_semaphore(%arg12 : memref<!tpu.dma_semaphore, #tpu.memory_space<semaphore_mem>>)
    %mul3A_42 = arith.constant 640 : i32
    %mul3A_43 = arith.muli %arg1, %mul3A_42 : i32
    %add3A_44 = arith.constant 0 : i32
    %add3A_45 = arith.addi %mul3A_43, %add3A_44 : i32
    %dma_wait3A = arith.constant 0 : i32
    %dma_wait3A_46 = tpu.memref_slice %arg11[%add3A_45, %dma_wait3A] : memref<10240x128xf32, #tpu.memory_space<vmem_shared>> -> memref<128x128xf32, #tpu.memory_space<vmem_shared>>
    %dma_wait3A_47 = arith.constant 0 : i32
    %dma_wait3A_48 = tpu.memref_slice %arg11[%add3A_45, %dma_wait3A_47] : memref<10240x128xf32, #tpu.memory_space<vmem_shared>> -> memref<128x128xf32, #tpu.memory_space<vmem_shared>>
    tpu.wait_dma2 semaphore(%arg12 : memref<!tpu.dma_semaphore, #tpu.memory_space<semaphore_mem>>) src(%arg9 : memref<128x128xf32, #tpu.memory_space<vmem>>) dst(%dma_wait3A_48 : memref<128x128xf32, #tpu.memory_space<vmem_shared>>)
    %mul3A_49 = arith.constant 640 : i32
    %mul3A_50 = arith.muli %arg1, %mul3A_49 : i32
    %add3A_51 = arith.constant 128 : i32
    %add3A_52 = arith.addi %mul3A_50, %add3A_51 : i32
    %dma_wait3A_53 = arith.constant 0 : i32
    %dma_wait3A_54 = tpu.memref_slice %arg11[%add3A_52, %dma_wait3A_53] : memref<10240x128xf32, #tpu.memory_space<vmem_shared>> -> memref<128x128xf32, #tpu.memory_space<vmem_shared>>
    %dma_wait3A_55 = arith.constant 0 : i32
    %dma_wait3A_56 = tpu.memref_slice %arg11[%add3A_52, %dma_wait3A_55] : memref<10240x128xf32, #tpu.memory_space<vmem_shared>> -> memref<128x128xf32, #tpu.memory_space<vmem_shared>>
    tpu.wait_dma2 semaphore(%arg12 : memref<!tpu.dma_semaphore, #tpu.memory_space<semaphore_mem>>) src(%arg9 : memref<128x128xf32, #tpu.memory_space<vmem>>) dst(%dma_wait3A_56 : memref<128x128xf32, #tpu.memory_space<vmem_shared>>)
    %mul3A_57 = arith.constant 640 : i32
    %mul3A_58 = arith.muli %arg1, %mul3A_57 : i32
    %add3A_59 = arith.constant 256 : i32
    %add3A_60 = arith.addi %mul3A_58, %add3A_59 : i32
    %dma_wait3A_61 = arith.constant 0 : i32
    %dma_wait3A_62 = tpu.memref_slice %arg11[%add3A_60, %dma_wait3A_61] : memref<10240x128xf32, #tpu.memory_space<vmem_shared>> -> memref<128x128xf32, #tpu.memory_space<vmem_shared>>
    %dma_wait3A_63 = arith.constant 0 : i32
    %dma_wait3A_64 = tpu.memref_slice %arg11[%add3A_60, %dma_wait3A_63] : memref<10240x128xf32, #tpu.memory_space<vmem_shared>> -> memref<128x128xf32, #tpu.memory_space<vmem_shared>>
    tpu.wait_dma2 semaphore(%arg12 : memref<!tpu.dma_semaphore, #tpu.memory_space<semaphore_mem>>) src(%arg9 : memref<128x128xf32, #tpu.memory_space<vmem>>) dst(%dma_wait3A_64 : memref<128x128xf32, #tpu.memory_space<vmem_shared>>)
    %mul3A_65 = arith.constant 640 : i32
    %mul3A_66 = arith.muli %arg1, %mul3A_65 : i32
    %add3A_67 = arith.constant 384 : i32
    %add3A_68 = arith.addi %mul3A_66, %add3A_67 : i32
    %dma_wait3A_69 = arith.constant 0 : i32
    %dma_wait3A_70 = tpu.memref_slice %arg11[%add3A_68, %dma_wait3A_69] : memref<10240x128xf32, #tpu.memory_space<vmem_shared>> -> memref<128x128xf32, #tpu.memory_space<vmem_shared>>
    %dma_wait3A_71 = arith.constant 0 : i32
    %dma_wait3A_72 = tpu.memref_slice %arg11[%add3A_68, %dma_wait3A_71] : memref<10240x128xf32, #tpu.memory_space<vmem_shared>> -> memref<128x128xf32, #tpu.memory_space<vmem_shared>>
    tpu.wait_dma2 semaphore(%arg12 : memref<!tpu.dma_semaphore, #tpu.memory_space<semaphore_mem>>) src(%arg9 : memref<128x128xf32, #tpu.memory_space<vmem>>) dst(%dma_wait3A_72 : memref<128x128xf32, #tpu.memory_space<vmem_shared>>)
    %mul3A_73 = arith.constant 640 : i32
    %mul3A_74 = arith.muli %arg1, %mul3A_73 : i32
    %add3A_75 = arith.constant 512 : i32
    %add3A_76 = arith.addi %mul3A_74, %add3A_75 : i32
    %dma_wait3A_77 = arith.constant 0 : i32
    %dma_wait3A_78 = tpu.memref_slice %arg11[%add3A_76, %dma_wait3A_77] : memref<10240x128xf32, #tpu.memory_space<vmem_shared>> -> memref<128x128xf32, #tpu.memory_space<vmem_shared>>
    %dma_wait3A_79 = arith.constant 0 : i32
    %dma_wait3A_80 = tpu.memref_slice %arg11[%add3A_76, %dma_wait3A_79] : memref<10240x128xf32, #tpu.memory_space<vmem_shared>> -> memref<128x128xf32, #tpu.memory_space<vmem_shared>>
    tpu.wait_dma2 semaphore(%arg12 : memref<!tpu.dma_semaphore, #tpu.memory_space<semaphore_mem>>) src(%arg9 : memref<128x128xf32, #tpu.memory_space<vmem>>) dst(%dma_wait3A_80 : memref<128x128xf32, #tpu.memory_space<vmem_shared>>)
    %barrier3A = arith.constant 0 : index
    tpu.barrier barrier_id(%barrier3A)
    %mul3A_81 = arith.constant 16 : i32
    %mul3A_82 = arith.muli %arg0, %mul3A_81 : i32
    %add3A_83 = arith.addi %mul3A_82, %arg1 : i32
    %mul3A_84 = arith.constant 80 : i32
    %mul3A_85 = arith.muli %add3A_83, %mul3A_84 : i32
    %add3A_86 = arith.constant 0 : i32
    %add3A_87 = arith.addi %mul3A_85, %add3A_86 : i32
    "tpu.region"() ({
      %run_scoped3A_301 = tpu.sem_alloc : memref<!tpu.dma_semaphore, #tpu.memory_space<semaphore_mem>>
      %dma_start3A_302 = arith.constant 0 : i32
      %dma_start3A_303 = tpu.memref_slice %arg2[%add3A_87, %dma_start3A_302] : memref<2560x128xi32, #tpu.memory_space<hbm>> -> memref<40x128xi32, #tpu.memory_space<hbm>>
      %dma_start3A_304 = arith.constant 0 : i32
      %dma_start3A_305 = tpu.memref_slice %arg2[%add3A_87, %dma_start3A_304] : memref<2560x128xi32, #tpu.memory_space<hbm>> -> memref<40x128xi32, #tpu.memory_space<hbm>>
      tpu.enqueue_dma source(%dma_start3A_305 : memref<40x128xi32, #tpu.memory_space<hbm>>) target(%arg7 : memref<40x128xi32, #tpu.memory_space<vmem>>) target_semaphore(%run_scoped3A_301 : memref<!tpu.dma_semaphore, #tpu.memory_space<semaphore_mem>>)
      %dma_wait3A_306 = arith.constant 0 : i32
      %dma_wait3A_307 = tpu.memref_slice %arg2[%add3A_87, %dma_wait3A_306] : memref<2560x128xi32, #tpu.memory_space<hbm>> -> memref<40x128xi32, #tpu.memory_space<hbm>>
      %dma_wait3A_308 = arith.constant 0 : i32
      %dma_wait3A_309 = tpu.memref_slice %arg2[%add3A_87, %dma_wait3A_308] : memref<2560x128xi32, #tpu.memory_space<hbm>> -> memref<40x128xi32, #tpu.memory_space<hbm>>
      tpu.wait_dma2 semaphore(%run_scoped3A_301 : memref<!tpu.dma_semaphore, #tpu.memory_space<semaphore_mem>>) src(%dma_wait3A_309 : memref<40x128xi32, #tpu.memory_space<hbm>>) dst(%arg7 : memref<40x128xi32, #tpu.memory_space<vmem>>)
      tpu.yield
    }) : () -> ()
    "tpu.region"() ({
      %run_scoped3A_301 = tpu.sem_alloc : memref<!tpu.dma_semaphore, #tpu.memory_space<semaphore_mem>>
      %dma_start3A_302 = arith.constant 0 : i32
      %dma_start3A_303 = tpu.memref_slice %arg3[%add3A_87, %dma_start3A_302] : memref<2560x128xi32, #tpu.memory_space<hbm>> -> memref<40x128xi32, #tpu.memory_space<hbm>>
      %dma_start3A_304 = arith.constant 0 : i32
      %dma_start3A_305 = tpu.memref_slice %arg3[%add3A_87, %dma_start3A_304] : memref<2560x128xi32, #tpu.memory_space<hbm>> -> memref<40x128xi32, #tpu.memory_space<hbm>>
      tpu.enqueue_dma source(%dma_start3A_305 : memref<40x128xi32, #tpu.memory_space<hbm>>) target(%arg8 : memref<40x128xi32, #tpu.memory_space<vmem>>) target_semaphore(%run_scoped3A_301 : memref<!tpu.dma_semaphore, #tpu.memory_space<semaphore_mem>>)
      %dma_wait3A_306 = arith.constant 0 : i32
      %dma_wait3A_307 = tpu.memref_slice %arg3[%add3A_87, %dma_wait3A_306] : memref<2560x128xi32, #tpu.memory_space<hbm>> -> memref<40x128xi32, #tpu.memory_space<hbm>>
      %dma_wait3A_308 = arith.constant 0 : i32
      %dma_wait3A_309 = tpu.memref_slice %arg3[%add3A_87, %dma_wait3A_308] : memref<2560x128xi32, #tpu.memory_space<hbm>> -> memref<40x128xi32, #tpu.memory_space<hbm>>
      tpu.wait_dma2 semaphore(%run_scoped3A_301 : memref<!tpu.dma_semaphore, #tpu.memory_space<semaphore_mem>>) src(%dma_wait3A_309 : memref<40x128xi32, #tpu.memory_space<hbm>>) dst(%arg8 : memref<40x128xi32, #tpu.memory_space<vmem>>)
      tpu.yield
    }) : () -> ()
    %dma_start3A_88 = arith.constant 0 : i32
    %dma_start3A_89 = arith.constant 0 : i32
    %dma_start3A_90 = tpu.memref_slice %arg7[%dma_start3A_88, %dma_start3A_89] : memref<40x128xi32, #tpu.memory_space<vmem>> -> memref<1x128xi32, #tpu.memory_space<vmem>>
    %dma_start3A_91 = tpu.memref_squeeze %dma_start3A_90 : memref<1x128xi32, #tpu.memory_space<vmem>> -> memref<128xi32, #tpu.memory_space<vmem>>
    %dma_start3A_92 = arith.constant 0 : i32
    %dma_start3A_93 = arith.constant 0 : i32
    %dma_start3A_94 = tpu.memref_slice %arg4[%dma_start3A_92, %dma_start3A_93] : memref<10240x128xf32, #tpu.memory_space<hbm>> -> memref<10240x128xf32, #tpu.memory_space<hbm>>
    tpu.enqueue_indirect_dma source(%dma_start3A_94 : memref<10240x128xf32, #tpu.memory_space<hbm>>) target(%arg9 : memref<128x128xf32, #tpu.memory_space<vmem>>) offsets(%dma_start3A_91 : memref<128xi32, #tpu.memory_space<vmem>>) semaphore(%arg12 : memref<!tpu.dma_semaphore, #tpu.memory_space<semaphore_mem>>)
    %scan3A_95 = arith.constant 0 : i32
    %scan3A_96 = arith.constant 0 : i32
    %scan3A_97 = arith.constant 19 : i32
    %scan3A_98 = arith.addi %scan3A_96, %scan3A_97 : i32
    %scan3A_99 = arith.constant 1 : i32
    scf.for %scan3A_301 = %scan3A_96 to %scan3A_98 step %scan3A_99  : i32 {
      %mul3A_302 = arith.constant 2 : i32
      %mul3A_303 = arith.muli %mul3A_302, %scan3A_301 : i32
      %add3A_304 = arith.constant 0 : i32
      %add3A_305 = arith.addi %mul3A_303, %add3A_304 : i32
      %add3A_306 = arith.constant 1 : i32
      %add3A_307 = arith.addi %add3A_305, %add3A_306 : i32
      %dma_start3A_308 = arith.constant 0 : i32
      %dma_start3A_309 = tpu.memref_slice %arg7[%add3A_307, %dma_start3A_308] : memref<40x128xi32, #tpu.memory_space<vmem>> -> memref<1x128xi32, #tpu.memory_space<vmem>>
      %dma_start3A_310 = tpu.memref_squeeze %dma_start3A_309 : memref<1x128xi32, #tpu.memory_space<vmem>> -> memref<128xi32, #tpu.memory_space<vmem>>
      %dma_start3A_311 = arith.constant 0 : i32
      %dma_start3A_312 = arith.constant 0 : i32
      %dma_start3A_313 = tpu.memref_slice %arg4[%dma_start3A_311, %dma_start3A_312] : memref<10240x128xf32, #tpu.memory_space<hbm>> -> memref<10240x128xf32, #tpu.memory_space<hbm>>
      tpu.enqueue_indirect_dma source(%dma_start3A_313 : memref<10240x128xf32, #tpu.memory_space<hbm>>) target(%arg10 : memref<128x128xf32, #tpu.memory_space<vmem>>) offsets(%dma_start3A_310 : memref<128xi32, #tpu.memory_space<vmem>>) semaphore(%arg13 : memref<!tpu.dma_semaphore, #tpu.memory_space<semaphore_mem>>)
      %dma_wait3A_314 = arith.constant 0 : i32
      %dma_wait3A_315 = tpu.memref_slice %arg7[%add3A_305, %dma_wait3A_314] : memref<40x128xi32, #tpu.memory_space<vmem>> -> memref<1x128xi32, #tpu.memory_space<vmem>>
      %dma_wait3A_316 = tpu.memref_squeeze %dma_wait3A_315 : memref<1x128xi32, #tpu.memory_space<vmem>> -> memref<128xi32, #tpu.memory_space<vmem>>
      %dma_wait3A_317 = arith.constant 0 : i32
      %dma_wait3A_318 = arith.constant 0 : i32
      %dma_wait3A_319 = tpu.memref_slice %arg4[%dma_wait3A_317, %dma_wait3A_318] : memref<10240x128xf32, #tpu.memory_space<hbm>> -> memref<10240x128xf32, #tpu.memory_space<hbm>>
      tpu.wait_indirect_dma semaphore(%arg12 : memref<!tpu.dma_semaphore, #tpu.memory_space<semaphore_mem>>) src(%dma_wait3A_319 : memref<10240x128xf32, #tpu.memory_space<hbm>>) dst(%arg9 : memref<128x128xf32, #tpu.memory_space<vmem>>)
      "tpu.region"() ({
        %run_scoped3A_338 = tpu.sem_alloc : memref<!tpu.dma_semaphore, #tpu.memory_space<semaphore_mem>>
        %dma_start3A_339 = arith.constant 0 : i32
        %dma_start3A_340 = tpu.memref_slice %arg8[%add3A_305, %dma_start3A_339] : memref<40x128xi32, #tpu.memory_space<vmem>> -> memref<1x128xi32, #tpu.memory_space<vmem>>
        %dma_start3A_341 = tpu.memref_squeeze %dma_start3A_340 : memref<1x128xi32, #tpu.memory_space<vmem>> -> memref<128xi32, #tpu.memory_space<vmem>>
        %dma_start3A_342 = arith.constant 0 : i32
        %dma_start3A_343 = arith.constant 0 : i32
        %dma_start3A_344 = tpu.memref_slice %arg11[%dma_start3A_342, %dma_start3A_343] : memref<10240x128xf32, #tpu.memory_space<vmem_shared>> -> memref<10240x128xf32, #tpu.memory_space<vmem_shared>>
        tpu.enqueue_indirect_dma source(%arg9 : memref<128x128xf32, #tpu.memory_space<vmem>>) target(%dma_start3A_344 : memref<10240x128xf32, #tpu.memory_space<vmem_shared>>) offsets(%dma_start3A_341 : memref<128xi32, #tpu.memory_space<vmem>>) semaphore(%run_scoped3A_338 : memref<!tpu.dma_semaphore, #tpu.memory_space<semaphore_mem>>) {add = true}
        %dma_wait3A_345 = arith.constant 0 : i32
        %dma_wait3A_346 = tpu.memref_slice %arg8[%add3A_305, %dma_wait3A_345] : memref<40x128xi32, #tpu.memory_space<vmem>> -> memref<1x128xi32, #tpu.memory_space<vmem>>
        %dma_wait3A_347 = tpu.memref_squeeze %dma_wait3A_346 : memref<1x128xi32, #tpu.memory_space<vmem>> -> memref<128xi32, #tpu.memory_space<vmem>>
        %dma_wait3A_348 = arith.constant 0 : i32
        %dma_wait3A_349 = arith.constant 0 : i32
        %dma_wait3A_350 = tpu.memref_slice %arg11[%dma_wait3A_348, %dma_wait3A_349] : memref<10240x128xf32, #tpu.memory_space<vmem_shared>> -> memref<10240x128xf32, #tpu.memory_space<vmem_shared>>
        tpu.wait_indirect_dma semaphore(%run_scoped3A_338 : memref<!tpu.dma_semaphore, #tpu.memory_space<semaphore_mem>>) src(%arg9 : memref<128x128xf32, #tpu.memory_space<vmem>>) dst(%dma_wait3A_350 : memref<10240x128xf32, #tpu.memory_space<vmem_shared>>)
        tpu.yield
      }) : () -> ()
      %mul3A_320 = arith.constant 2 : i32
      %mul3A_321 = arith.muli %mul3A_320, %scan3A_301 : i32
      %add3A_322 = arith.constant 1 : i32
      %add3A_323 = arith.addi %mul3A_321, %add3A_322 : i32
      %add3A_324 = arith.constant 1 : i32
      %add3A_325 = arith.addi %add3A_323, %add3A_324 : i32
      %dma_start3A_326 = arith.constant 0 : i32
      %dma_start3A_327 = tpu.memref_slice %arg7[%add3A_325, %dma_start3A_326] : memref<40x128xi32, #tpu.memory_space<vmem>> -> memref<1x128xi32, #tpu.memory_space<vmem>>
      %dma_start3A_328 = tpu.memref_squeeze %dma_start3A_327 : memref<1x128xi32, #tpu.memory_space<vmem>> -> memref<128xi32, #tpu.memory_space<vmem>>
      %dma_start3A_329 = arith.constant 0 : i32
      %dma_start3A_330 = arith.constant 0 : i32
      %dma_start3A_331 = tpu.memref_slice %arg4[%dma_start3A_329, %dma_start3A_330] : memref<10240x128xf32, #tpu.memory_space<hbm>> -> memref<10240x128xf32, #tpu.memory_space<hbm>>
      tpu.enqueue_indirect_dma source(%dma_start3A_331 : memref<10240x128xf32, #tpu.memory_space<hbm>>) target(%arg9 : memref<128x128xf32, #tpu.memory_space<vmem>>) offsets(%dma_start3A_328 : memref<128xi32, #tpu.memory_space<vmem>>) semaphore(%arg12 : memref<!tpu.dma_semaphore, #tpu.memory_space<semaphore_mem>>)
      %dma_wait3A_332 = arith.constant 0 : i32
      %dma_wait3A_333 = tpu.memref_slice %arg7[%add3A_323, %dma_wait3A_332] : memref<40x128xi32, #tpu.memory_space<vmem>> -> memref<1x128xi32, #tpu.memory_space<vmem>>
      %dma_wait3A_334 = tpu.memref_squeeze %dma_wait3A_333 : memref<1x128xi32, #tpu.memory_space<vmem>> -> memref<128xi32, #tpu.memory_space<vmem>>
      %dma_wait3A_335 = arith.constant 0 : i32
      %dma_wait3A_336 = arith.constant 0 : i32
      %dma_wait3A_337 = tpu.memref_slice %arg4[%dma_wait3A_335, %dma_wait3A_336] : memref<10240x128xf32, #tpu.memory_space<hbm>> -> memref<10240x128xf32, #tpu.memory_space<hbm>>
      tpu.wait_indirect_dma semaphore(%arg13 : memref<!tpu.dma_semaphore, #tpu.memory_space<semaphore_mem>>) src(%dma_wait3A_337 : memref<10240x128xf32, #tpu.memory_space<hbm>>) dst(%arg10 : memref<128x128xf32, #tpu.memory_space<vmem>>)
      "tpu.region"() ({
        %run_scoped3A_338 = tpu.sem_alloc : memref<!tpu.dma_semaphore, #tpu.memory_space<semaphore_mem>>
        %dma_start3A_339 = arith.constant 0 : i32
        %dma_start3A_340 = tpu.memref_slice %arg8[%add3A_323, %dma_start3A_339] : memref<40x128xi32, #tpu.memory_space<vmem>> -> memref<1x128xi32, #tpu.memory_space<vmem>>
        %dma_start3A_341 = tpu.memref_squeeze %dma_start3A_340 : memref<1x128xi32, #tpu.memory_space<vmem>> -> memref<128xi32, #tpu.memory_space<vmem>>
        %dma_start3A_342 = arith.constant 0 : i32
        %dma_start3A_343 = arith.constant 0 : i32
        %dma_start3A_344 = tpu.memref_slice %arg11[%dma_start3A_342, %dma_start3A_343] : memref<10240x128xf32, #tpu.memory_space<vmem_shared>> -> memref<10240x128xf32, #tpu.memory_space<vmem_shared>>
        tpu.enqueue_indirect_dma source(%arg10 : memref<128x128xf32, #tpu.memory_space<vmem>>) target(%dma_start3A_344 : memref<10240x128xf32, #tpu.memory_space<vmem_shared>>) offsets(%dma_start3A_341 : memref<128xi32, #tpu.memory_space<vmem>>) semaphore(%run_scoped3A_338 : memref<!tpu.dma_semaphore, #tpu.memory_space<semaphore_mem>>) {add = true}
        %dma_wait3A_345 = arith.constant 0 : i32
        %dma_wait3A_346 = tpu.memref_slice %arg8[%add3A_323, %dma_wait3A_345] : memref<40x128xi32, #tpu.memory_space<vmem>> -> memref<1x128xi32, #tpu.memory_space<vmem>>
        %dma_wait3A_347 = tpu.memref_squeeze %dma_wait3A_346 : memref<1x128xi32, #tpu.memory_space<vmem>> -> memref<128xi32, #tpu.memory_space<vmem>>
        %dma_wait3A_348 = arith.constant 0 : i32
        %dma_wait3A_349 = arith.constant 0 : i32
        %dma_wait3A_350 = tpu.memref_slice %arg11[%dma_wait3A_348, %dma_wait3A_349] : memref<10240x128xf32, #tpu.memory_space<vmem_shared>> -> memref<10240x128xf32, #tpu.memory_space<vmem_shared>>
        tpu.wait_indirect_dma semaphore(%run_scoped3A_338 : memref<!tpu.dma_semaphore, #tpu.memory_space<semaphore_mem>>) src(%arg10 : memref<128x128xf32, #tpu.memory_space<vmem>>) dst(%dma_wait3A_350 : memref<10240x128xf32, #tpu.memory_space<vmem_shared>>)
        tpu.yield
      }) : () -> ()
    }
    %scan3A_100 = arith.constant 19 : i32
    %dma_start3A_101 = arith.constant 39 : i32
    %dma_start3A_102 = arith.constant 0 : i32
    %dma_start3A_103 = tpu.memref_slice %arg7[%dma_start3A_101, %dma_start3A_102] : memref<40x128xi32, #tpu.memory_space<vmem>> -> memref<1x128xi32, #tpu.memory_space<vmem>>
    %dma_start3A_104 = tpu.memref_squeeze %dma_start3A_103 : memref<1x128xi32, #tpu.memory_space<vmem>> -> memref<128xi32, #tpu.memory_space<vmem>>
    %dma_start3A_105 = arith.constant 0 : i32
    %dma_start3A_106 = arith.constant 0 : i32
    %dma_start3A_107 = tpu.memref_slice %arg4[%dma_start3A_105, %dma_start3A_106] : memref<10240x128xf32, #tpu.memory_space<hbm>> -> memref<10240x128xf32, #tpu.memory_space<hbm>>
    tpu.enqueue_indirect_dma source(%dma_start3A_107 : memref<10240x128xf32, #tpu.memory_space<hbm>>) target(%arg10 : memref<128x128xf32, #tpu.memory_space<vmem>>) offsets(%dma_start3A_104 : memref<128xi32, #tpu.memory_space<vmem>>) semaphore(%arg13 : memref<!tpu.dma_semaphore, #tpu.memory_space<semaphore_mem>>)
    %dma_wait3A_108 = arith.constant 38 : i32
    %dma_wait3A_109 = arith.constant 0 : i32
    %dma_wait3A_110 = tpu.memref_slice %arg7[%dma_wait3A_108, %dma_wait3A_109] : memref<40x128xi32, #tpu.memory_space<vmem>> -> memref<1x128xi32, #tpu.memory_space<vmem>>
    %dma_wait3A_111 = tpu.memref_squeeze %dma_wait3A_110 : memref<1x128xi32, #tpu.memory_space<vmem>> -> memref<128xi32, #tpu.memory_space<vmem>>
    %dma_wait3A_112 = arith.constant 0 : i32
    %dma_wait3A_113 = arith.constant 0 : i32
    %dma_wait3A_114 = tpu.memref_slice %arg4[%dma_wait3A_112, %dma_wait3A_113] : memref<10240x128xf32, #tpu.memory_space<hbm>> -> memref<10240x128xf32, #tpu.memory_space<hbm>>
    tpu.wait_indirect_dma semaphore(%arg12 : memref<!tpu.dma_semaphore, #tpu.memory_space<semaphore_mem>>) src(%dma_wait3A_114 : memref<10240x128xf32, #tpu.memory_space<hbm>>) dst(%arg9 : memref<128x128xf32, #tpu.memory_space<vmem>>)
    %run_scoped3A = arith.constant 38 : i32
    "tpu.region"() ({
      %run_scoped3A_301 = tpu.sem_alloc : memref<!tpu.dma_semaphore, #tpu.memory_space<semaphore_mem>>
      %dma_start3A_302 = arith.constant 0 : i32
      %dma_start3A_303 = tpu.memref_slice %arg8[%run_scoped3A, %dma_start3A_302] : memref<40x128xi32, #tpu.memory_space<vmem>> -> memref<1x128xi32, #tpu.memory_space<vmem>>
      %dma_start3A_304 = tpu.memref_squeeze %dma_start3A_303 : memref<1x128xi32, #tpu.memory_space<vmem>> -> memref<128xi32, #tpu.memory_space<vmem>>
      %dma_start3A_305 = arith.constant 0 : i32
      %dma_start3A_306 = arith.constant 0 : i32
      %dma_start3A_307 = tpu.memref_slice %arg11[%dma_start3A_305, %dma_start3A_306] : memref<10240x128xf32, #tpu.memory_space<vmem_shared>> -> memref<10240x128xf32, #tpu.memory_space<vmem_shared>>
      tpu.enqueue_indirect_dma source(%arg9 : memref<128x128xf32, #tpu.memory_space<vmem>>) target(%dma_start3A_307 : memref<10240x128xf32, #tpu.memory_space<vmem_shared>>) offsets(%dma_start3A_304 : memref<128xi32, #tpu.memory_space<vmem>>) semaphore(%run_scoped3A_301 : memref<!tpu.dma_semaphore, #tpu.memory_space<semaphore_mem>>) {add = true}
      %dma_wait3A_308 = arith.constant 0 : i32
      %dma_wait3A_309 = tpu.memref_slice %arg8[%run_scoped3A, %dma_wait3A_308] : memref<40x128xi32, #tpu.memory_space<vmem>> -> memref<1x128xi32, #tpu.memory_space<vmem>>
      %dma_wait3A_310 = tpu.memref_squeeze %dma_wait3A_309 : memref<1x128xi32, #tpu.memory_space<vmem>> -> memref<128xi32, #tpu.memory_space<vmem>>
      %dma_wait3A_311 = arith.constant 0 : i32
      %dma_wait3A_312 = arith.constant 0 : i32
      %dma_wait3A_313 = tpu.memref_slice %arg11[%dma_wait3A_311, %dma_wait3A_312] : memref<10240x128xf32, #tpu.memory_space<vmem_shared>> -> memref<10240x128xf32, #tpu.memory_space<vmem_shared>>
      tpu.wait_indirect_dma semaphore(%run_scoped3A_301 : memref<!tpu.dma_semaphore, #tpu.memory_space<semaphore_mem>>) src(%arg9 : memref<128x128xf32, #tpu.memory_space<vmem>>) dst(%dma_wait3A_313 : memref<10240x128xf32, #tpu.memory_space<vmem_shared>>)
      tpu.yield
    }) : () -> ()
    %dma_wait3A_115 = arith.constant 39 : i32
    %dma_wait3A_116 = arith.constant 0 : i32
    %dma_wait3A_117 = tpu.memref_slice %arg7[%dma_wait3A_115, %dma_wait3A_116] : memref<40x128xi32, #tpu.memory_space<vmem>> -> memref<1x128xi32, #tpu.memory_space<vmem>>
    %dma_wait3A_118 = tpu.memref_squeeze %dma_wait3A_117 : memref<1x128xi32, #tpu.memory_space<vmem>> -> memref<128xi32, #tpu.memory_space<vmem>>
    %dma_wait3A_119 = arith.constant 0 : i32
    %dma_wait3A_120 = arith.constant 0 : i32
    %dma_wait3A_121 = tpu.memref_slice %arg4[%dma_wait3A_119, %dma_wait3A_120] : memref<10240x128xf32, #tpu.memory_space<hbm>> -> memref<10240x128xf32, #tpu.memory_space<hbm>>
    tpu.wait_indirect_dma semaphore(%arg13 : memref<!tpu.dma_semaphore, #tpu.memory_space<semaphore_mem>>) src(%dma_wait3A_121 : memref<10240x128xf32, #tpu.memory_space<hbm>>) dst(%arg10 : memref<128x128xf32, #tpu.memory_space<vmem>>)
    %run_scoped3A_122 = arith.constant 39 : i32
    "tpu.region"() ({
      %run_scoped3A_301 = tpu.sem_alloc : memref<!tpu.dma_semaphore, #tpu.memory_space<semaphore_mem>>
      %dma_start3A_302 = arith.constant 0 : i32
      %dma_start3A_303 = tpu.memref_slice %arg8[%run_scoped3A_122, %dma_start3A_302] : memref<40x128xi32, #tpu.memory_space<vmem>> -> memref<1x128xi32, #tpu.memory_space<vmem>>
      %dma_start3A_304 = tpu.memref_squeeze %dma_start3A_303 : memref<1x128xi32, #tpu.memory_space<vmem>> -> memref<128xi32, #tpu.memory_space<vmem>>
      %dma_start3A_305 = arith.constant 0 : i32
      %dma_start3A_306 = arith.constant 0 : i32
      %dma_start3A_307 = tpu.memref_slice %arg11[%dma_start3A_305, %dma_start3A_306] : memref<10240x128xf32, #tpu.memory_space<vmem_shared>> -> memref<10240x128xf32, #tpu.memory_space<vmem_shared>>
      tpu.enqueue_indirect_dma source(%arg10 : memref<128x128xf32, #tpu.memory_space<vmem>>) target(%dma_start3A_307 : memref<10240x128xf32, #tpu.memory_space<vmem_shared>>) offsets(%dma_start3A_304 : memref<128xi32, #tpu.memory_space<vmem>>) semaphore(%run_scoped3A_301 : memref<!tpu.dma_semaphore, #tpu.memory_space<semaphore_mem>>) {add = true}
      %dma_wait3A_308 = arith.constant 0 : i32
      %dma_wait3A_309 = tpu.memref_slice %arg8[%run_scoped3A_122, %dma_wait3A_308] : memref<40x128xi32, #tpu.memory_space<vmem>> -> memref<1x128xi32, #tpu.memory_space<vmem>>
      %dma_wait3A_310 = tpu.memref_squeeze %dma_wait3A_309 : memref<1x128xi32, #tpu.memory_space<vmem>> -> memref<128xi32, #tpu.memory_space<vmem>>
      %dma_wait3A_311 = arith.constant 0 : i32
      %dma_wait3A_312 = arith.constant 0 : i32
      %dma_wait3A_313 = tpu.memref_slice %arg11[%dma_wait3A_311, %dma_wait3A_312] : memref<10240x128xf32, #tpu.memory_space<vmem_shared>> -> memref<10240x128xf32, #tpu.memory_space<vmem_shared>>
      tpu.wait_indirect_dma semaphore(%run_scoped3A_301 : memref<!tpu.dma_semaphore, #tpu.memory_space<semaphore_mem>>) src(%arg10 : memref<128x128xf32, #tpu.memory_space<vmem>>) dst(%dma_wait3A_313 : memref<10240x128xf32, #tpu.memory_space<vmem_shared>>)
      tpu.yield
    }) : () -> ()
    %mul3A_123 = arith.constant 80 : i32
    %mul3A_124 = arith.muli %add3A_83, %mul3A_123 : i32
    %add3A_125 = arith.constant 40 : i32
    %add3A_126 = arith.addi %mul3A_124, %add3A_125 : i32
    "tpu.region"() ({
      %run_scoped3A_301 = tpu.sem_alloc : memref<!tpu.dma_semaphore, #tpu.memory_space<semaphore_mem>>
      %dma_start3A_302 = arith.constant 0 : i32
      %dma_start3A_303 = tpu.memref_slice %arg2[%add3A_126, %dma_start3A_302] : memref<2560x128xi32, #tpu.memory_space<hbm>> -> memref<40x128xi32, #tpu.memory_space<hbm>>
      %dma_start3A_304 = arith.constant 0 : i32
      %dma_start3A_305 = tpu.memref_slice %arg2[%add3A_126, %dma_start3A_304] : memref<2560x128xi32, #tpu.memory_space<hbm>> -> memref<40x128xi32, #tpu.memory_space<hbm>>
      tpu.enqueue_dma source(%dma_start3A_305 : memref<40x128xi32, #tpu.memory_space<hbm>>) target(%arg7 : memref<40x128xi32, #tpu.memory_space<vmem>>) target_semaphore(%run_scoped3A_301 : memref<!tpu.dma_semaphore, #tpu.memory_space<semaphore_mem>>)
      %dma_wait3A_306 = arith.constant 0 : i32
      %dma_wait3A_307 = tpu.memref_slice %arg2[%add3A_126, %dma_wait3A_306] : memref<2560x128xi32, #tpu.memory_space<hbm>> -> memref<40x128xi32, #tpu.memory_space<hbm>>
      %dma_wait3A_308 = arith.constant 0 : i32
      %dma_wait3A_309 = tpu.memref_slice %arg2[%add3A_126, %dma_wait3A_308] : memref<2560x128xi32, #tpu.memory_space<hbm>> -> memref<40x128xi32, #tpu.memory_space<hbm>>
      tpu.wait_dma2 semaphore(%run_scoped3A_301 : memref<!tpu.dma_semaphore, #tpu.memory_space<semaphore_mem>>) src(%dma_wait3A_309 : memref<40x128xi32, #tpu.memory_space<hbm>>) dst(%arg7 : memref<40x128xi32, #tpu.memory_space<vmem>>)
      tpu.yield
    }) : () -> ()
    "tpu.region"() ({
      %run_scoped3A_301 = tpu.sem_alloc : memref<!tpu.dma_semaphore, #tpu.memory_space<semaphore_mem>>
      %dma_start3A_302 = arith.constant 0 : i32
      %dma_start3A_303 = tpu.memref_slice %arg3[%add3A_126, %dma_start3A_302] : memref<2560x128xi32, #tpu.memory_space<hbm>> -> memref<40x128xi32, #tpu.memory_space<hbm>>
      %dma_start3A_304 = arith.constant 0 : i32
      %dma_start3A_305 = tpu.memref_slice %arg3[%add3A_126, %dma_start3A_304] : memref<2560x128xi32, #tpu.memory_space<hbm>> -> memref<40x128xi32, #tpu.memory_space<hbm>>
      tpu.enqueue_dma source(%dma_start3A_305 : memref<40x128xi32, #tpu.memory_space<hbm>>) target(%arg8 : memref<40x128xi32, #tpu.memory_space<vmem>>) target_semaphore(%run_scoped3A_301 : memref<!tpu.dma_semaphore, #tpu.memory_space<semaphore_mem>>)
      %dma_wait3A_306 = arith.constant 0 : i32
      %dma_wait3A_307 = tpu.memref_slice %arg3[%add3A_126, %dma_wait3A_306] : memref<2560x128xi32, #tpu.memory_space<hbm>> -> memref<40x128xi32, #tpu.memory_space<hbm>>
      %dma_wait3A_308 = arith.constant 0 : i32
      %dma_wait3A_309 = tpu.memref_slice %arg3[%add3A_126, %dma_wait3A_308] : memref<2560x128xi32, #tpu.memory_space<hbm>> -> memref<40x128xi32, #tpu.memory_space<hbm>>
      tpu.wait_dma2 semaphore(%run_scoped3A_301 : memref<!tpu.dma_semaphore, #tpu.memory_space<semaphore_mem>>) src(%dma_wait3A_309 : memref<40x128xi32, #tpu.memory_space<hbm>>) dst(%arg8 : memref<40x128xi32, #tpu.memory_space<vmem>>)
      tpu.yield
    }) : () -> ()
    %dma_start3A_127 = arith.constant 0 : i32
    %dma_start3A_128 = arith.constant 0 : i32
    %dma_start3A_129 = tpu.memref_slice %arg7[%dma_start3A_127, %dma_start3A_128] : memref<40x128xi32, #tpu.memory_space<vmem>> -> memref<1x128xi32, #tpu.memory_space<vmem>>
    %dma_start3A_130 = tpu.memref_squeeze %dma_start3A_129 : memref<1x128xi32, #tpu.memory_space<vmem>> -> memref<128xi32, #tpu.memory_space<vmem>>
    %dma_start3A_131 = arith.constant 0 : i32
    %dma_start3A_132 = arith.constant 0 : i32
    %dma_start3A_133 = tpu.memref_slice %arg4[%dma_start3A_131, %dma_start3A_132] : memref<10240x128xf32, #tpu.memory_space<hbm>> -> memref<10240x128xf32, #tpu.memory_space<hbm>>
    tpu.enqueue_indirect_dma source(%dma_start3A_133 : memref<10240x128xf32, #tpu.memory_space<hbm>>) target(%arg9 : memref<128x128xf32, #tpu.memory_space<vmem>>) offsets(%dma_start3A_130 : memref<128xi32, #tpu.memory_space<vmem>>) semaphore(%arg12 : memref<!tpu.dma_semaphore, #tpu.memory_space<semaphore_mem>>)
    %scan3A_134 = arith.constant 0 : i32
    %scan3A_135 = arith.constant 0 : i32
    %scan3A_136 = arith.constant 19 : i32
    %scan3A_137 = arith.addi %scan3A_135, %scan3A_136 : i32
    %scan3A_138 = arith.constant 1 : i32
    scf.for %scan3A_301 = %scan3A_135 to %scan3A_137 step %scan3A_138  : i32 {
      %mul3A_302 = arith.constant 2 : i32
      %mul3A_303 = arith.muli %mul3A_302, %scan3A_301 : i32
      %add3A_304 = arith.constant 0 : i32
      %add3A_305 = arith.addi %mul3A_303, %add3A_304 : i32
      %add3A_306 = arith.constant 1 : i32
      %add3A_307 = arith.addi %add3A_305, %add3A_306 : i32
      %dma_start3A_308 = arith.constant 0 : i32
      %dma_start3A_309 = tpu.memref_slice %arg7[%add3A_307, %dma_start3A_308] : memref<40x128xi32, #tpu.memory_space<vmem>> -> memref<1x128xi32, #tpu.memory_space<vmem>>
      %dma_start3A_310 = tpu.memref_squeeze %dma_start3A_309 : memref<1x128xi32, #tpu.memory_space<vmem>> -> memref<128xi32, #tpu.memory_space<vmem>>
      %dma_start3A_311 = arith.constant 0 : i32
      %dma_start3A_312 = arith.constant 0 : i32
      %dma_start3A_313 = tpu.memref_slice %arg4[%dma_start3A_311, %dma_start3A_312] : memref<10240x128xf32, #tpu.memory_space<hbm>> -> memref<10240x128xf32, #tpu.memory_space<hbm>>
      tpu.enqueue_indirect_dma source(%dma_start3A_313 : memref<10240x128xf32, #tpu.memory_space<hbm>>) target(%arg10 : memref<128x128xf32, #tpu.memory_space<vmem>>) offsets(%dma_start3A_310 : memref<128xi32, #tpu.memory_space<vmem>>) semaphore(%arg13 : memref<!tpu.dma_semaphore, #tpu.memory_space<semaphore_mem>>)
      %dma_wait3A_314 = arith.constant 0 : i32
      %dma_wait3A_315 = tpu.memref_slice %arg7[%add3A_305, %dma_wait3A_314] : memref<40x128xi32, #tpu.memory_space<vmem>> -> memref<1x128xi32, #tpu.memory_space<vmem>>
      %dma_wait3A_316 = tpu.memref_squeeze %dma_wait3A_315 : memref<1x128xi32, #tpu.memory_space<vmem>> -> memref<128xi32, #tpu.memory_space<vmem>>
      %dma_wait3A_317 = arith.constant 0 : i32
      %dma_wait3A_318 = arith.constant 0 : i32
      %dma_wait3A_319 = tpu.memref_slice %arg4[%dma_wait3A_317, %dma_wait3A_318] : memref<10240x128xf32, #tpu.memory_space<hbm>> -> memref<10240x128xf32, #tpu.memory_space<hbm>>
      tpu.wait_indirect_dma semaphore(%arg12 : memref<!tpu.dma_semaphore, #tpu.memory_space<semaphore_mem>>) src(%dma_wait3A_319 : memref<10240x128xf32, #tpu.memory_space<hbm>>) dst(%arg9 : memref<128x128xf32, #tpu.memory_space<vmem>>)
      "tpu.region"() ({
        %run_scoped3A_338 = tpu.sem_alloc : memref<!tpu.dma_semaphore, #tpu.memory_space<semaphore_mem>>
        %dma_start3A_339 = arith.constant 0 : i32
        %dma_start3A_340 = tpu.memref_slice %arg8[%add3A_305, %dma_start3A_339] : memref<40x128xi32, #tpu.memory_space<vmem>> -> memref<1x128xi32, #tpu.memory_space<vmem>>
        %dma_start3A_341 = tpu.memref_squeeze %dma_start3A_340 : memref<1x128xi32, #tpu.memory_space<vmem>> -> memref<128xi32, #tpu.memory_space<vmem>>
        %dma_start3A_342 = arith.constant 0 : i32
        %dma_start3A_343 = arith.constant 0 : i32
        %dma_start3A_344 = tpu.memref_slice %arg11[%dma_start3A_342, %dma_start3A_343] : memref<10240x128xf32, #tpu.memory_space<vmem_shared>> -> memref<10240x128xf32, #tpu.memory_space<vmem_shared>>
        tpu.enqueue_indirect_dma source(%arg9 : memref<128x128xf32, #tpu.memory_space<vmem>>) target(%dma_start3A_344 : memref<10240x128xf32, #tpu.memory_space<vmem_shared>>) offsets(%dma_start3A_341 : memref<128xi32, #tpu.memory_space<vmem>>) semaphore(%run_scoped3A_338 : memref<!tpu.dma_semaphore, #tpu.memory_space<semaphore_mem>>) {add = true}
        %dma_wait3A_345 = arith.constant 0 : i32
        %dma_wait3A_346 = tpu.memref_slice %arg8[%add3A_305, %dma_wait3A_345] : memref<40x128xi32, #tpu.memory_space<vmem>> -> memref<1x128xi32, #tpu.memory_space<vmem>>
        %dma_wait3A_347 = tpu.memref_squeeze %dma_wait3A_346 : memref<1x128xi32, #tpu.memory_space<vmem>> -> memref<128xi32, #tpu.memory_space<vmem>>
        %dma_wait3A_348 = arith.constant 0 : i32
        %dma_wait3A_349 = arith.constant 0 : i32
        %dma_wait3A_350 = tpu.memref_slice %arg11[%dma_wait3A_348, %dma_wait3A_349] : memref<10240x128xf32, #tpu.memory_space<vmem_shared>> -> memref<10240x128xf32, #tpu.memory_space<vmem_shared>>
        tpu.wait_indirect_dma semaphore(%run_scoped3A_338 : memref<!tpu.dma_semaphore, #tpu.memory_space<semaphore_mem>>) src(%arg9 : memref<128x128xf32, #tpu.memory_space<vmem>>) dst(%dma_wait3A_350 : memref<10240x128xf32, #tpu.memory_space<vmem_shared>>)
        tpu.yield
      }) : () -> ()
      %mul3A_320 = arith.constant 2 : i32
      %mul3A_321 = arith.muli %mul3A_320, %scan3A_301 : i32
      %add3A_322 = arith.constant 1 : i32
      %add3A_323 = arith.addi %mul3A_321, %add3A_322 : i32
      %add3A_324 = arith.constant 1 : i32
      %add3A_325 = arith.addi %add3A_323, %add3A_324 : i32
      %dma_start3A_326 = arith.constant 0 : i32
      %dma_start3A_327 = tpu.memref_slice %arg7[%add3A_325, %dma_start3A_326] : memref<40x128xi32, #tpu.memory_space<vmem>> -> memref<1x128xi32, #tpu.memory_space<vmem>>
      %dma_start3A_328 = tpu.memref_squeeze %dma_start3A_327 : memref<1x128xi32, #tpu.memory_space<vmem>> -> memref<128xi32, #tpu.memory_space<vmem>>
      %dma_start3A_329 = arith.constant 0 : i32
      %dma_start3A_330 = arith.constant 0 : i32
      %dma_start3A_331 = tpu.memref_slice %arg4[%dma_start3A_329, %dma_start3A_330] : memref<10240x128xf32, #tpu.memory_space<hbm>> -> memref<10240x128xf32, #tpu.memory_space<hbm>>
      tpu.enqueue_indirect_dma source(%dma_start3A_331 : memref<10240x128xf32, #tpu.memory_space<hbm>>) target(%arg9 : memref<128x128xf32, #tpu.memory_space<vmem>>) offsets(%dma_start3A_328 : memref<128xi32, #tpu.memory_space<vmem>>) semaphore(%arg12 : memref<!tpu.dma_semaphore, #tpu.memory_space<semaphore_mem>>)
      %dma_wait3A_332 = arith.constant 0 : i32
      %dma_wait3A_333 = tpu.memref_slice %arg7[%add3A_323, %dma_wait3A_332] : memref<40x128xi32, #tpu.memory_space<vmem>> -> memref<1x128xi32, #tpu.memory_space<vmem>>
      %dma_wait3A_334 = tpu.memref_squeeze %dma_wait3A_333 : memref<1x128xi32, #tpu.memory_space<vmem>> -> memref<128xi32, #tpu.memory_space<vmem>>
      %dma_wait3A_335 = arith.constant 0 : i32
      %dma_wait3A_336 = arith.constant 0 : i32
      %dma_wait3A_337 = tpu.memref_slice %arg4[%dma_wait3A_335, %dma_wait3A_336] : memref<10240x128xf32, #tpu.memory_space<hbm>> -> memref<10240x128xf32, #tpu.memory_space<hbm>>
      tpu.wait_indirect_dma semaphore(%arg13 : memref<!tpu.dma_semaphore, #tpu.memory_space<semaphore_mem>>) src(%dma_wait3A_337 : memref<10240x128xf32, #tpu.memory_space<hbm>>) dst(%arg10 : memref<128x128xf32, #tpu.memory_space<vmem>>)
      "tpu.region"() ({
        %run_scoped3A_338 = tpu.sem_alloc : memref<!tpu.dma_semaphore, #tpu.memory_space<semaphore_mem>>
        %dma_start3A_339 = arith.constant 0 : i32
        %dma_start3A_340 = tpu.memref_slice %arg8[%add3A_323, %dma_start3A_339] : memref<40x128xi32, #tpu.memory_space<vmem>> -> memref<1x128xi32, #tpu.memory_space<vmem>>
        %dma_start3A_341 = tpu.memref_squeeze %dma_start3A_340 : memref<1x128xi32, #tpu.memory_space<vmem>> -> memref<128xi32, #tpu.memory_space<vmem>>
        %dma_start3A_342 = arith.constant 0 : i32
        %dma_start3A_343 = arith.constant 0 : i32
        %dma_start3A_344 = tpu.memref_slice %arg11[%dma_start3A_342, %dma_start3A_343] : memref<10240x128xf32, #tpu.memory_space<vmem_shared>> -> memref<10240x128xf32, #tpu.memory_space<vmem_shared>>
        tpu.enqueue_indirect_dma source(%arg10 : memref<128x128xf32, #tpu.memory_space<vmem>>) target(%dma_start3A_344 : memref<10240x128xf32, #tpu.memory_space<vmem_shared>>) offsets(%dma_start3A_341 : memref<128xi32, #tpu.memory_space<vmem>>) semaphore(%run_scoped3A_338 : memref<!tpu.dma_semaphore, #tpu.memory_space<semaphore_mem>>) {add = true}
        %dma_wait3A_345 = arith.constant 0 : i32
        %dma_wait3A_346 = tpu.memref_slice %arg8[%add3A_323, %dma_wait3A_345] : memref<40x128xi32, #tpu.memory_space<vmem>> -> memref<1x128xi32, #tpu.memory_space<vmem>>
        %dma_wait3A_347 = tpu.memref_squeeze %dma_wait3A_346 : memref<1x128xi32, #tpu.memory_space<vmem>> -> memref<128xi32, #tpu.memory_space<vmem>>
        %dma_wait3A_348 = arith.constant 0 : i32
        %dma_wait3A_349 = arith.constant 0 : i32
        %dma_wait3A_350 = tpu.memref_slice %arg11[%dma_wait3A_348, %dma_wait3A_349] : memref<10240x128xf32, #tpu.memory_space<vmem_shared>> -> memref<10240x128xf32, #tpu.memory_space<vmem_shared>>
        tpu.wait_indirect_dma semaphore(%run_scoped3A_338 : memref<!tpu.dma_semaphore, #tpu.memory_space<semaphore_mem>>) src(%arg10 : memref<128x128xf32, #tpu.memory_space<vmem>>) dst(%dma_wait3A_350 : memref<10240x128xf32, #tpu.memory_space<vmem_shared>>)
        tpu.yield
      }) : () -> ()
    }
    %scan3A_139 = arith.constant 19 : i32
    %dma_start3A_140 = arith.constant 39 : i32
    %dma_start3A_141 = arith.constant 0 : i32
    %dma_start3A_142 = tpu.memref_slice %arg7[%dma_start3A_140, %dma_start3A_141] : memref<40x128xi32, #tpu.memory_space<vmem>> -> memref<1x128xi32, #tpu.memory_space<vmem>>
    %dma_start3A_143 = tpu.memref_squeeze %dma_start3A_142 : memref<1x128xi32, #tpu.memory_space<vmem>> -> memref<128xi32, #tpu.memory_space<vmem>>
    %dma_start3A_144 = arith.constant 0 : i32
    %dma_start3A_145 = arith.constant 0 : i32
    %dma_start3A_146 = tpu.memref_slice %arg4[%dma_start3A_144, %dma_start3A_145] : memref<10240x128xf32, #tpu.memory_space<hbm>> -> memref<10240x128xf32, #tpu.memory_space<hbm>>
    tpu.enqueue_indirect_dma source(%dma_start3A_146 : memref<10240x128xf32, #tpu.memory_space<hbm>>) target(%arg10 : memref<128x128xf32, #tpu.memory_space<vmem>>) offsets(%dma_start3A_143 : memref<128xi32, #tpu.memory_space<vmem>>) semaphore(%arg13 : memref<!tpu.dma_semaphore, #tpu.memory_space<semaphore_mem>>)
    %dma_wait3A_147 = arith.constant 38 : i32
    %dma_wait3A_148 = arith.constant 0 : i32
    %dma_wait3A_149 = tpu.memref_slice %arg7[%dma_wait3A_147, %dma_wait3A_148] : memref<40x128xi32, #tpu.memory_space<vmem>> -> memref<1x128xi32, #tpu.memory_space<vmem>>
    %dma_wait3A_150 = tpu.memref_squeeze %dma_wait3A_149 : memref<1x128xi32, #tpu.memory_space<vmem>> -> memref<128xi32, #tpu.memory_space<vmem>>
    %dma_wait3A_151 = arith.constant 0 : i32
    %dma_wait3A_152 = arith.constant 0 : i32
    %dma_wait3A_153 = tpu.memref_slice %arg4[%dma_wait3A_151, %dma_wait3A_152] : memref<10240x128xf32, #tpu.memory_space<hbm>> -> memref<10240x128xf32, #tpu.memory_space<hbm>>
    tpu.wait_indirect_dma semaphore(%arg12 : memref<!tpu.dma_semaphore, #tpu.memory_space<semaphore_mem>>) src(%dma_wait3A_153 : memref<10240x128xf32, #tpu.memory_space<hbm>>) dst(%arg9 : memref<128x128xf32, #tpu.memory_space<vmem>>)
    %run_scoped3A_154 = arith.constant 38 : i32
    "tpu.region"() ({
      %run_scoped3A_301 = tpu.sem_alloc : memref<!tpu.dma_semaphore, #tpu.memory_space<semaphore_mem>>
      %dma_start3A_302 = arith.constant 0 : i32
      %dma_start3A_303 = tpu.memref_slice %arg8[%run_scoped3A_154, %dma_start3A_302] : memref<40x128xi32, #tpu.memory_space<vmem>> -> memref<1x128xi32, #tpu.memory_space<vmem>>
      %dma_start3A_304 = tpu.memref_squeeze %dma_start3A_303 : memref<1x128xi32, #tpu.memory_space<vmem>> -> memref<128xi32, #tpu.memory_space<vmem>>
      %dma_start3A_305 = arith.constant 0 : i32
      %dma_start3A_306 = arith.constant 0 : i32
      %dma_start3A_307 = tpu.memref_slice %arg11[%dma_start3A_305, %dma_start3A_306] : memref<10240x128xf32, #tpu.memory_space<vmem_shared>> -> memref<10240x128xf32, #tpu.memory_space<vmem_shared>>
      tpu.enqueue_indirect_dma source(%arg9 : memref<128x128xf32, #tpu.memory_space<vmem>>) target(%dma_start3A_307 : memref<10240x128xf32, #tpu.memory_space<vmem_shared>>) offsets(%dma_start3A_304 : memref<128xi32, #tpu.memory_space<vmem>>) semaphore(%run_scoped3A_301 : memref<!tpu.dma_semaphore, #tpu.memory_space<semaphore_mem>>) {add = true}
      %dma_wait3A_308 = arith.constant 0 : i32
      %dma_wait3A_309 = tpu.memref_slice %arg8[%run_scoped3A_154, %dma_wait3A_308] : memref<40x128xi32, #tpu.memory_space<vmem>> -> memref<1x128xi32, #tpu.memory_space<vmem>>
      %dma_wait3A_310 = tpu.memref_squeeze %dma_wait3A_309 : memref<1x128xi32, #tpu.memory_space<vmem>> -> memref<128xi32, #tpu.memory_space<vmem>>
      %dma_wait3A_311 = arith.constant 0 : i32
      %dma_wait3A_312 = arith.constant 0 : i32
      %dma_wait3A_313 = tpu.memref_slice %arg11[%dma_wait3A_311, %dma_wait3A_312] : memref<10240x128xf32, #tpu.memory_space<vmem_shared>> -> memref<10240x128xf32, #tpu.memory_space<vmem_shared>>
      tpu.wait_indirect_dma semaphore(%run_scoped3A_301 : memref<!tpu.dma_semaphore, #tpu.memory_space<semaphore_mem>>) src(%arg9 : memref<128x128xf32, #tpu.memory_space<vmem>>) dst(%dma_wait3A_313 : memref<10240x128xf32, #tpu.memory_space<vmem_shared>>)
      tpu.yield
    }) : () -> ()
    %dma_wait3A_155 = arith.constant 39 : i32
    %dma_wait3A_156 = arith.constant 0 : i32
    %dma_wait3A_157 = tpu.memref_slice %arg7[%dma_wait3A_155, %dma_wait3A_156] : memref<40x128xi32, #tpu.memory_space<vmem>> -> memref<1x128xi32, #tpu.memory_space<vmem>>
    %dma_wait3A_158 = tpu.memref_squeeze %dma_wait3A_157 : memref<1x128xi32, #tpu.memory_space<vmem>> -> memref<128xi32, #tpu.memory_space<vmem>>
    %dma_wait3A_159 = arith.constant 0 : i32
    %dma_wait3A_160 = arith.constant 0 : i32
    %dma_wait3A_161 = tpu.memref_slice %arg4[%dma_wait3A_159, %dma_wait3A_160] : memref<10240x128xf32, #tpu.memory_space<hbm>> -> memref<10240x128xf32, #tpu.memory_space<hbm>>
    tpu.wait_indirect_dma semaphore(%arg13 : memref<!tpu.dma_semaphore, #tpu.memory_space<semaphore_mem>>) src(%dma_wait3A_161 : memref<10240x128xf32, #tpu.memory_space<hbm>>) dst(%arg10 : memref<128x128xf32, #tpu.memory_space<vmem>>)
    %run_scoped3A_162 = arith.constant 39 : i32
    "tpu.region"() ({
      %run_scoped3A_301 = tpu.sem_alloc : memref<!tpu.dma_semaphore, #tpu.memory_space<semaphore_mem>>
      %dma_start3A_302 = arith.constant 0 : i32
      %dma_start3A_303 = tpu.memref_slice %arg8[%run_scoped3A_162, %dma_start3A_302] : memref<40x128xi32, #tpu.memory_space<vmem>> -> memref<1x128xi32, #tpu.memory_space<vmem>>
      %dma_start3A_304 = tpu.memref_squeeze %dma_start3A_303 : memref<1x128xi32, #tpu.memory_space<vmem>> -> memref<128xi32, #tpu.memory_space<vmem>>
      %dma_start3A_305 = arith.constant 0 : i32
      %dma_start3A_306 = arith.constant 0 : i32
      %dma_start3A_307 = tpu.memref_slice %arg11[%dma_start3A_305, %dma_start3A_306] : memref<10240x128xf32, #tpu.memory_space<vmem_shared>> -> memref<10240x128xf32, #tpu.memory_space<vmem_shared>>
      tpu.enqueue_indirect_dma source(%arg10 : memref<128x128xf32, #tpu.memory_space<vmem>>) target(%dma_start3A_307 : memref<10240x128xf32, #tpu.memory_space<vmem_shared>>) offsets(%dma_start3A_304 : memref<128xi32, #tpu.memory_space<vmem>>) semaphore(%run_scoped3A_301 : memref<!tpu.dma_semaphore, #tpu.memory_space<semaphore_mem>>) {add = true}
      %dma_wait3A_308 = arith.constant 0 : i32
      %dma_wait3A_309 = tpu.memref_slice %arg8[%run_scoped3A_162, %dma_wait3A_308] : memref<40x128xi32, #tpu.memory_space<vmem>> -> memref<1x128xi32, #tpu.memory_space<vmem>>
      %dma_wait3A_310 = tpu.memref_squeeze %dma_wait3A_309 : memref<1x128xi32, #tpu.memory_space<vmem>> -> memref<128xi32, #tpu.memory_space<vmem>>
      %dma_wait3A_311 = arith.constant 0 : i32
      %dma_wait3A_312 = arith.constant 0 : i32
      %dma_wait3A_313 = tpu.memref_slice %arg11[%dma_wait3A_311, %dma_wait3A_312] : memref<10240x128xf32, #tpu.memory_space<vmem_shared>> -> memref<10240x128xf32, #tpu.memory_space<vmem_shared>>
      tpu.wait_indirect_dma semaphore(%run_scoped3A_301 : memref<!tpu.dma_semaphore, #tpu.memory_space<semaphore_mem>>) src(%arg10 : memref<128x128xf32, #tpu.memory_space<vmem>>) dst(%dma_wait3A_313 : memref<10240x128xf32, #tpu.memory_space<vmem_shared>>)
      tpu.yield
    }) : () -> ()
    %barrier3A_163 = arith.constant 0 : index
    tpu.barrier barrier_id(%barrier3A_163)
    %mul3A_164 = arith.constant 640 : i32
    %mul3A_165 = arith.muli %arg1, %mul3A_164 : i32
    %add3A_166 = arith.constant 0 : i32
    %add3A_167 = arith.addi %mul3A_165, %add3A_166 : i32
    "tpu.region"() ({
      %run_scoped3A_301 = tpu.sem_alloc : memref<!tpu.dma_semaphore, #tpu.memory_space<semaphore_mem>>
      %dma_start3A_302 = arith.constant 0 : i32
      %dma_start3A_303 = tpu.memref_slice %arg11[%add3A_167, %dma_start3A_302] : memref<10240x128xf32, #tpu.memory_space<vmem_shared>> -> memref<128x128xf32, #tpu.memory_space<vmem_shared>>
      %dma_start3A_304 = arith.constant 0 : i32
      %dma_start3A_305 = tpu.memref_slice %arg11[%add3A_167, %dma_start3A_304] : memref<10240x128xf32, #tpu.memory_space<vmem_shared>> -> memref<128x128xf32, #tpu.memory_space<vmem_shared>>
      tpu.enqueue_dma source(%dma_start3A_305 : memref<128x128xf32, #tpu.memory_space<vmem_shared>>) target(%arg9 : memref<128x128xf32, #tpu.memory_space<vmem>>) target_semaphore(%run_scoped3A_301 : memref<!tpu.dma_semaphore, #tpu.memory_space<semaphore_mem>>)
      %dma_wait3A_306 = arith.constant 0 : i32
      %dma_wait3A_307 = tpu.memref_slice %arg11[%add3A_167, %dma_wait3A_306] : memref<10240x128xf32, #tpu.memory_space<vmem_shared>> -> memref<128x128xf32, #tpu.memory_space<vmem_shared>>
      %dma_wait3A_308 = arith.constant 0 : i32
      %dma_wait3A_309 = tpu.memref_slice %arg11[%add3A_167, %dma_wait3A_308] : memref<10240x128xf32, #tpu.memory_space<vmem_shared>> -> memref<128x128xf32, #tpu.memory_space<vmem_shared>>
      tpu.wait_dma2 semaphore(%run_scoped3A_301 : memref<!tpu.dma_semaphore, #tpu.memory_space<semaphore_mem>>) src(%dma_wait3A_309 : memref<128x128xf32, #tpu.memory_space<vmem_shared>>) dst(%arg9 : memref<128x128xf32, #tpu.memory_space<vmem>>)
      tpu.yield
    }) : () -> ()
    %eq3A = arith.constant 0 : i32
    %eq3A_168 = arith.cmpi eq, %arg0, %eq3A : i32
    %convert_element_type3A = arith.extui %eq3A_168 : i1 to i32
    %cond3A = arith.constant 0 : i32
    %cond3A_169 = arith.cmpi ne, %convert_element_type3A, %cond3A : i32
    scf.if %cond3A_169 {
      %dma_start3A_301 = arith.constant 0 : i32
      %dma_start3A_302 = tpu.memref_slice %arg5[%add3A_167, %dma_start3A_301] : memref<10240x128xf32, #tpu.memory_space<hbm>> -> memref<128x128xf32, #tpu.memory_space<hbm>>
      %dma_start3A_303 = arith.constant 0 : i32
      %dma_start3A_304 = tpu.memref_slice %arg5[%add3A_167, %dma_start3A_303] : memref<10240x128xf32, #tpu.memory_space<hbm>> -> memref<128x128xf32, #tpu.memory_space<hbm>>
      tpu.enqueue_dma source(%arg9 : memref<128x128xf32, #tpu.memory_space<vmem>>) target(%dma_start3A_304 : memref<128x128xf32, #tpu.memory_space<hbm>>) target_semaphore(%arg12 : memref<!tpu.dma_semaphore, #tpu.memory_space<semaphore_mem>>)
    } else {
    }
    %eq3A_170 = arith.constant 1 : i32
    %eq3A_171 = arith.cmpi eq, %arg0, %eq3A_170 : i32
    %convert_element_type3A_172 = arith.extui %eq3A_171 : i1 to i32
    %cond3A_173 = arith.constant 0 : i32
    %cond3A_174 = arith.cmpi ne, %convert_element_type3A_172, %cond3A_173 : i32
    scf.if %cond3A_174 {
      %dma_start3A_301 = arith.constant 0 : i32
      %dma_start3A_302 = tpu.memref_slice %arg6[%add3A_167, %dma_start3A_301] : memref<10240x128xf32, #tpu.memory_space<hbm>> -> memref<128x128xf32, #tpu.memory_space<hbm>>
      %dma_start3A_303 = arith.constant 0 : i32
      %dma_start3A_304 = tpu.memref_slice %arg6[%add3A_167, %dma_start3A_303] : memref<10240x128xf32, #tpu.memory_space<hbm>> -> memref<128x128xf32, #tpu.memory_space<hbm>>
      tpu.enqueue_dma source(%arg9 : memref<128x128xf32, #tpu.memory_space<vmem>>) target(%dma_start3A_304 : memref<128x128xf32, #tpu.memory_space<hbm>>) target_semaphore(%arg12 : memref<!tpu.dma_semaphore, #tpu.memory_space<semaphore_mem>>)
    } else {
    }
    %mul3A_175 = arith.constant 640 : i32
    %mul3A_176 = arith.muli %arg1, %mul3A_175 : i32
    %add3A_177 = arith.constant 128 : i32
    %add3A_178 = arith.addi %mul3A_176, %add3A_177 : i32
    "tpu.region"() ({
      %run_scoped3A_301 = tpu.sem_alloc : memref<!tpu.dma_semaphore, #tpu.memory_space<semaphore_mem>>
      %dma_start3A_302 = arith.constant 0 : i32
      %dma_start3A_303 = tpu.memref_slice %arg11[%add3A_178, %dma_start3A_302] : memref<10240x128xf32, #tpu.memory_space<vmem_shared>> -> memref<128x128xf32, #tpu.memory_space<vmem_shared>>
      %dma_start3A_304 = arith.constant 0 : i32
      %dma_start3A_305 = tpu.memref_slice %arg11[%add3A_178, %dma_start3A_304] : memref<10240x128xf32, #tpu.memory_space<vmem_shared>> -> memref<128x128xf32, #tpu.memory_space<vmem_shared>>
      tpu.enqueue_dma source(%dma_start3A_305 : memref<128x128xf32, #tpu.memory_space<vmem_shared>>) target(%arg10 : memref<128x128xf32, #tpu.memory_space<vmem>>) target_semaphore(%run_scoped3A_301 : memref<!tpu.dma_semaphore, #tpu.memory_space<semaphore_mem>>)
      %dma_wait3A_306 = arith.constant 0 : i32
      %dma_wait3A_307 = tpu.memref_slice %arg11[%add3A_178, %dma_wait3A_306] : memref<10240x128xf32, #tpu.memory_space<vmem_shared>> -> memref<128x128xf32, #tpu.memory_space<vmem_shared>>
      %dma_wait3A_308 = arith.constant 0 : i32
      %dma_wait3A_309 = tpu.memref_slice %arg11[%add3A_178, %dma_wait3A_308] : memref<10240x128xf32, #tpu.memory_space<vmem_shared>> -> memref<128x128xf32, #tpu.memory_space<vmem_shared>>
      tpu.wait_dma2 semaphore(%run_scoped3A_301 : memref<!tpu.dma_semaphore, #tpu.memory_space<semaphore_mem>>) src(%dma_wait3A_309 : memref<128x128xf32, #tpu.memory_space<vmem_shared>>) dst(%arg10 : memref<128x128xf32, #tpu.memory_space<vmem>>)
      tpu.yield
    }) : () -> ()
    %eq3A_179 = arith.constant 0 : i32
    %eq3A_180 = arith.cmpi eq, %arg0, %eq3A_179 : i32
    %convert_element_type3A_181 = arith.extui %eq3A_180 : i1 to i32
    %cond3A_182 = arith.constant 0 : i32
    %cond3A_183 = arith.cmpi ne, %convert_element_type3A_181, %cond3A_182 : i32
    scf.if %cond3A_183 {
      %dma_start3A_301 = arith.constant 0 : i32
      %dma_start3A_302 = tpu.memref_slice %arg5[%add3A_178, %dma_start3A_301] : memref<10240x128xf32, #tpu.memory_space<hbm>> -> memref<128x128xf32, #tpu.memory_space<hbm>>
      %dma_start3A_303 = arith.constant 0 : i32
      %dma_start3A_304 = tpu.memref_slice %arg5[%add3A_178, %dma_start3A_303] : memref<10240x128xf32, #tpu.memory_space<hbm>> -> memref<128x128xf32, #tpu.memory_space<hbm>>
      tpu.enqueue_dma source(%arg10 : memref<128x128xf32, #tpu.memory_space<vmem>>) target(%dma_start3A_304 : memref<128x128xf32, #tpu.memory_space<hbm>>) target_semaphore(%arg13 : memref<!tpu.dma_semaphore, #tpu.memory_space<semaphore_mem>>)
    } else {
    }
    %eq3A_184 = arith.constant 1 : i32
    %eq3A_185 = arith.cmpi eq, %arg0, %eq3A_184 : i32
    %convert_element_type3A_186 = arith.extui %eq3A_185 : i1 to i32
    %cond3A_187 = arith.constant 0 : i32
    %cond3A_188 = arith.cmpi ne, %convert_element_type3A_186, %cond3A_187 : i32
    scf.if %cond3A_188 {
      %dma_start3A_301 = arith.constant 0 : i32
      %dma_start3A_302 = tpu.memref_slice %arg6[%add3A_178, %dma_start3A_301] : memref<10240x128xf32, #tpu.memory_space<hbm>> -> memref<128x128xf32, #tpu.memory_space<hbm>>
      %dma_start3A_303 = arith.constant 0 : i32
      %dma_start3A_304 = tpu.memref_slice %arg6[%add3A_178, %dma_start3A_303] : memref<10240x128xf32, #tpu.memory_space<hbm>> -> memref<128x128xf32, #tpu.memory_space<hbm>>
      tpu.enqueue_dma source(%arg10 : memref<128x128xf32, #tpu.memory_space<vmem>>) target(%dma_start3A_304 : memref<128x128xf32, #tpu.memory_space<hbm>>) target_semaphore(%arg13 : memref<!tpu.dma_semaphore, #tpu.memory_space<semaphore_mem>>)
    } else {
    }
    %mul3A_189 = arith.constant 640 : i32
    %mul3A_190 = arith.muli %arg1, %mul3A_189 : i32
    %add3A_191 = arith.constant 256 : i32
    %add3A_192 = arith.addi %mul3A_190, %add3A_191 : i32
    %mul3A_193 = arith.constant 640 : i32
    %mul3A_194 = arith.muli %arg1, %mul3A_193 : i32
    %add3A_195 = arith.constant 0 : i32
    %add3A_196 = arith.addi %mul3A_194, %add3A_195 : i32
    %eq3A_197 = arith.constant 0 : i32
    %eq3A_198 = arith.cmpi eq, %arg0, %eq3A_197 : i32
    %convert_element_type3A_199 = arith.extui %eq3A_198 : i1 to i32
    %cond3A_200 = arith.constant 0 : i32
    %cond3A_201 = arith.cmpi ne, %convert_element_type3A_199, %cond3A_200 : i32
    scf.if %cond3A_201 {
      %dma_wait3A_301 = arith.constant 0 : i32
      %dma_wait3A_302 = tpu.memref_slice %arg5[%add3A_196, %dma_wait3A_301] : memref<10240x128xf32, #tpu.memory_space<hbm>> -> memref<128x128xf32, #tpu.memory_space<hbm>>
      %dma_wait3A_303 = arith.constant 0 : i32
      %dma_wait3A_304 = tpu.memref_slice %arg5[%add3A_196, %dma_wait3A_303] : memref<10240x128xf32, #tpu.memory_space<hbm>> -> memref<128x128xf32, #tpu.memory_space<hbm>>
      tpu.wait_dma2 semaphore(%arg12 : memref<!tpu.dma_semaphore, #tpu.memory_space<semaphore_mem>>) src(%arg9 : memref<128x128xf32, #tpu.memory_space<vmem>>) dst(%dma_wait3A_304 : memref<128x128xf32, #tpu.memory_space<hbm>>)
    } else {
    }
    %eq3A_202 = arith.constant 1 : i32
    %eq3A_203 = arith.cmpi eq, %arg0, %eq3A_202 : i32
    %convert_element_type3A_204 = arith.extui %eq3A_203 : i1 to i32
    %cond3A_205 = arith.constant 0 : i32
    %cond3A_206 = arith.cmpi ne, %convert_element_type3A_204, %cond3A_205 : i32
    scf.if %cond3A_206 {
      %dma_wait3A_301 = arith.constant 0 : i32
      %dma_wait3A_302 = tpu.memref_slice %arg6[%add3A_196, %dma_wait3A_301] : memref<10240x128xf32, #tpu.memory_space<hbm>> -> memref<128x128xf32, #tpu.memory_space<hbm>>
      %dma_wait3A_303 = arith.constant 0 : i32
      %dma_wait3A_304 = tpu.memref_slice %arg6[%add3A_196, %dma_wait3A_303] : memref<10240x128xf32, #tpu.memory_space<hbm>> -> memref<128x128xf32, #tpu.memory_space<hbm>>
      tpu.wait_dma2 semaphore(%arg12 : memref<!tpu.dma_semaphore, #tpu.memory_space<semaphore_mem>>) src(%arg9 : memref<128x128xf32, #tpu.memory_space<vmem>>) dst(%dma_wait3A_304 : memref<128x128xf32, #tpu.memory_space<hbm>>)
    } else {
    }
    "tpu.region"() ({
      %run_scoped3A_301 = tpu.sem_alloc : memref<!tpu.dma_semaphore, #tpu.memory_space<semaphore_mem>>
      %dma_start3A_302 = arith.constant 0 : i32
      %dma_start3A_303 = tpu.memref_slice %arg11[%add3A_192, %dma_start3A_302] : memref<10240x128xf32, #tpu.memory_space<vmem_shared>> -> memref<128x128xf32, #tpu.memory_space<vmem_shared>>
      %dma_start3A_304 = arith.constant 0 : i32
      %dma_start3A_305 = tpu.memref_slice %arg11[%add3A_192, %dma_start3A_304] : memref<10240x128xf32, #tpu.memory_space<vmem_shared>> -> memref<128x128xf32, #tpu.memory_space<vmem_shared>>
      tpu.enqueue_dma source(%dma_start3A_305 : memref<128x128xf32, #tpu.memory_space<vmem_shared>>) target(%arg9 : memref<128x128xf32, #tpu.memory_space<vmem>>) target_semaphore(%run_scoped3A_301 : memref<!tpu.dma_semaphore, #tpu.memory_space<semaphore_mem>>)
      %dma_wait3A_306 = arith.constant 0 : i32
      %dma_wait3A_307 = tpu.memref_slice %arg11[%add3A_192, %dma_wait3A_306] : memref<10240x128xf32, #tpu.memory_space<vmem_shared>> -> memref<128x128xf32, #tpu.memory_space<vmem_shared>>
      %dma_wait3A_308 = arith.constant 0 : i32
      %dma_wait3A_309 = tpu.memref_slice %arg11[%add3A_192, %dma_wait3A_308] : memref<10240x128xf32, #tpu.memory_space<vmem_shared>> -> memref<128x128xf32, #tpu.memory_space<vmem_shared>>
      tpu.wait_dma2 semaphore(%run_scoped3A_301 : memref<!tpu.dma_semaphore, #tpu.memory_space<semaphore_mem>>) src(%dma_wait3A_309 : memref<128x128xf32, #tpu.memory_space<vmem_shared>>) dst(%arg9 : memref<128x128xf32, #tpu.memory_space<vmem>>)
      tpu.yield
    }) : () -> ()
    %eq3A_207 = arith.constant 0 : i32
    %eq3A_208 = arith.cmpi eq, %arg0, %eq3A_207 : i32
    %convert_element_type3A_209 = arith.extui %eq3A_208 : i1 to i32
    %cond3A_210 = arith.constant 0 : i32
    %cond3A_211 = arith.cmpi ne, %convert_element_type3A_209, %cond3A_210 : i32
    scf.if %cond3A_211 {
      %dma_start3A_301 = arith.constant 0 : i32
      %dma_start3A_302 = tpu.memref_slice %arg5[%add3A_192, %dma_start3A_301] : memref<10240x128xf32, #tpu.memory_space<hbm>> -> memref<128x128xf32, #tpu.memory_space<hbm>>
      %dma_start3A_303 = arith.constant 0 : i32
      %dma_start3A_304 = tpu.memref_slice %arg5[%add3A_192, %dma_start3A_303] : memref<10240x128xf32, #tpu.memory_space<hbm>> -> memref<128x128xf32, #tpu.memory_space<hbm>>
      tpu.enqueue_dma source(%arg9 : memref<128x128xf32, #tpu.memory_space<vmem>>) target(%dma_start3A_304 : memref<128x128xf32, #tpu.memory_space<hbm>>) target_semaphore(%arg12 : memref<!tpu.dma_semaphore, #tpu.memory_space<semaphore_mem>>)
    } else {
    }
    %eq3A_212 = arith.constant 1 : i32
    %eq3A_213 = arith.cmpi eq, %arg0, %eq3A_212 : i32
    %convert_element_type3A_214 = arith.extui %eq3A_213 : i1 to i32
    %cond3A_215 = arith.constant 0 : i32
    %cond3A_216 = arith.cmpi ne, %convert_element_type3A_214, %cond3A_215 : i32
    scf.if %cond3A_216 {
      %dma_start3A_301 = arith.constant 0 : i32
      %dma_start3A_302 = tpu.memref_slice %arg6[%add3A_192, %dma_start3A_301] : memref<10240x128xf32, #tpu.memory_space<hbm>> -> memref<128x128xf32, #tpu.memory_space<hbm>>
      %dma_start3A_303 = arith.constant 0 : i32
      %dma_start3A_304 = tpu.memref_slice %arg6[%add3A_192, %dma_start3A_303] : memref<10240x128xf32, #tpu.memory_space<hbm>> -> memref<128x128xf32, #tpu.memory_space<hbm>>
      tpu.enqueue_dma source(%arg9 : memref<128x128xf32, #tpu.memory_space<vmem>>) target(%dma_start3A_304 : memref<128x128xf32, #tpu.memory_space<hbm>>) target_semaphore(%arg12 : memref<!tpu.dma_semaphore, #tpu.memory_space<semaphore_mem>>)
    } else {
    }
    %mul3A_217 = arith.constant 640 : i32
    %mul3A_218 = arith.muli %arg1, %mul3A_217 : i32
    %add3A_219 = arith.constant 384 : i32
    %add3A_220 = arith.addi %mul3A_218, %add3A_219 : i32
    %mul3A_221 = arith.constant 640 : i32
    %mul3A_222 = arith.muli %arg1, %mul3A_221 : i32
    %add3A_223 = arith.constant 128 : i32
    %add3A_224 = arith.addi %mul3A_222, %add3A_223 : i32
    %eq3A_225 = arith.constant 0 : i32
    %eq3A_226 = arith.cmpi eq, %arg0, %eq3A_225 : i32
    %convert_element_type3A_227 = arith.extui %eq3A_226 : i1 to i32
    %cond3A_228 = arith.constant 0 : i32
    %cond3A_229 = arith.cmpi ne, %convert_element_type3A_227, %cond3A_228 : i32
    scf.if %cond3A_229 {
      %dma_wait3A_301 = arith.constant 0 : i32
      %dma_wait3A_302 = tpu.memref_slice %arg5[%add3A_224, %dma_wait3A_301] : memref<10240x128xf32, #tpu.memory_space<hbm>> -> memref<128x128xf32, #tpu.memory_space<hbm>>
      %dma_wait3A_303 = arith.constant 0 : i32
      %dma_wait3A_304 = tpu.memref_slice %arg5[%add3A_224, %dma_wait3A_303] : memref<10240x128xf32, #tpu.memory_space<hbm>> -> memref<128x128xf32, #tpu.memory_space<hbm>>
      tpu.wait_dma2 semaphore(%arg13 : memref<!tpu.dma_semaphore, #tpu.memory_space<semaphore_mem>>) src(%arg10 : memref<128x128xf32, #tpu.memory_space<vmem>>) dst(%dma_wait3A_304 : memref<128x128xf32, #tpu.memory_space<hbm>>)
    } else {
    }
    %eq3A_230 = arith.constant 1 : i32
    %eq3A_231 = arith.cmpi eq, %arg0, %eq3A_230 : i32
    %convert_element_type3A_232 = arith.extui %eq3A_231 : i1 to i32
    %cond3A_233 = arith.constant 0 : i32
    %cond3A_234 = arith.cmpi ne, %convert_element_type3A_232, %cond3A_233 : i32
    scf.if %cond3A_234 {
      %dma_wait3A_301 = arith.constant 0 : i32
      %dma_wait3A_302 = tpu.memref_slice %arg6[%add3A_224, %dma_wait3A_301] : memref<10240x128xf32, #tpu.memory_space<hbm>> -> memref<128x128xf32, #tpu.memory_space<hbm>>
      %dma_wait3A_303 = arith.constant 0 : i32
      %dma_wait3A_304 = tpu.memref_slice %arg6[%add3A_224, %dma_wait3A_303] : memref<10240x128xf32, #tpu.memory_space<hbm>> -> memref<128x128xf32, #tpu.memory_space<hbm>>
      tpu.wait_dma2 semaphore(%arg13 : memref<!tpu.dma_semaphore, #tpu.memory_space<semaphore_mem>>) src(%arg10 : memref<128x128xf32, #tpu.memory_space<vmem>>) dst(%dma_wait3A_304 : memref<128x128xf32, #tpu.memory_space<hbm>>)
    } else {
    }
    "tpu.region"() ({
      %run_scoped3A_301 = tpu.sem_alloc : memref<!tpu.dma_semaphore, #tpu.memory_space<semaphore_mem>>
      %dma_start3A_302 = arith.constant 0 : i32
      %dma_start3A_303 = tpu.memref_slice %arg11[%add3A_220, %dma_start3A_302] : memref<10240x128xf32, #tpu.memory_space<vmem_shared>> -> memref<128x128xf32, #tpu.memory_space<vmem_shared>>
      %dma_start3A_304 = arith.constant 0 : i32
      %dma_start3A_305 = tpu.memref_slice %arg11[%add3A_220, %dma_start3A_304] : memref<10240x128xf32, #tpu.memory_space<vmem_shared>> -> memref<128x128xf32, #tpu.memory_space<vmem_shared>>
      tpu.enqueue_dma source(%dma_start3A_305 : memref<128x128xf32, #tpu.memory_space<vmem_shared>>) target(%arg10 : memref<128x128xf32, #tpu.memory_space<vmem>>) target_semaphore(%run_scoped3A_301 : memref<!tpu.dma_semaphore, #tpu.memory_space<semaphore_mem>>)
      %dma_wait3A_306 = arith.constant 0 : i32
      %dma_wait3A_307 = tpu.memref_slice %arg11[%add3A_220, %dma_wait3A_306] : memref<10240x128xf32, #tpu.memory_space<vmem_shared>> -> memref<128x128xf32, #tpu.memory_space<vmem_shared>>
      %dma_wait3A_308 = arith.constant 0 : i32
      %dma_wait3A_309 = tpu.memref_slice %arg11[%add3A_220, %dma_wait3A_308] : memref<10240x128xf32, #tpu.memory_space<vmem_shared>> -> memref<128x128xf32, #tpu.memory_space<vmem_shared>>
      tpu.wait_dma2 semaphore(%run_scoped3A_301 : memref<!tpu.dma_semaphore, #tpu.memory_space<semaphore_mem>>) src(%dma_wait3A_309 : memref<128x128xf32, #tpu.memory_space<vmem_shared>>) dst(%arg10 : memref<128x128xf32, #tpu.memory_space<vmem>>)
      tpu.yield
    }) : () -> ()
    %eq3A_235 = arith.constant 0 : i32
    %eq3A_236 = arith.cmpi eq, %arg0, %eq3A_235 : i32
    %convert_element_type3A_237 = arith.extui %eq3A_236 : i1 to i32
    %cond3A_238 = arith.constant 0 : i32
    %cond3A_239 = arith.cmpi ne, %convert_element_type3A_237, %cond3A_238 : i32
    scf.if %cond3A_239 {
      %dma_start3A_301 = arith.constant 0 : i32
      %dma_start3A_302 = tpu.memref_slice %arg5[%add3A_220, %dma_start3A_301] : memref<10240x128xf32, #tpu.memory_space<hbm>> -> memref<128x128xf32, #tpu.memory_space<hbm>>
      %dma_start3A_303 = arith.constant 0 : i32
      %dma_start3A_304 = tpu.memref_slice %arg5[%add3A_220, %dma_start3A_303] : memref<10240x128xf32, #tpu.memory_space<hbm>> -> memref<128x128xf32, #tpu.memory_space<hbm>>
      tpu.enqueue_dma source(%arg10 : memref<128x128xf32, #tpu.memory_space<vmem>>) target(%dma_start3A_304 : memref<128x128xf32, #tpu.memory_space<hbm>>) target_semaphore(%arg13 : memref<!tpu.dma_semaphore, #tpu.memory_space<semaphore_mem>>)
    } else {
    }
    %eq3A_240 = arith.constant 1 : i32
    %eq3A_241 = arith.cmpi eq, %arg0, %eq3A_240 : i32
    %convert_element_type3A_242 = arith.extui %eq3A_241 : i1 to i32
    %cond3A_243 = arith.constant 0 : i32
    %cond3A_244 = arith.cmpi ne, %convert_element_type3A_242, %cond3A_243 : i32
    scf.if %cond3A_244 {
      %dma_start3A_301 = arith.constant 0 : i32
      %dma_start3A_302 = tpu.memref_slice %arg6[%add3A_220, %dma_start3A_301] : memref<10240x128xf32, #tpu.memory_space<hbm>> -> memref<128x128xf32, #tpu.memory_space<hbm>>
      %dma_start3A_303 = arith.constant 0 : i32
      %dma_start3A_304 = tpu.memref_slice %arg6[%add3A_220, %dma_start3A_303] : memref<10240x128xf32, #tpu.memory_space<hbm>> -> memref<128x128xf32, #tpu.memory_space<hbm>>
      tpu.enqueue_dma source(%arg10 : memref<128x128xf32, #tpu.memory_space<vmem>>) target(%dma_start3A_304 : memref<128x128xf32, #tpu.memory_space<hbm>>) target_semaphore(%arg13 : memref<!tpu.dma_semaphore, #tpu.memory_space<semaphore_mem>>)
    } else {
    }
    %mul3A_245 = arith.constant 640 : i32
    %mul3A_246 = arith.muli %arg1, %mul3A_245 : i32
    %add3A_247 = arith.constant 512 : i32
    %add3A_248 = arith.addi %mul3A_246, %add3A_247 : i32
    %mul3A_249 = arith.constant 640 : i32
    %mul3A_250 = arith.muli %arg1, %mul3A_249 : i32
    %add3A_251 = arith.constant 256 : i32
    %add3A_252 = arith.addi %mul3A_250, %add3A_251 : i32
    %eq3A_253 = arith.constant 0 : i32
    %eq3A_254 = arith.cmpi eq, %arg0, %eq3A_253 : i32
    %convert_element_type3A_255 = arith.extui %eq3A_254 : i1 to i32
    %cond3A_256 = arith.constant 0 : i32
    %cond3A_257 = arith.cmpi ne, %convert_element_type3A_255, %cond3A_256 : i32
    scf.if %cond3A_257 {
      %dma_wait3A_301 = arith.constant 0 : i32
      %dma_wait3A_302 = tpu.memref_slice %arg5[%add3A_252, %dma_wait3A_301] : memref<10240x128xf32, #tpu.memory_space<hbm>> -> memref<128x128xf32, #tpu.memory_space<hbm>>
      %dma_wait3A_303 = arith.constant 0 : i32
      %dma_wait3A_304 = tpu.memref_slice %arg5[%add3A_252, %dma_wait3A_303] : memref<10240x128xf32, #tpu.memory_space<hbm>> -> memref<128x128xf32, #tpu.memory_space<hbm>>
      tpu.wait_dma2 semaphore(%arg12 : memref<!tpu.dma_semaphore, #tpu.memory_space<semaphore_mem>>) src(%arg9 : memref<128x128xf32, #tpu.memory_space<vmem>>) dst(%dma_wait3A_304 : memref<128x128xf32, #tpu.memory_space<hbm>>)
    } else {
    }
    %eq3A_258 = arith.constant 1 : i32
    %eq3A_259 = arith.cmpi eq, %arg0, %eq3A_258 : i32
    %convert_element_type3A_260 = arith.extui %eq3A_259 : i1 to i32
    %cond3A_261 = arith.constant 0 : i32
    %cond3A_262 = arith.cmpi ne, %convert_element_type3A_260, %cond3A_261 : i32
    scf.if %cond3A_262 {
      %dma_wait3A_301 = arith.constant 0 : i32
      %dma_wait3A_302 = tpu.memref_slice %arg6[%add3A_252, %dma_wait3A_301] : memref<10240x128xf32, #tpu.memory_space<hbm>> -> memref<128x128xf32, #tpu.memory_space<hbm>>
      %dma_wait3A_303 = arith.constant 0 : i32
      %dma_wait3A_304 = tpu.memref_slice %arg6[%add3A_252, %dma_wait3A_303] : memref<10240x128xf32, #tpu.memory_space<hbm>> -> memref<128x128xf32, #tpu.memory_space<hbm>>
      tpu.wait_dma2 semaphore(%arg12 : memref<!tpu.dma_semaphore, #tpu.memory_space<semaphore_mem>>) src(%arg9 : memref<128x128xf32, #tpu.memory_space<vmem>>) dst(%dma_wait3A_304 : memref<128x128xf32, #tpu.memory_space<hbm>>)
    } else {
    }
    "tpu.region"() ({
      %run_scoped3A_301 = tpu.sem_alloc : memref<!tpu.dma_semaphore, #tpu.memory_space<semaphore_mem>>
      %dma_start3A_302 = arith.constant 0 : i32
      %dma_start3A_303 = tpu.memref_slice %arg11[%add3A_248, %dma_start3A_302] : memref<10240x128xf32, #tpu.memory_space<vmem_shared>> -> memref<128x128xf32, #tpu.memory_space<vmem_shared>>
      %dma_start3A_304 = arith.constant 0 : i32
      %dma_start3A_305 = tpu.memref_slice %arg11[%add3A_248, %dma_start3A_304] : memref<10240x128xf32, #tpu.memory_space<vmem_shared>> -> memref<128x128xf32, #tpu.memory_space<vmem_shared>>
      tpu.enqueue_dma source(%dma_start3A_305 : memref<128x128xf32, #tpu.memory_space<vmem_shared>>) target(%arg9 : memref<128x128xf32, #tpu.memory_space<vmem>>) target_semaphore(%run_scoped3A_301 : memref<!tpu.dma_semaphore, #tpu.memory_space<semaphore_mem>>)
      %dma_wait3A_306 = arith.constant 0 : i32
      %dma_wait3A_307 = tpu.memref_slice %arg11[%add3A_248, %dma_wait3A_306] : memref<10240x128xf32, #tpu.memory_space<vmem_shared>> -> memref<128x128xf32, #tpu.memory_space<vmem_shared>>
      %dma_wait3A_308 = arith.constant 0 : i32
      %dma_wait3A_309 = tpu.memref_slice %arg11[%add3A_248, %dma_wait3A_308] : memref<10240x128xf32, #tpu.memory_space<vmem_shared>> -> memref<128x128xf32, #tpu.memory_space<vmem_shared>>
      tpu.wait_dma2 semaphore(%run_scoped3A_301 : memref<!tpu.dma_semaphore, #tpu.memory_space<semaphore_mem>>) src(%dma_wait3A_309 : memref<128x128xf32, #tpu.memory_space<vmem_shared>>) dst(%arg9 : memref<128x128xf32, #tpu.memory_space<vmem>>)
      tpu.yield
    }) : () -> ()
    %eq3A_263 = arith.constant 0 : i32
    %eq3A_264 = arith.cmpi eq, %arg0, %eq3A_263 : i32
    %convert_element_type3A_265 = arith.extui %eq3A_264 : i1 to i32
    %cond3A_266 = arith.constant 0 : i32
    %cond3A_267 = arith.cmpi ne, %convert_element_type3A_265, %cond3A_266 : i32
    scf.if %cond3A_267 {
      %dma_start3A_301 = arith.constant 0 : i32
      %dma_start3A_302 = tpu.memref_slice %arg5[%add3A_248, %dma_start3A_301] : memref<10240x128xf32, #tpu.memory_space<hbm>> -> memref<128x128xf32, #tpu.memory_space<hbm>>
      %dma_start3A_303 = arith.constant 0 : i32
      %dma_start3A_304 = tpu.memref_slice %arg5[%add3A_248, %dma_start3A_303] : memref<10240x128xf32, #tpu.memory_space<hbm>> -> memref<128x128xf32, #tpu.memory_space<hbm>>
      tpu.enqueue_dma source(%arg9 : memref<128x128xf32, #tpu.memory_space<vmem>>) target(%dma_start3A_304 : memref<128x128xf32, #tpu.memory_space<hbm>>) target_semaphore(%arg12 : memref<!tpu.dma_semaphore, #tpu.memory_space<semaphore_mem>>)
    } else {
    }
    %eq3A_268 = arith.constant 1 : i32
    %eq3A_269 = arith.cmpi eq, %arg0, %eq3A_268 : i32
    %convert_element_type3A_270 = arith.extui %eq3A_269 : i1 to i32
    %cond3A_271 = arith.constant 0 : i32
    %cond3A_272 = arith.cmpi ne, %convert_element_type3A_270, %cond3A_271 : i32
    scf.if %cond3A_272 {
      %dma_start3A_301 = arith.constant 0 : i32
      %dma_start3A_302 = tpu.memref_slice %arg6[%add3A_248, %dma_start3A_301] : memref<10240x128xf32, #tpu.memory_space<hbm>> -> memref<128x128xf32, #tpu.memory_space<hbm>>
      %dma_start3A_303 = arith.constant 0 : i32
      %dma_start3A_304 = tpu.memref_slice %arg6[%add3A_248, %dma_start3A_303] : memref<10240x128xf32, #tpu.memory_space<hbm>> -> memref<128x128xf32, #tpu.memory_space<hbm>>
      tpu.enqueue_dma source(%arg9 : memref<128x128xf32, #tpu.memory_space<vmem>>) target(%dma_start3A_304 : memref<128x128xf32, #tpu.memory_space<hbm>>) target_semaphore(%arg12 : memref<!tpu.dma_semaphore, #tpu.memory_space<semaphore_mem>>)
    } else {
    }
    %mul3A_273 = arith.constant 640 : i32
    %mul3A_274 = arith.muli %arg1, %mul3A_273 : i32
    %add3A_275 = arith.constant 384 : i32
    %add3A_276 = arith.addi %mul3A_274, %add3A_275 : i32
    %eq3A_277 = arith.constant 0 : i32
    %eq3A_278 = arith.cmpi eq, %arg0, %eq3A_277 : i32
    %convert_element_type3A_279 = arith.extui %eq3A_278 : i1 to i32
    %cond3A_280 = arith.constant 0 : i32
    %cond3A_281 = arith.cmpi ne, %convert_element_type3A_279, %cond3A_280 : i32
    scf.if %cond3A_281 {
      %dma_wait3A_301 = arith.constant 0 : i32
      %dma_wait3A_302 = tpu.memref_slice %arg5[%add3A_276, %dma_wait3A_301] : memref<10240x128xf32, #tpu.memory_space<hbm>> -> memref<128x128xf32, #tpu.memory_space<hbm>>
      %dma_wait3A_303 = arith.constant 0 : i32
      %dma_wait3A_304 = tpu.memref_slice %arg5[%add3A_276, %dma_wait3A_303] : memref<10240x128xf32, #tpu.memory_space<hbm>> -> memref<128x128xf32, #tpu.memory_space<hbm>>
      tpu.wait_dma2 semaphore(%arg13 : memref<!tpu.dma_semaphore, #tpu.memory_space<semaphore_mem>>) src(%arg10 : memref<128x128xf32, #tpu.memory_space<vmem>>) dst(%dma_wait3A_304 : memref<128x128xf32, #tpu.memory_space<hbm>>)
    } else {
    }
    %eq3A_282 = arith.constant 1 : i32
    %eq3A_283 = arith.cmpi eq, %arg0, %eq3A_282 : i32
    %convert_element_type3A_284 = arith.extui %eq3A_283 : i1 to i32
    %cond3A_285 = arith.constant 0 : i32
    %cond3A_286 = arith.cmpi ne, %convert_element_type3A_284, %cond3A_285 : i32
    scf.if %cond3A_286 {
      %dma_wait3A_301 = arith.constant 0 : i32
      %dma_wait3A_302 = tpu.memref_slice %arg6[%add3A_276, %dma_wait3A_301] : memref<10240x128xf32, #tpu.memory_space<hbm>> -> memref<128x128xf32, #tpu.memory_space<hbm>>
      %dma_wait3A_303 = arith.constant 0 : i32
      %dma_wait3A_304 = tpu.memref_slice %arg6[%add3A_276, %dma_wait3A_303] : memref<10240x128xf32, #tpu.memory_space<hbm>> -> memref<128x128xf32, #tpu.memory_space<hbm>>
      tpu.wait_dma2 semaphore(%arg13 : memref<!tpu.dma_semaphore, #tpu.memory_space<semaphore_mem>>) src(%arg10 : memref<128x128xf32, #tpu.memory_space<vmem>>) dst(%dma_wait3A_304 : memref<128x128xf32, #tpu.memory_space<hbm>>)
    } else {
    }
    %mul3A_287 = arith.constant 640 : i32
    %mul3A_288 = arith.muli %arg1, %mul3A_287 : i32
    %add3A_289 = arith.constant 512 : i32
    %add3A_290 = arith.addi %mul3A_288, %add3A_289 : i32
    %eq3A_291 = arith.constant 0 : i32
    %eq3A_292 = arith.cmpi eq, %arg0, %eq3A_291 : i32
    %convert_element_type3A_293 = arith.extui %eq3A_292 : i1 to i32
    %cond3A_294 = arith.constant 0 : i32
    %cond3A_295 = arith.cmpi ne, %convert_element_type3A_293, %cond3A_294 : i32
    scf.if %cond3A_295 {
      %dma_wait3A_301 = arith.constant 0 : i32
      %dma_wait3A_302 = tpu.memref_slice %arg5[%add3A_290, %dma_wait3A_301] : memref<10240x128xf32, #tpu.memory_space<hbm>> -> memref<128x128xf32, #tpu.memory_space<hbm>>
      %dma_wait3A_303 = arith.constant 0 : i32
      %dma_wait3A_304 = tpu.memref_slice %arg5[%add3A_290, %dma_wait3A_303] : memref<10240x128xf32, #tpu.memory_space<hbm>> -> memref<128x128xf32, #tpu.memory_space<hbm>>
      tpu.wait_dma2 semaphore(%arg12 : memref<!tpu.dma_semaphore, #tpu.memory_space<semaphore_mem>>) src(%arg9 : memref<128x128xf32, #tpu.memory_space<vmem>>) dst(%dma_wait3A_304 : memref<128x128xf32, #tpu.memory_space<hbm>>)
    } else {
    }
    %eq3A_296 = arith.constant 1 : i32
    %eq3A_297 = arith.cmpi eq, %arg0, %eq3A_296 : i32
    %convert_element_type3A_298 = arith.extui %eq3A_297 : i1 to i32
    %cond3A_299 = arith.constant 0 : i32
    %cond3A_300 = arith.cmpi ne, %convert_element_type3A_298, %cond3A_299 : i32
    scf.if %cond3A_300 {
      %dma_wait3A_301 = arith.constant 0 : i32
      %dma_wait3A_302 = tpu.memref_slice %arg6[%add3A_290, %dma_wait3A_301] : memref<10240x128xf32, #tpu.memory_space<hbm>> -> memref<128x128xf32, #tpu.memory_space<hbm>>
      %dma_wait3A_303 = arith.constant 0 : i32
      %dma_wait3A_304 = tpu.memref_slice %arg6[%add3A_290, %dma_wait3A_303] : memref<10240x128xf32, #tpu.memory_space<hbm>> -> memref<128x128xf32, #tpu.memory_space<hbm>>
      tpu.wait_dma2 semaphore(%arg12 : memref<!tpu.dma_semaphore, #tpu.memory_space<semaphore_mem>>) src(%arg9 : memref<128x128xf32, #tpu.memory_space<vmem>>) dst(%dma_wait3A_304 : memref<128x128xf32, #tpu.memory_space<hbm>>)
    } else {
    }
    return
  }
}

#map = affine_map<(d0, d1) -> (0, 0)>
module attributes {stable_mosaic.version = 14 : i64} {
  func.func @k(%arg0: i32, %arg1: i32, %arg2: memref<2560x128xi32, #tpu.memory_space<hbm>>, %arg3: memref<2560x128xi32, #tpu.memory_space<hbm>>, %arg4: memref<10240x128xf32, #tpu.memory_space<hbm>>, %arg5: memref<10240x128xf32, #tpu.memory_space<hbm>>, %arg6: memref<10240x128xf32, #tpu.memory_space<hbm>>, %arg7: memref<40x128xi32, #tpu.memory_space<vmem>>, %arg8: memref<40x128xi32, #tpu.memory_space<vmem>>, %arg9: memref<128x128xf32, #tpu.memory_space<vmem>>, %arg10: memref<128x128xf32, #tpu.memory_space<vmem>>, %arg11: memref<10240x128xf32, #tpu.memory_space<vmem_shared>>, %arg12: memref<!tpu.dma_semaphore, #tpu.memory_space<semaphore_mem>>, %arg13: memref<!tpu.dma_semaphore, #tpu.memory_space<semaphore_mem>>) attributes {dimension_semantics = [#tpu.dimension_semantics<core_parallel>, #tpu.dimension_semantics<subcore_parallel>], iteration_bounds = array<i64: 2, 16>, scalar_prefetch = 0 : i64, scratch_operands = 7 : i64, tpu.core_type = #tpu.core_type<sc_vector_subcore>, window_params = [{transform_indices = #map}, {transform_indices = #map}, {transform_indices = #map}, {transform_indices = #map}, {transform_indices = #map}]} {
    %scan3A = arith.constant 0 : i32
    %scan3A_0 = arith.constant 0 : i32
    %scan3A_1 = arith.constant 128 : i32
    %scan3A_2 = arith.addi %scan3A_0, %scan3A_1 : i32
    %scan3A_3 = arith.constant 1 : i32
    scf.for %scan3A_301 = %scan3A_0 to %scan3A_2 step %scan3A_3  : i32 {
      %broadcast_in_dim3A = arith.constant 0.000000e+00 : f32
      %broadcast_in_dim3A_302 = vector.broadcast %broadcast_in_dim3A : f32 to vector<16xf32>
      %swap3A = arith.index_cast %scan3A_301 : i32 to index
      %swap3A_303 = arith.constant 0 : index
      %swap3A_304 = tpu.vector_load %arg9[%swap3A, %swap3A_303] {strides = array<i32>} : memref<128x128xf32, #tpu.memory_space<vmem>>, vector<1x16xf32>,
      %swap3A_305 = vector.shape_cast %swap3A_304 : vector<1x16xf32> to vector<16xf32>
      %swap3A_306 = vector.shape_cast %broadcast_in_dim3A_302 : vector<16xf32> to vector<1x16xf32>
      tpu.vector_store %arg9[%swap3A, %swap3A_303], %swap3A_306 {strides = array<i32>} : memref<128x128xf32, #tpu.memory_space<vmem>>, vector<1x16xf32>,
      %broadcast_in_dim3A_307 = arith.constant 0.000000e+00 : f32
      %broadcast_in_dim3A_308 = vector.broadcast %broadcast_in_dim3A_307 : f32 to vector<16xf32>
      %swap3A_309 = arith.index_cast %scan3A_301 : i32 to index
      %swap3A_310 = arith.constant 16 : index
      %swap3A_311 = tpu.vector_load %arg9[%swap3A_309, %swap3A_310] {strides = array<i32>} : memref<128x128xf32, #tpu.memory_space<vmem>>, vector<1x16xf32>,
      %swap3A_312 = vector.shape_cast %swap3A_311 : vector<1x16xf32> to vector<16xf32>
      %swap3A_313 = vector.shape_cast %broadcast_in_dim3A_308 : vector<16xf32> to vector<1x16xf32>
      tpu.vector_store %arg9[%swap3A_309, %swap3A_310], %swap3A_313 {strides = array<i32>} : memref<128x128xf32, #tpu.memory_space<vmem>>, vector<1x16xf32>,
      %broadcast_in_dim3A_314 = arith.constant 0.000000e+00 : f32
      %broadcast_in_dim3A_315 = vector.broadcast %broadcast_in_dim3A_314 : f32 to vector<16xf32>
      %swap3A_316 = arith.index_cast %scan3A_301 : i32 to index
      %swap3A_317 = arith.constant 32 : index
      %swap3A_318 = tpu.vector_load %arg9[%swap3A_316, %swap3A_317] {strides = array<i32>} : memref<128x128xf32, #tpu.memory_space<vmem>>, vector<1x16xf32>,
      %swap3A_319 = vector.shape_cast %swap3A_318 : vector<1x16xf32> to vector<16xf32>
      %swap3A_320 = vector.shape_cast %broadcast_in_dim3A_315 : vector<16xf32> to vector<1x16xf32>
      tpu.vector_store %arg9[%swap3A_316, %swap3A_317], %swap3A_320 {strides = array<i32>} : memref<128x128xf32, #tpu.memory_space<vmem>>, vector<1x16xf32>,
      %broadcast_in_dim3A_321 = arith.constant 0.000000e+00 : f32
      %broadcast_in_dim3A_322 = vector.broadcast %broadcast_in_dim3A_321 : f32 to vector<16xf32>
      %swap3A_323 = arith.index_cast %scan3A_301 : i32 to index
      %swap3A_324 = arith.constant 48 : index
      %swap3A_325 = tpu.vector_load %arg9[%swap3A_323, %swap3A_324] {strides = array<i32>} : memref<128x128xf32, #tpu.memory_space<vmem>>, vector<1x16xf32>,
      %swap3A_326 = vector.shape_cast %swap3A_325 : vector<1x16xf32> to vector<16xf32>
      %swap3A_327 = vector.shape_cast %broadcast_in_dim3A_322 : vector<16xf32> to vector<1x16xf32>
      tpu.vector_store %arg9[%swap3A_323, %swap3A_324], %swap3A_327 {strides = array<i32>} : memref<128x128xf32, #tpu.memory_space<vmem>>, vector<1x16xf32>,
      %broadcast_in_dim3A_328 = arith.constant 0.000000e+00 : f32
      %broadcast_in_dim3A_329 = vector.broadcast %broadcast_in_dim3A_328 : f32 to vector<16xf32>
      %swap3A_330 = arith.index_cast %scan3A_301 : i32 to index
      %swap3A_331 = arith.constant 64 : index
      %swap3A_332 = tpu.vector_load %arg9[%swap3A_330, %swap3A_331] {strides = array<i32>} : memref<128x128xf32, #tpu.memory_space<vmem>>, vector<1x16xf32>,
      %swap3A_333 = vector.shape_cast %swap3A_332 : vector<1x16xf32> to vector<16xf32>
      %swap3A_334 = vector.shape_cast %broadcast_in_dim3A_329 : vector<16xf32> to vector<1x16xf32>
      tpu.vector_store %arg9[%swap3A_330, %swap3A_331], %swap3A_334 {strides = array<i32>} : memref<128x128xf32, #tpu.memory_space<vmem>>, vector<1x16xf32>,
      %broadcast_in_dim3A_335 = arith.constant 0.000000e+00 : f32
      %broadcast_in_dim3A_336 = vector.broadcast %broadcast_in_dim3A_335 : f32 to vector<16xf32>
      %swap3A_337 = arith.index_cast %scan3A_301 : i32 to index
      %swap3A_338 = arith.constant 80 : index
      %swap3A_339 = tpu.vector_load %arg9[%swap3A_337, %swap3A_338] {strides = array<i32>} : memref<128x128xf32, #tpu.memory_space<vmem>>, vector<1x16xf32>,
      %swap3A_340 = vector.shape_cast %swap3A_339 : vector<1x16xf32> to vector<16xf32>
      %swap3A_341 = vector.shape_cast %broadcast_in_dim3A_336 : vector<16xf32> to vector<1x16xf32>
      tpu.vector_store %arg9[%swap3A_337, %swap3A_338], %swap3A_341 {strides = array<i32>} : memref<128x128xf32, #tpu.memory_space<vmem>>, vector<1x16xf32>,
      %broadcast_in_dim3A_342 = arith.constant 0.000000e+00 : f32
      %broadcast_in_dim3A_343 = vector.broadcast %broadcast_in_dim3A_342 : f32 to vector<16xf32>
      %swap3A_344 = arith.index_cast %scan3A_301 : i32 to index
      %swap3A_345 = arith.constant 96 : index
      %swap3A_346 = tpu.vector_load %arg9[%swap3A_344, %swap3A_345] {strides = array<i32>} : memref<128x128xf32, #tpu.memory_space<vmem>>, vector<1x16xf32>,
      %swap3A_347 = vector.shape_cast %swap3A_346 : vector<1x16xf32> to vector<16xf32>
      %swap3A_348 = vector.shape_cast %broadcast_in_dim3A_343 : vector<16xf32> to vector<1x16xf32>
      tpu.vector_store %arg9[%swap3A_344, %swap3A_345], %swap3A_348 {strides = array<i32>} : memref<128x128xf32, #tpu.memory_space<vmem>>, vector<1x16xf32>,
      %broadcast_in_dim3A_349 = arith.constant 0.000000e+00 : f32
      %broadcast_in_dim3A_350 = vector.broadcast %broadcast_in_dim3A_349 : f32 to vector<16xf32>
      %swap3A_351 = arith.index_cast %scan3A_301 : i32 to index
      %swap3A_352 = arith.constant 112 : index
      %swap3A_353 = tpu.vector_load %arg9[%swap3A_351, %swap3A_352] {strides = array<i32>} : memref<128x128xf32, #tpu.memory_space<vmem>>, vector<1x16xf32>,
      %swap3A_354 = vector.shape_cast %swap3A_353 : vector<1x16xf32> to vector<16xf32>
      %swap3A_355 = vector.shape_cast %broadcast_in_dim3A_350 : vector<16xf32> to vector<1x16xf32>
      tpu.vector_store %arg9[%swap3A_351, %swap3A_352], %swap3A_355 {strides = array<i32>} : memref<128x128xf32, #tpu.memory_space<vmem>>, vector<1x16xf32>,
    }
    %scan3A_4 = arith.constant 128 : i32
    %mul3A = arith.constant 640 : i32
    %mul3A_5 = arith.muli %arg1, %mul3A : i32
    %add3A = arith.constant 0 : i32
    %add3A_6 = arith.addi %mul3A_5, %add3A : i32
    %dma_start3A = arith.constant 0 : i32
    %dma_start3A_7 = tpu.memref_slice %arg11[%add3A_6, %dma_start3A] : memref<10240x128xf32, #tpu.memory_space<vmem_shared>> -> memref<128x128xf32, #tpu.memory_space<vmem_shared>>
    %dma_start3A_8 = arith.constant 0 : i32
    %dma_start3A_9 = tpu.memref_slice %arg11[%add3A_6, %dma_start3A_8] : memref<10240x128xf32, #tpu.memory_space<vmem_shared>> -> memref<128x128xf32, #tpu.memory_space<vmem_shared>>
    tpu.enqueue_dma source(%arg9 : memref<128x128xf32, #tpu.memory_space<vmem>>) target(%dma_start3A_9 : memref<128x128xf32, #tpu.memory_space<vmem_shared>>) target_semaphore(%arg12 : memref<!tpu.dma_semaphore, #tpu.memory_space<semaphore_mem>>)
    %mul3A_10 = arith.constant 640 : i32
    %mul3A_11 = arith.muli %arg1, %mul3A_10 : i32
    %add3A_12 = arith.constant 128 : i32
    %add3A_13 = arith.addi %mul3A_11, %add3A_12 : i32
    %dma_start3A_14 = arith.constant 0 : i32
    %dma_start3A_15 = tpu.memref_slice %arg11[%add3A_13, %dma_start3A_14] : memref<10240x128xf32, #tpu.memory_space<vmem_shared>> -> memref<128x128xf32, #tpu.memory_space<vmem_shared>>
    %dma_start3A_16 = arith.constant 0 : i32
    %dma_start3A_17 = tpu.memref_slice %arg11[%add3A_13, %dma_start3A_16] : memref<10240x128xf32, #tpu.memory_space<vmem_shared>> -> memref<128x128xf32, #tpu.memory_space<vmem_shared>>
    tpu.enqueue_dma source(%arg9 : memref<128x128xf32, #tpu.memory_space<vmem>>) target(%dma_start3A_17 : memref<128x128xf32, #tpu.memory_space<vmem_shared>>) target_semaphore(%arg12 : memref<!tpu.dma_semaphore, #tpu.memory_space<semaphore_mem>>)
    %mul3A_18 = arith.constant 640 : i32
    %mul3A_19 = arith.muli %arg1, %mul3A_18 : i32
    %add3A_20 = arith.constant 256 : i32
    %add3A_21 = arith.addi %mul3A_19, %add3A_20 : i32
    %dma_start3A_22 = arith.constant 0 : i32
    %dma_start3A_23 = tpu.memref_slice %arg11[%add3A_21, %dma_start3A_22] : memref<10240x128xf32, #tpu.memory_space<vmem_shared>> -> memref<128x128xf32, #tpu.memory_space<vmem_shared>>
    %dma_start3A_24 = arith.constant 0 : i32
    %dma_start3A_25 = tpu.memref_slice %arg11[%add3A_21, %dma_start3A_24] : memref<10240x128xf32, #tpu.memory_space<vmem_shared>> -> memref<128x128xf32, #tpu.memory_space<vmem_shared>>
    tpu.enqueue_dma source(%arg9 : memref<128x128xf32, #tpu.memory_space<vmem>>) target(%dma_start3A_25 : memref<128x128xf32, #tpu.memory_space<vmem_shared>>) target_semaphore(%arg12 : memref<!tpu.dma_semaphore, #tpu.memory_space<semaphore_mem>>)
    %mul3A_26 = arith.constant 640 : i32
    %mul3A_27 = arith.muli %arg1, %mul3A_26 : i32
    %add3A_28 = arith.constant 384 : i32
    %add3A_29 = arith.addi %mul3A_27, %add3A_28 : i32
    %dma_start3A_30 = arith.constant 0 : i32
    %dma_start3A_31 = tpu.memref_slice %arg11[%add3A_29, %dma_start3A_30] : memref<10240x128xf32, #tpu.memory_space<vmem_shared>> -> memref<128x128xf32, #tpu.memory_space<vmem_shared>>
    %dma_start3A_32 = arith.constant 0 : i32
    %dma_start3A_33 = tpu.memref_slice %arg11[%add3A_29, %dma_start3A_32] : memref<10240x128xf32, #tpu.memory_space<vmem_shared>> -> memref<128x128xf32, #tpu.memory_space<vmem_shared>>
    tpu.enqueue_dma source(%arg9 : memref<128x128xf32, #tpu.memory_space<vmem>>) target(%dma_start3A_33 : memref<128x128xf32, #tpu.memory_space<vmem_shared>>) target_semaphore(%arg12 : memref<!tpu.dma_semaphore, #tpu.memory_space<semaphore_mem>>)
    %mul3A_34 = arith.constant 640 : i32
    %mul3A_35 = arith.muli %arg1, %mul3A_34 : i32
    %add3A_36 = arith.constant 512 : i32
    %add3A_37 = arith.addi %mul3A_35, %add3A_36 : i32
    %dma_start3A_38 = arith.constant 0 : i32
    %dma_start3A_39 = tpu.memref_slice %arg11[%add3A_37, %dma_start3A_38] : memref<10240x128xf32, #tpu.memory_space<vmem_shared>> -> memref<128x128xf32, #tpu.memory_space<vmem_shared>>
    %dma_start3A_40 = arith.constant 0 : i32
    %dma_start3A_41 = tpu.memref_slice %arg11[%add3A_37, %dma_start3A_40] : memref<10240x128xf32, #tpu.memory_space<vmem_shared>> -> memref<128x128xf32, #tpu.memory_space<vmem_shared>>
    tpu.enqueue_dma source(%arg9 : memref<128x128xf32, #tpu.memory_space<vmem>>) target(%dma_start3A_41 : memref<128x128xf32, #tpu.memory_space<vmem_shared>>) target_semaphore(%arg12 : memref<!tpu.dma_semaphore, #tpu.memory_space<semaphore_mem>>)
    %mul3A_42 = arith.constant 640 : i32
    %mul3A_43 = arith.muli %arg1, %mul3A_42 : i32
    %add3A_44 = arith.constant 0 : i32
    %add3A_45 = arith.addi %mul3A_43, %add3A_44 : i32
    %dma_wait3A = arith.constant 0 : i32
    %dma_wait3A_46 = tpu.memref_slice %arg11[%add3A_45, %dma_wait3A] : memref<10240x128xf32, #tpu.memory_space<vmem_shared>> -> memref<128x128xf32, #tpu.memory_space<vmem_shared>>
    %dma_wait3A_47 = arith.constant 0 : i32
    %dma_wait3A_48 = tpu.memref_slice %arg11[%add3A_45, %dma_wait3A_47] : memref<10240x128xf32, #tpu.memory_space<vmem_shared>> -> memref<128x128xf32, #tpu.memory_space<vmem_shared>>
    tpu.wait_dma2 semaphore(%arg12 : memref<!tpu.dma_semaphore, #tpu.memory_space<semaphore_mem>>) src(%arg9 : memref<128x128xf32, #tpu.memory_space<vmem>>) dst(%dma_wait3A_48 : memref<128x128xf32, #tpu.memory_space<vmem_shared>>)
    %mul3A_49 = arith.constant 640 : i32
    %mul3A_50 = arith.muli %arg1, %mul3A_49 : i32
    %add3A_51 = arith.constant 128 : i32
    %add3A_52 = arith.addi %mul3A_50, %add3A_51 : i32
    %dma_wait3A_53 = arith.constant 0 : i32
    %dma_wait3A_54 = tpu.memref_slice %arg11[%add3A_52, %dma_wait3A_53] : memref<10240x128xf32, #tpu.memory_space<vmem_shared>> -> memref<128x128xf32, #tpu.memory_space<vmem_shared>>
    %dma_wait3A_55 = arith.constant 0 : i32
    %dma_wait3A_56 = tpu.memref_slice %arg11[%add3A_52, %dma_wait3A_55] : memref<10240x128xf32, #tpu.memory_space<vmem_shared>> -> memref<128x128xf32, #tpu.memory_space<vmem_shared>>
    tpu.wait_dma2 semaphore(%arg12 : memref<!tpu.dma_semaphore, #tpu.memory_space<semaphore_mem>>) src(%arg9 : memref<128x128xf32, #tpu.memory_space<vmem>>) dst(%dma_wait3A_56 : memref<128x128xf32, #tpu.memory_space<vmem_shared>>)
    %mul3A_57 = arith.constant 640 : i32
    %mul3A_58 = arith.muli %arg1, %mul3A_57 : i32
    %add3A_59 = arith.constant 256 : i32
    %add3A_60 = arith.addi %mul3A_58, %add3A_59 : i32
    %dma_wait3A_61 = arith.constant 0 : i32
    %dma_wait3A_62 = tpu.memref_slice %arg11[%add3A_60, %dma_wait3A_61] : memref<10240x128xf32, #tpu.memory_space<vmem_shared>> -> memref<128x128xf32, #tpu.memory_space<vmem_shared>>
    %dma_wait3A_63 = arith.constant 0 : i32
    %dma_wait3A_64 = tpu.memref_slice %arg11[%add3A_60, %dma_wait3A_63] : memref<10240x128xf32, #tpu.memory_space<vmem_shared>> -> memref<128x128xf32, #tpu.memory_space<vmem_shared>>
    tpu.wait_dma2 semaphore(%arg12 : memref<!tpu.dma_semaphore, #tpu.memory_space<semaphore_mem>>) src(%arg9 : memref<128x128xf32, #tpu.memory_space<vmem>>) dst(%dma_wait3A_64 : memref<128x128xf32, #tpu.memory_space<vmem_shared>>)
    %mul3A_65 = arith.constant 640 : i32
    %mul3A_66 = arith.muli %arg1, %mul3A_65 : i32
    %add3A_67 = arith.constant 384 : i32
    %add3A_68 = arith.addi %mul3A_66, %add3A_67 : i32
    %dma_wait3A_69 = arith.constant 0 : i32
    %dma_wait3A_70 = tpu.memref_slice %arg11[%add3A_68, %dma_wait3A_69] : memref<10240x128xf32, #tpu.memory_space<vmem_shared>> -> memref<128x128xf32, #tpu.memory_space<vmem_shared>>
    %dma_wait3A_71 = arith.constant 0 : i32
    %dma_wait3A_72 = tpu.memref_slice %arg11[%add3A_68, %dma_wait3A_71] : memref<10240x128xf32, #tpu.memory_space<vmem_shared>> -> memref<128x128xf32, #tpu.memory_space<vmem_shared>>
    tpu.wait_dma2 semaphore(%arg12 : memref<!tpu.dma_semaphore, #tpu.memory_space<semaphore_mem>>) src(%arg9 : memref<128x128xf32, #tpu.memory_space<vmem>>) dst(%dma_wait3A_72 : memref<128x128xf32, #tpu.memory_space<vmem_shared>>)
    %mul3A_73 = arith.constant 640 : i32
    %mul3A_74 = arith.muli %arg1, %mul3A_73 : i32
    %add3A_75 = arith.constant 512 : i32
    %add3A_76 = arith.addi %mul3A_74, %add3A_75 : i32
    %dma_wait3A_77 = arith.constant 0 : i32
    %dma_wait3A_78 = tpu.memref_slice %arg11[%add3A_76, %dma_wait3A_77] : memref<10240x128xf32, #tpu.memory_space<vmem_shared>> -> memref<128x128xf32, #tpu.memory_space<vmem_shared>>
    %dma_wait3A_79 = arith.constant 0 : i32
    %dma_wait3A_80 = tpu.memref_slice %arg11[%add3A_76, %dma_wait3A_79] : memref<10240x128xf32, #tpu.memory_space<vmem_shared>> -> memref<128x128xf32, #tpu.memory_space<vmem_shared>>
    tpu.wait_dma2 semaphore(%arg12 : memref<!tpu.dma_semaphore, #tpu.memory_space<semaphore_mem>>) src(%arg9 : memref<128x128xf32, #tpu.memory_space<vmem>>) dst(%dma_wait3A_80 : memref<128x128xf32, #tpu.memory_space<vmem_shared>>)
    %barrier3A = arith.constant 0 : index
    tpu.barrier barrier_id(%barrier3A)
    %mul3A_81 = arith.constant 16 : i32
    %mul3A_82 = arith.muli %arg0, %mul3A_81 : i32
    %add3A_83 = arith.addi %mul3A_82, %arg1 : i32
    %mul3A_84 = arith.constant 80 : i32
    %mul3A_85 = arith.muli %add3A_83, %mul3A_84 : i32
    %add3A_86 = arith.constant 0 : i32
    %add3A_87 = arith.addi %mul3A_85, %add3A_86 : i32
    "tpu.region"() ({
      %run_scoped3A_301 = tpu.sem_alloc : memref<!tpu.dma_semaphore, #tpu.memory_space<semaphore_mem>>
      %dma_start3A_302 = arith.constant 0 : i32
      %dma_start3A_303 = tpu.memref_slice %arg2[%add3A_87, %dma_start3A_302] : memref<2560x128xi32, #tpu.memory_space<hbm>> -> memref<40x128xi32, #tpu.memory_space<hbm>>
      %dma_start3A_304 = arith.constant 0 : i32
      %dma_start3A_305 = tpu.memref_slice %arg2[%add3A_87, %dma_start3A_304] : memref<2560x128xi32, #tpu.memory_space<hbm>> -> memref<40x128xi32, #tpu.memory_space<hbm>>
      tpu.enqueue_dma source(%dma_start3A_305 : memref<40x128xi32, #tpu.memory_space<hbm>>) target(%arg7 : memref<40x128xi32, #tpu.memory_space<vmem>>) target_semaphore(%run_scoped3A_301 : memref<!tpu.dma_semaphore, #tpu.memory_space<semaphore_mem>>)
      %dma_wait3A_306 = arith.constant 0 : i32
      %dma_wait3A_307 = tpu.memref_slice %arg2[%add3A_87, %dma_wait3A_306] : memref<2560x128xi32, #tpu.memory_space<hbm>> -> memref<40x128xi32, #tpu.memory_space<hbm>>
      %dma_wait3A_308 = arith.constant 0 : i32
      %dma_wait3A_309 = tpu.memref_slice %arg2[%add3A_87, %dma_wait3A_308] : memref<2560x128xi32, #tpu.memory_space<hbm>> -> memref<40x128xi32, #tpu.memory_space<hbm>>
      tpu.wait_dma2 semaphore(%run_scoped3A_301 : memref<!tpu.dma_semaphore, #tpu.memory_space<semaphore_mem>>) src(%dma_wait3A_309 : memref<40x128xi32, #tpu.memory_space<hbm>>) dst(%arg7 : memref<40x128xi32, #tpu.memory_space<vmem>>)
      tpu.yield
    }) : () -> ()
    "tpu.region"() ({
      %run_scoped3A_301 = tpu.sem_alloc : memref<!tpu.dma_semaphore, #tpu.memory_space<semaphore_mem>>
      %dma_start3A_302 = arith.constant 0 : i32
      %dma_start3A_303 = tpu.memref_slice %arg3[%add3A_87, %dma_start3A_302] : memref<2560x128xi32, #tpu.memory_space<hbm>> -> memref<40x128xi32, #tpu.memory_space<hbm>>
      %dma_start3A_304 = arith.constant 0 : i32
      %dma_start3A_305 = tpu.memref_slice %arg3[%add3A_87, %dma_start3A_304] : memref<2560x128xi32, #tpu.memory_space<hbm>> -> memref<40x128xi32, #tpu.memory_space<hbm>>
      tpu.enqueue_dma source(%dma_start3A_305 : memref<40x128xi32, #tpu.memory_space<hbm>>) target(%arg8 : memref<40x128xi32, #tpu.memory_space<vmem>>) target_semaphore(%run_scoped3A_301 : memref<!tpu.dma_semaphore, #tpu.memory_space<semaphore_mem>>)
      %dma_wait3A_306 = arith.constant 0 : i32
      %dma_wait3A_307 = tpu.memref_slice %arg3[%add3A_87, %dma_wait3A_306] : memref<2560x128xi32, #tpu.memory_space<hbm>> -> memref<40x128xi32, #tpu.memory_space<hbm>>
      %dma_wait3A_308 = arith.constant 0 : i32
      %dma_wait3A_309 = tpu.memref_slice %arg3[%add3A_87, %dma_wait3A_308] : memref<2560x128xi32, #tpu.memory_space<hbm>> -> memref<40x128xi32, #tpu.memory_space<hbm>>
      tpu.wait_dma2 semaphore(%run_scoped3A_301 : memref<!tpu.dma_semaphore, #tpu.memory_space<semaphore_mem>>) src(%dma_wait3A_309 : memref<40x128xi32, #tpu.memory_space<hbm>>) dst(%arg8 : memref<40x128xi32, #tpu.memory_space<vmem>>)
      tpu.yield
    }) : () -> ()
    %dma_start3A_88 = arith.constant 0 : i32
    %dma_start3A_89 = arith.constant 0 : i32
    %dma_start3A_90 = tpu.memref_slice %arg7[%dma_start3A_88, %dma_start3A_89] : memref<40x128xi32, #tpu.memory_space<vmem>> -> memref<1x128xi32, #tpu.memory_space<vmem>>
    %dma_start3A_91 = tpu.memref_squeeze %dma_start3A_90 : memref<1x128xi32, #tpu.memory_space<vmem>> -> memref<128xi32, #tpu.memory_space<vmem>>
    %dma_start3A_92 = arith.constant 0 : i32
    %dma_start3A_93 = arith.constant 0 : i32
    %dma_start3A_94 = tpu.memref_slice %arg4[%dma_start3A_92, %dma_start3A_93] : memref<10240x128xf32, #tpu.memory_space<hbm>> -> memref<10240x128xf32, #tpu.memory_space<hbm>>
    tpu.enqueue_indirect_dma source(%dma_start3A_94 : memref<10240x128xf32, #tpu.memory_space<hbm>>) target(%arg9 : memref<128x128xf32, #tpu.memory_space<vmem>>) offsets(%dma_start3A_91 : memref<128xi32, #tpu.memory_space<vmem>>) semaphore(%arg12 : memref<!tpu.dma_semaphore, #tpu.memory_space<semaphore_mem>>)
    %scan3A_95 = arith.constant 0 : i32
    %scan3A_96 = arith.constant 0 : i32
    %scan3A_97 = arith.constant 19 : i32
    %scan3A_98 = arith.addi %scan3A_96, %scan3A_97 : i32
    %scan3A_99 = arith.constant 1 : i32
    scf.for %scan3A_301 = %scan3A_96 to %scan3A_98 step %scan3A_99  : i32 {
      %mul3A_302 = arith.constant 2 : i32
      %mul3A_303 = arith.muli %mul3A_302, %scan3A_301 : i32
      %add3A_304 = arith.constant 0 : i32
      %add3A_305 = arith.addi %mul3A_303, %add3A_304 : i32
      %add3A_306 = arith.constant 1 : i32
      %add3A_307 = arith.addi %add3A_305, %add3A_306 : i32
      %dma_start3A_308 = arith.constant 0 : i32
      %dma_start3A_309 = tpu.memref_slice %arg7[%add3A_307, %dma_start3A_308] : memref<40x128xi32, #tpu.memory_space<vmem>> -> memref<1x128xi32, #tpu.memory_space<vmem>>
      %dma_start3A_310 = tpu.memref_squeeze %dma_start3A_309 : memref<1x128xi32, #tpu.memory_space<vmem>> -> memref<128xi32, #tpu.memory_space<vmem>>
      %dma_start3A_311 = arith.constant 0 : i32
      %dma_start3A_312 = arith.constant 0 : i32
      %dma_start3A_313 = tpu.memref_slice %arg4[%dma_start3A_311, %dma_start3A_312] : memref<10240x128xf32, #tpu.memory_space<hbm>> -> memref<10240x128xf32, #tpu.memory_space<hbm>>
      tpu.enqueue_indirect_dma source(%dma_start3A_313 : memref<10240x128xf32, #tpu.memory_space<hbm>>) target(%arg10 : memref<128x128xf32, #tpu.memory_space<vmem>>) offsets(%dma_start3A_310 : memref<128xi32, #tpu.memory_space<vmem>>) semaphore(%arg13 : memref<!tpu.dma_semaphore, #tpu.memory_space<semaphore_mem>>)
      %dma_wait3A_314 = arith.constant 0 : i32
      %dma_wait3A_315 = tpu.memref_slice %arg7[%add3A_305, %dma_wait3A_314] : memref<40x128xi32, #tpu.memory_space<vmem>> -> memref<1x128xi32, #tpu.memory_space<vmem>>
      %dma_wait3A_316 = tpu.memref_squeeze %dma_wait3A_315 : memref<1x128xi32, #tpu.memory_space<vmem>> -> memref<128xi32, #tpu.memory_space<vmem>>
      %dma_wait3A_317 = arith.constant 0 : i32
      %dma_wait3A_318 = arith.constant 0 : i32
      %dma_wait3A_319 = tpu.memref_slice %arg4[%dma_wait3A_317, %dma_wait3A_318] : memref<10240x128xf32, #tpu.memory_space<hbm>> -> memref<10240x128xf32, #tpu.memory_space<hbm>>
      tpu.wait_indirect_dma semaphore(%arg12 : memref<!tpu.dma_semaphore, #tpu.memory_space<semaphore_mem>>) src(%dma_wait3A_319 : memref<10240x128xf32, #tpu.memory_space<hbm>>) dst(%arg9 : memref<128x128xf32, #tpu.memory_space<vmem>>)
      "tpu.region"() ({
        %run_scoped3A_338 = tpu.sem_alloc : memref<!tpu.dma_semaphore, #tpu.memory_space<semaphore_mem>>
        %dma_start3A_339 = arith.constant 0 : i32
        %dma_start3A_340 = tpu.memref_slice %arg8[%add3A_305, %dma_start3A_339] : memref<40x128xi32, #tpu.memory_space<vmem>> -> memref<1x128xi32, #tpu.memory_space<vmem>>
        %dma_start3A_341 = tpu.memref_squeeze %dma_start3A_340 : memref<1x128xi32, #tpu.memory_space<vmem>> -> memref<128xi32, #tpu.memory_space<vmem>>
        %dma_start3A_342 = arith.constant 0 : i32
        %dma_start3A_343 = arith.constant 0 : i32
        %dma_start3A_344 = tpu.memref_slice %arg11[%dma_start3A_342, %dma_start3A_343] : memref<10240x128xf32, #tpu.memory_space<vmem_shared>> -> memref<10240x128xf32, #tpu.memory_space<vmem_shared>>
        tpu.enqueue_indirect_dma source(%arg9 : memref<128x128xf32, #tpu.memory_space<vmem>>) target(%dma_start3A_344 : memref<10240x128xf32, #tpu.memory_space<vmem_shared>>) offsets(%dma_start3A_341 : memref<128xi32, #tpu.memory_space<vmem>>) semaphore(%run_scoped3A_338 : memref<!tpu.dma_semaphore, #tpu.memory_space<semaphore_mem>>) {add = true}
        %dma_wait3A_345 = arith.constant 0 : i32
        %dma_wait3A_346 = tpu.memref_slice %arg8[%add3A_305, %dma_wait3A_345] : memref<40x128xi32, #tpu.memory_space<vmem>> -> memref<1x128xi32, #tpu.memory_space<vmem>>
        %dma_wait3A_347 = tpu.memref_squeeze %dma_wait3A_346 : memref<1x128xi32, #tpu.memory_space<vmem>> -> memref<128xi32, #tpu.memory_space<vmem>>
        %dma_wait3A_348 = arith.constant 0 : i32
        %dma_wait3A_349 = arith.constant 0 : i32
        %dma_wait3A_350 = tpu.memref_slice %arg11[%dma_wait3A_348, %dma_wait3A_349] : memref<10240x128xf32, #tpu.memory_space<vmem_shared>> -> memref<10240x128xf32, #tpu.memory_space<vmem_shared>>
        tpu.wait_indirect_dma semaphore(%run_scoped3A_338 : memref<!tpu.dma_semaphore, #tpu.memory_space<semaphore_mem>>) src(%arg9 : memref<128x128xf32, #tpu.memory_space<vmem>>) dst(%dma_wait3A_350 : memref<10240x128xf32, #tpu.memory_space<vmem_shared>>)
        tpu.yield
      }) : () -> ()
      %mul3A_320 = arith.constant 2 : i32
      %mul3A_321 = arith.muli %mul3A_320, %scan3A_301 : i32
      %add3A_322 = arith.constant 1 : i32
      %add3A_323 = arith.addi %mul3A_321, %add3A_322 : i32
      %add3A_324 = arith.constant 1 : i32
      %add3A_325 = arith.addi %add3A_323, %add3A_324 : i32
      %dma_start3A_326 = arith.constant 0 : i32
      %dma_start3A_327 = tpu.memref_slice %arg7[%add3A_325, %dma_start3A_326] : memref<40x128xi32, #tpu.memory_space<vmem>> -> memref<1x128xi32, #tpu.memory_space<vmem>>
      %dma_start3A_328 = tpu.memref_squeeze %dma_start3A_327 : memref<1x128xi32, #tpu.memory_space<vmem>> -> memref<128xi32, #tpu.memory_space<vmem>>
      %dma_start3A_329 = arith.constant 0 : i32
      %dma_start3A_330 = arith.constant 0 : i32
      %dma_start3A_331 = tpu.memref_slice %arg4[%dma_start3A_329, %dma_start3A_330] : memref<10240x128xf32, #tpu.memory_space<hbm>> -> memref<10240x128xf32, #tpu.memory_space<hbm>>
      tpu.enqueue_indirect_dma source(%dma_start3A_331 : memref<10240x128xf32, #tpu.memory_space<hbm>>) target(%arg9 : memref<128x128xf32, #tpu.memory_space<vmem>>) offsets(%dma_start3A_328 : memref<128xi32, #tpu.memory_space<vmem>>) semaphore(%arg12 : memref<!tpu.dma_semaphore, #tpu.memory_space<semaphore_mem>>)
      %dma_wait3A_332 = arith.constant 0 : i32
      %dma_wait3A_333 = tpu.memref_slice %arg7[%add3A_323, %dma_wait3A_332] : memref<40x128xi32, #tpu.memory_space<vmem>> -> memref<1x128xi32, #tpu.memory_space<vmem>>
      %dma_wait3A_334 = tpu.memref_squeeze %dma_wait3A_333 : memref<1x128xi32, #tpu.memory_space<vmem>> -> memref<128xi32, #tpu.memory_space<vmem>>
      %dma_wait3A_335 = arith.constant 0 : i32
      %dma_wait3A_336 = arith.constant 0 : i32
      %dma_wait3A_337 = tpu.memref_slice %arg4[%dma_wait3A_335, %dma_wait3A_336] : memref<10240x128xf32, #tpu.memory_space<hbm>> -> memref<10240x128xf32, #tpu.memory_space<hbm>>
      tpu.wait_indirect_dma semaphore(%arg13 : memref<!tpu.dma_semaphore, #tpu.memory_space<semaphore_mem>>) src(%dma_wait3A_337 : memref<10240x128xf32, #tpu.memory_space<hbm>>) dst(%arg10 : memref<128x128xf32, #tpu.memory_space<vmem>>)
      "tpu.region"() ({
        %run_scoped3A_338 = tpu.sem_alloc : memref<!tpu.dma_semaphore, #tpu.memory_space<semaphore_mem>>
        %dma_start3A_339 = arith.constant 0 : i32
        %dma_start3A_340 = tpu.memref_slice %arg8[%add3A_323, %dma_start3A_339] : memref<40x128xi32, #tpu.memory_space<vmem>> -> memref<1x128xi32, #tpu.memory_space<vmem>>
        %dma_start3A_341 = tpu.memref_squeeze %dma_start3A_340 : memref<1x128xi32, #tpu.memory_space<vmem>> -> memref<128xi32, #tpu.memory_space<vmem>>
        %dma_start3A_342 = arith.constant 0 : i32
        %dma_start3A_343 = arith.constant 0 : i32
        %dma_start3A_344 = tpu.memref_slice %arg11[%dma_start3A_342, %dma_start3A_343] : memref<10240x128xf32, #tpu.memory_space<vmem_shared>> -> memref<10240x128xf32, #tpu.memory_space<vmem_shared>>
        tpu.enqueue_indirect_dma source(%arg10 : memref<128x128xf32, #tpu.memory_space<vmem>>) target(%dma_start3A_344 : memref<10240x128xf32, #tpu.memory_space<vmem_shared>>) offsets(%dma_start3A_341 : memref<128xi32, #tpu.memory_space<vmem>>) semaphore(%run_scoped3A_338 : memref<!tpu.dma_semaphore, #tpu.memory_space<semaphore_mem>>) {add = true}
        %dma_wait3A_345 = arith.constant 0 : i32
        %dma_wait3A_346 = tpu.memref_slice %arg8[%add3A_323, %dma_wait3A_345] : memref<40x128xi32, #tpu.memory_space<vmem>> -> memref<1x128xi32, #tpu.memory_space<vmem>>
        %dma_wait3A_347 = tpu.memref_squeeze %dma_wait3A_346 : memref<1x128xi32, #tpu.memory_space<vmem>> -> memref<128xi32, #tpu.memory_space<vmem>>
        %dma_wait3A_348 = arith.constant 0 : i32
        %dma_wait3A_349 = arith.constant 0 : i32
        %dma_wait3A_350 = tpu.memref_slice %arg11[%dma_wait3A_348, %dma_wait3A_349] : memref<10240x128xf32, #tpu.memory_space<vmem_shared>> -> memref<10240x128xf32, #tpu.memory_space<vmem_shared>>
        tpu.wait_indirect_dma semaphore(%run_scoped3A_338 : memref<!tpu.dma_semaphore, #tpu.memory_space<semaphore_mem>>) src(%arg10 : memref<128x128xf32, #tpu.memory_space<vmem>>) dst(%dma_wait3A_350 : memref<10240x128xf32, #tpu.memory_space<vmem_shared>>)
        tpu.yield
      }) : () -> ()
    }
    %scan3A_100 = arith.constant 19 : i32
    %dma_start3A_101 = arith.constant 39 : i32
    %dma_start3A_102 = arith.constant 0 : i32
    %dma_start3A_103 = tpu.memref_slice %arg7[%dma_start3A_101, %dma_start3A_102] : memref<40x128xi32, #tpu.memory_space<vmem>> -> memref<1x128xi32, #tpu.memory_space<vmem>>
    %dma_start3A_104 = tpu.memref_squeeze %dma_start3A_103 : memref<1x128xi32, #tpu.memory_space<vmem>> -> memref<128xi32, #tpu.memory_space<vmem>>
    %dma_start3A_105 = arith.constant 0 : i32
    %dma_start3A_106 = arith.constant 0 : i32
    %dma_start3A_107 = tpu.memref_slice %arg4[%dma_start3A_105, %dma_start3A_106] : memref<10240x128xf32, #tpu.memory_space<hbm>> -> memref<10240x128xf32, #tpu.memory_space<hbm>>
    tpu.enqueue_indirect_dma source(%dma_start3A_107 : memref<10240x128xf32, #tpu.memory_space<hbm>>) target(%arg10 : memref<128x128xf32, #tpu.memory_space<vmem>>) offsets(%dma_start3A_104 : memref<128xi32, #tpu.memory_space<vmem>>) semaphore(%arg13 : memref<!tpu.dma_semaphore, #tpu.memory_space<semaphore_mem>>)
    %dma_wait3A_108 = arith.constant 38 : i32
    %dma_wait3A_109 = arith.constant 0 : i32
    %dma_wait3A_110 = tpu.memref_slice %arg7[%dma_wait3A_108, %dma_wait3A_109] : memref<40x128xi32, #tpu.memory_space<vmem>> -> memref<1x128xi32, #tpu.memory_space<vmem>>
    %dma_wait3A_111 = tpu.memref_squeeze %dma_wait3A_110 : memref<1x128xi32, #tpu.memory_space<vmem>> -> memref<128xi32, #tpu.memory_space<vmem>>
    %dma_wait3A_112 = arith.constant 0 : i32
    %dma_wait3A_113 = arith.constant 0 : i32
    %dma_wait3A_114 = tpu.memref_slice %arg4[%dma_wait3A_112, %dma_wait3A_113] : memref<10240x128xf32, #tpu.memory_space<hbm>> -> memref<10240x128xf32, #tpu.memory_space<hbm>>
    tpu.wait_indirect_dma semaphore(%arg12 : memref<!tpu.dma_semaphore, #tpu.memory_space<semaphore_mem>>) src(%dma_wait3A_114 : memref<10240x128xf32, #tpu.memory_space<hbm>>) dst(%arg9 : memref<128x128xf32, #tpu.memory_space<vmem>>)
    %run_scoped3A = arith.constant 38 : i32
    "tpu.region"() ({
      %run_scoped3A_301 = tpu.sem_alloc : memref<!tpu.dma_semaphore, #tpu.memory_space<semaphore_mem>>
      %dma_start3A_302 = arith.constant 0 : i32
      %dma_start3A_303 = tpu.memref_slice %arg8[%run_scoped3A, %dma_start3A_302] : memref<40x128xi32, #tpu.memory_space<vmem>> -> memref<1x128xi32, #tpu.memory_space<vmem>>
      %dma_start3A_304 = tpu.memref_squeeze %dma_start3A_303 : memref<1x128xi32, #tpu.memory_space<vmem>> -> memref<128xi32, #tpu.memory_space<vmem>>
      %dma_start3A_305 = arith.constant 0 : i32
      %dma_start3A_306 = arith.constant 0 : i32
      %dma_start3A_307 = tpu.memref_slice %arg11[%dma_start3A_305, %dma_start3A_306] : memref<10240x128xf32, #tpu.memory_space<vmem_shared>> -> memref<10240x128xf32, #tpu.memory_space<vmem_shared>>
      tpu.enqueue_indirect_dma source(%arg9 : memref<128x128xf32, #tpu.memory_space<vmem>>) target(%dma_start3A_307 : memref<10240x128xf32, #tpu.memory_space<vmem_shared>>) offsets(%dma_start3A_304 : memref<128xi32, #tpu.memory_space<vmem>>) semaphore(%run_scoped3A_301 : memref<!tpu.dma_semaphore, #tpu.memory_space<semaphore_mem>>) {add = true}
      %dma_wait3A_308 = arith.constant 0 : i32
      %dma_wait3A_309 = tpu.memref_slice %arg8[%run_scoped3A, %dma_wait3A_308] : memref<40x128xi32, #tpu.memory_space<vmem>> -> memref<1x128xi32, #tpu.memory_space<vmem>>
      %dma_wait3A_310 = tpu.memref_squeeze %dma_wait3A_309 : memref<1x128xi32, #tpu.memory_space<vmem>> -> memref<128xi32, #tpu.memory_space<vmem>>
      %dma_wait3A_311 = arith.constant 0 : i32
      %dma_wait3A_312 = arith.constant 0 : i32
      %dma_wait3A_313 = tpu.memref_slice %arg11[%dma_wait3A_311, %dma_wait3A_312] : memref<10240x128xf32, #tpu.memory_space<vmem_shared>> -> memref<10240x128xf32, #tpu.memory_space<vmem_shared>>
      tpu.wait_indirect_dma semaphore(%run_scoped3A_301 : memref<!tpu.dma_semaphore, #tpu.memory_space<semaphore_mem>>) src(%arg9 : memref<128x128xf32, #tpu.memory_space<vmem>>) dst(%dma_wait3A_313 : memref<10240x128xf32, #tpu.memory_space<vmem_shared>>)
      tpu.yield
    }) : () -> ()
    %dma_wait3A_115 = arith.constant 39 : i32
    %dma_wait3A_116 = arith.constant 0 : i32
    %dma_wait3A_117 = tpu.memref_slice %arg7[%dma_wait3A_115, %dma_wait3A_116] : memref<40x128xi32, #tpu.memory_space<vmem>> -> memref<1x128xi32, #tpu.memory_space<vmem>>
    %dma_wait3A_118 = tpu.memref_squeeze %dma_wait3A_117 : memref<1x128xi32, #tpu.memory_space<vmem>> -> memref<128xi32, #tpu.memory_space<vmem>>
    %dma_wait3A_119 = arith.constant 0 : i32
    %dma_wait3A_120 = arith.constant 0 : i32
    %dma_wait3A_121 = tpu.memref_slice %arg4[%dma_wait3A_119, %dma_wait3A_120] : memref<10240x128xf32, #tpu.memory_space<hbm>> -> memref<10240x128xf32, #tpu.memory_space<hbm>>
    tpu.wait_indirect_dma semaphore(%arg13 : memref<!tpu.dma_semaphore, #tpu.memory_space<semaphore_mem>>) src(%dma_wait3A_121 : memref<10240x128xf32, #tpu.memory_space<hbm>>) dst(%arg10 : memref<128x128xf32, #tpu.memory_space<vmem>>)
    %run_scoped3A_122 = arith.constant 39 : i32
    "tpu.region"() ({
      %run_scoped3A_301 = tpu.sem_alloc : memref<!tpu.dma_semaphore, #tpu.memory_space<semaphore_mem>>
      %dma_start3A_302 = arith.constant 0 : i32
      %dma_start3A_303 = tpu.memref_slice %arg8[%run_scoped3A_122, %dma_start3A_302] : memref<40x128xi32, #tpu.memory_space<vmem>> -> memref<1x128xi32, #tpu.memory_space<vmem>>
      %dma_start3A_304 = tpu.memref_squeeze %dma_start3A_303 : memref<1x128xi32, #tpu.memory_space<vmem>> -> memref<128xi32, #tpu.memory_space<vmem>>
      %dma_start3A_305 = arith.constant 0 : i32
      %dma_start3A_306 = arith.constant 0 : i32
      %dma_start3A_307 = tpu.memref_slice %arg11[%dma_start3A_305, %dma_start3A_306] : memref<10240x128xf32, #tpu.memory_space<vmem_shared>> -> memref<10240x128xf32, #tpu.memory_space<vmem_shared>>
      tpu.enqueue_indirect_dma source(%arg10 : memref<128x128xf32, #tpu.memory_space<vmem>>) target(%dma_start3A_307 : memref<10240x128xf32, #tpu.memory_space<vmem_shared>>) offsets(%dma_start3A_304 : memref<128xi32, #tpu.memory_space<vmem>>) semaphore(%run_scoped3A_301 : memref<!tpu.dma_semaphore, #tpu.memory_space<semaphore_mem>>) {add = true}
      %dma_wait3A_308 = arith.constant 0 : i32
      %dma_wait3A_309 = tpu.memref_slice %arg8[%run_scoped3A_122, %dma_wait3A_308] : memref<40x128xi32, #tpu.memory_space<vmem>> -> memref<1x128xi32, #tpu.memory_space<vmem>>
      %dma_wait3A_310 = tpu.memref_squeeze %dma_wait3A_309 : memref<1x128xi32, #tpu.memory_space<vmem>> -> memref<128xi32, #tpu.memory_space<vmem>>
      %dma_wait3A_311 = arith.constant 0 : i32
      %dma_wait3A_312 = arith.constant 0 : i32
      %dma_wait3A_313 = tpu.memref_slice %arg11[%dma_wait3A_311, %dma_wait3A_312] : memref<10240x128xf32, #tpu.memory_space<vmem_shared>> -> memref<10240x128xf32, #tpu.memory_space<vmem_shared>>
      tpu.wait_indirect_dma semaphore(%run_scoped3A_301 : memref<!tpu.dma_semaphore, #tpu.memory_space<semaphore_mem>>) src(%arg10 : memref<128x128xf32, #tpu.memory_space<vmem>>) dst(%dma_wait3A_313 : memref<10240x128xf32, #tpu.memory_space<vmem_shared>>)
      tpu.yield
    }) : () -> ()
    %mul3A_123 = arith.constant 80 : i32
    %mul3A_124 = arith.muli %add3A_83, %mul3A_123 : i32
    %add3A_125 = arith.constant 40 : i32
    %add3A_126 = arith.addi %mul3A_124, %add3A_125 : i32
    "tpu.region"() ({
      %run_scoped3A_301 = tpu.sem_alloc : memref<!tpu.dma_semaphore, #tpu.memory_space<semaphore_mem>>
      %dma_start3A_302 = arith.constant 0 : i32
      %dma_start3A_303 = tpu.memref_slice %arg2[%add3A_126, %dma_start3A_302] : memref<2560x128xi32, #tpu.memory_space<hbm>> -> memref<40x128xi32, #tpu.memory_space<hbm>>
      %dma_start3A_304 = arith.constant 0 : i32
      %dma_start3A_305 = tpu.memref_slice %arg2[%add3A_126, %dma_start3A_304] : memref<2560x128xi32, #tpu.memory_space<hbm>> -> memref<40x128xi32, #tpu.memory_space<hbm>>
      tpu.enqueue_dma source(%dma_start3A_305 : memref<40x128xi32, #tpu.memory_space<hbm>>) target(%arg7 : memref<40x128xi32, #tpu.memory_space<vmem>>) target_semaphore(%run_scoped3A_301 : memref<!tpu.dma_semaphore, #tpu.memory_space<semaphore_mem>>)
      %dma_wait3A_306 = arith.constant 0 : i32
      %dma_wait3A_307 = tpu.memref_slice %arg2[%add3A_126, %dma_wait3A_306] : memref<2560x128xi32, #tpu.memory_space<hbm>> -> memref<40x128xi32, #tpu.memory_space<hbm>>
      %dma_wait3A_308 = arith.constant 0 : i32
      %dma_wait3A_309 = tpu.memref_slice %arg2[%add3A_126, %dma_wait3A_308] : memref<2560x128xi32, #tpu.memory_space<hbm>> -> memref<40x128xi32, #tpu.memory_space<hbm>>
      tpu.wait_dma2 semaphore(%run_scoped3A_301 : memref<!tpu.dma_semaphore, #tpu.memory_space<semaphore_mem>>) src(%dma_wait3A_309 : memref<40x128xi32, #tpu.memory_space<hbm>>) dst(%arg7 : memref<40x128xi32, #tpu.memory_space<vmem>>)
      tpu.yield
    }) : () -> ()
    "tpu.region"() ({
      %run_scoped3A_301 = tpu.sem_alloc : memref<!tpu.dma_semaphore, #tpu.memory_space<semaphore_mem>>
      %dma_start3A_302 = arith.constant 0 : i32
      %dma_start3A_303 = tpu.memref_slice %arg3[%add3A_126, %dma_start3A_302] : memref<2560x128xi32, #tpu.memory_space<hbm>> -> memref<40x128xi32, #tpu.memory_space<hbm>>
      %dma_start3A_304 = arith.constant 0 : i32
      %dma_start3A_305 = tpu.memref_slice %arg3[%add3A_126, %dma_start3A_304] : memref<2560x128xi32, #tpu.memory_space<hbm>> -> memref<40x128xi32, #tpu.memory_space<hbm>>
      tpu.enqueue_dma source(%dma_start3A_305 : memref<40x128xi32, #tpu.memory_space<hbm>>) target(%arg8 : memref<40x128xi32, #tpu.memory_space<vmem>>) target_semaphore(%run_scoped3A_301 : memref<!tpu.dma_semaphore, #tpu.memory_space<semaphore_mem>>)
      %dma_wait3A_306 = arith.constant 0 : i32
      %dma_wait3A_307 = tpu.memref_slice %arg3[%add3A_126, %dma_wait3A_306] : memref<2560x128xi32, #tpu.memory_space<hbm>> -> memref<40x128xi32, #tpu.memory_space<hbm>>
      %dma_wait3A_308 = arith.constant 0 : i32
      %dma_wait3A_309 = tpu.memref_slice %arg3[%add3A_126, %dma_wait3A_308] : memref<2560x128xi32, #tpu.memory_space<hbm>> -> memref<40x128xi32, #tpu.memory_space<hbm>>
      tpu.wait_dma2 semaphore(%run_scoped3A_301 : memref<!tpu.dma_semaphore, #tpu.memory_space<semaphore_mem>>) src(%dma_wait3A_309 : memref<40x128xi32, #tpu.memory_space<hbm>>) dst(%arg8 : memref<40x128xi32, #tpu.memory_space<vmem>>)
      tpu.yield
    }) : () -> ()
    %dma_start3A_127 = arith.constant 0 : i32
    %dma_start3A_128 = arith.constant 0 : i32
    %dma_start3A_129 = tpu.memref_slice %arg7[%dma_start3A_127, %dma_start3A_128] : memref<40x128xi32, #tpu.memory_space<vmem>> -> memref<1x128xi32, #tpu.memory_space<vmem>>
    %dma_start3A_130 = tpu.memref_squeeze %dma_start3A_129 : memref<1x128xi32, #tpu.memory_space<vmem>> -> memref<128xi32, #tpu.memory_space<vmem>>
    %dma_start3A_131 = arith.constant 0 : i32
    %dma_start3A_132 = arith.constant 0 : i32
    %dma_start3A_133 = tpu.memref_slice %arg4[%dma_start3A_131, %dma_start3A_132] : memref<10240x128xf32, #tpu.memory_space<hbm>> -> memref<10240x128xf32, #tpu.memory_space<hbm>>
    tpu.enqueue_indirect_dma source(%dma_start3A_133 : memref<10240x128xf32, #tpu.memory_space<hbm>>) target(%arg9 : memref<128x128xf32, #tpu.memory_space<vmem>>) offsets(%dma_start3A_130 : memref<128xi32, #tpu.memory_space<vmem>>) semaphore(%arg12 : memref<!tpu.dma_semaphore, #tpu.memory_space<semaphore_mem>>)
    %scan3A_134 = arith.constant 0 : i32
    %scan3A_135 = arith.constant 0 : i32
    %scan3A_136 = arith.constant 19 : i32
    %scan3A_137 = arith.addi %scan3A_135, %scan3A_136 : i32
    %scan3A_138 = arith.constant 1 : i32
    scf.for %scan3A_301 = %scan3A_135 to %scan3A_137 step %scan3A_138  : i32 {
      %mul3A_302 = arith.constant 2 : i32
      %mul3A_303 = arith.muli %mul3A_302, %scan3A_301 : i32
      %add3A_304 = arith.constant 0 : i32
      %add3A_305 = arith.addi %mul3A_303, %add3A_304 : i32
      %add3A_306 = arith.constant 1 : i32
      %add3A_307 = arith.addi %add3A_305, %add3A_306 : i32
      %dma_start3A_308 = arith.constant 0 : i32
      %dma_start3A_309 = tpu.memref_slice %arg7[%add3A_307, %dma_start3A_308] : memref<40x128xi32, #tpu.memory_space<vmem>> -> memref<1x128xi32, #tpu.memory_space<vmem>>
      %dma_start3A_310 = tpu.memref_squeeze %dma_start3A_309 : memref<1x128xi32, #tpu.memory_space<vmem>> -> memref<128xi32, #tpu.memory_space<vmem>>
      %dma_start3A_311 = arith.constant 0 : i32
      %dma_start3A_312 = arith.constant 0 : i32
      %dma_start3A_313 = tpu.memref_slice %arg4[%dma_start3A_311, %dma_start3A_312] : memref<10240x128xf32, #tpu.memory_space<hbm>> -> memref<10240x128xf32, #tpu.memory_space<hbm>>
      tpu.enqueue_indirect_dma source(%dma_start3A_313 : memref<10240x128xf32, #tpu.memory_space<hbm>>) target(%arg10 : memref<128x128xf32, #tpu.memory_space<vmem>>) offsets(%dma_start3A_310 : memref<128xi32, #tpu.memory_space<vmem>>) semaphore(%arg13 : memref<!tpu.dma_semaphore, #tpu.memory_space<semaphore_mem>>)
      %dma_wait3A_314 = arith.constant 0 : i32
      %dma_wait3A_315 = tpu.memref_slice %arg7[%add3A_305, %dma_wait3A_314] : memref<40x128xi32, #tpu.memory_space<vmem>> -> memref<1x128xi32, #tpu.memory_space<vmem>>
      %dma_wait3A_316 = tpu.memref_squeeze %dma_wait3A_315 : memref<1x128xi32, #tpu.memory_space<vmem>> -> memref<128xi32, #tpu.memory_space<vmem>>
      %dma_wait3A_317 = arith.constant 0 : i32
      %dma_wait3A_318 = arith.constant 0 : i32
      %dma_wait3A_319 = tpu.memref_slice %arg4[%dma_wait3A_317, %dma_wait3A_318] : memref<10240x128xf32, #tpu.memory_space<hbm>> -> memref<10240x128xf32, #tpu.memory_space<hbm>>
      tpu.wait_indirect_dma semaphore(%arg12 : memref<!tpu.dma_semaphore, #tpu.memory_space<semaphore_mem>>) src(%dma_wait3A_319 : memref<10240x128xf32, #tpu.memory_space<hbm>>) dst(%arg9 : memref<128x128xf32, #tpu.memory_space<vmem>>)
      "tpu.region"() ({
        %run_scoped3A_338 = tpu.sem_alloc : memref<!tpu.dma_semaphore, #tpu.memory_space<semaphore_mem>>
        %dma_start3A_339 = arith.constant 0 : i32
        %dma_start3A_340 = tpu.memref_slice %arg8[%add3A_305, %dma_start3A_339] : memref<40x128xi32, #tpu.memory_space<vmem>> -> memref<1x128xi32, #tpu.memory_space<vmem>>
        %dma_start3A_341 = tpu.memref_squeeze %dma_start3A_340 : memref<1x128xi32, #tpu.memory_space<vmem>> -> memref<128xi32, #tpu.memory_space<vmem>>
        %dma_start3A_342 = arith.constant 0 : i32
        %dma_start3A_343 = arith.constant 0 : i32
        %dma_start3A_344 = tpu.memref_slice %arg11[%dma_start3A_342, %dma_start3A_343] : memref<10240x128xf32, #tpu.memory_space<vmem_shared>> -> memref<10240x128xf32, #tpu.memory_space<vmem_shared>>
        tpu.enqueue_indirect_dma source(%arg9 : memref<128x128xf32, #tpu.memory_space<vmem>>) target(%dma_start3A_344 : memref<10240x128xf32, #tpu.memory_space<vmem_shared>>) offsets(%dma_start3A_341 : memref<128xi32, #tpu.memory_space<vmem>>) semaphore(%run_scoped3A_338 : memref<!tpu.dma_semaphore, #tpu.memory_space<semaphore_mem>>) {add = true}
        %dma_wait3A_345 = arith.constant 0 : i32
        %dma_wait3A_346 = tpu.memref_slice %arg8[%add3A_305, %dma_wait3A_345] : memref<40x128xi32, #tpu.memory_space<vmem>> -> memref<1x128xi32, #tpu.memory_space<vmem>>
        %dma_wait3A_347 = tpu.memref_squeeze %dma_wait3A_346 : memref<1x128xi32, #tpu.memory_space<vmem>> -> memref<128xi32, #tpu.memory_space<vmem>>
        %dma_wait3A_348 = arith.constant 0 : i32
        %dma_wait3A_349 = arith.constant 0 : i32
        %dma_wait3A_350 = tpu.memref_slice %arg11[%dma_wait3A_348, %dma_wait3A_349] : memref<10240x128xf32, #tpu.memory_space<vmem_shared>> -> memref<10240x128xf32, #tpu.memory_space<vmem_shared>>
        tpu.wait_indirect_dma semaphore(%run_scoped3A_338 : memref<!tpu.dma_semaphore, #tpu.memory_space<semaphore_mem>>) src(%arg9 : memref<128x128xf32, #tpu.memory_space<vmem>>) dst(%dma_wait3A_350 : memref<10240x128xf32, #tpu.memory_space<vmem_shared>>)
        tpu.yield
      }) : () -> ()
      %mul3A_320 = arith.constant 2 : i32
      %mul3A_321 = arith.muli %mul3A_320, %scan3A_301 : i32
      %add3A_322 = arith.constant 1 : i32
      %add3A_323 = arith.addi %mul3A_321, %add3A_322 : i32
      %add3A_324 = arith.constant 1 : i32
      %add3A_325 = arith.addi %add3A_323, %add3A_324 : i32
      %dma_start3A_326 = arith.constant 0 : i32
      %dma_start3A_327 = tpu.memref_slice %arg7[%add3A_325, %dma_start3A_326] : memref<40x128xi32, #tpu.memory_space<vmem>> -> memref<1x128xi32, #tpu.memory_space<vmem>>
      %dma_start3A_328 = tpu.memref_squeeze %dma_start3A_327 : memref<1x128xi32, #tpu.memory_space<vmem>> -> memref<128xi32, #tpu.memory_space<vmem>>
      %dma_start3A_329 = arith.constant 0 : i32
      %dma_start3A_330 = arith.constant 0 : i32
      %dma_start3A_331 = tpu.memref_slice %arg4[%dma_start3A_329, %dma_start3A_330] : memref<10240x128xf32, #tpu.memory_space<hbm>> -> memref<10240x128xf32, #tpu.memory_space<hbm>>
      tpu.enqueue_indirect_dma source(%dma_start3A_331 : memref<10240x128xf32, #tpu.memory_space<hbm>>) target(%arg9 : memref<128x128xf32, #tpu.memory_space<vmem>>) offsets(%dma_start3A_328 : memref<128xi32, #tpu.memory_space<vmem>>) semaphore(%arg12 : memref<!tpu.dma_semaphore, #tpu.memory_space<semaphore_mem>>)
      %dma_wait3A_332 = arith.constant 0 : i32
      %dma_wait3A_333 = tpu.memref_slice %arg7[%add3A_323, %dma_wait3A_332] : memref<40x128xi32, #tpu.memory_space<vmem>> -> memref<1x128xi32, #tpu.memory_space<vmem>>
      %dma_wait3A_334 = tpu.memref_squeeze %dma_wait3A_333 : memref<1x128xi32, #tpu.memory_space<vmem>> -> memref<128xi32, #tpu.memory_space<vmem>>
      %dma_wait3A_335 = arith.constant 0 : i32
      %dma_wait3A_336 = arith.constant 0 : i32
      %dma_wait3A_337 = tpu.memref_slice %arg4[%dma_wait3A_335, %dma_wait3A_336] : memref<10240x128xf32, #tpu.memory_space<hbm>> -> memref<10240x128xf32, #tpu.memory_space<hbm>>
      tpu.wait_indirect_dma semaphore(%arg13 : memref<!tpu.dma_semaphore, #tpu.memory_space<semaphore_mem>>) src(%dma_wait3A_337 : memref<10240x128xf32, #tpu.memory_space<hbm>>) dst(%arg10 : memref<128x128xf32, #tpu.memory_space<vmem>>)
      "tpu.region"() ({
        %run_scoped3A_338 = tpu.sem_alloc : memref<!tpu.dma_semaphore, #tpu.memory_space<semaphore_mem>>
        %dma_start3A_339 = arith.constant 0 : i32
        %dma_start3A_340 = tpu.memref_slice %arg8[%add3A_323, %dma_start3A_339] : memref<40x128xi32, #tpu.memory_space<vmem>> -> memref<1x128xi32, #tpu.memory_space<vmem>>
        %dma_start3A_341 = tpu.memref_squeeze %dma_start3A_340 : memref<1x128xi32, #tpu.memory_space<vmem>> -> memref<128xi32, #tpu.memory_space<vmem>>
        %dma_start3A_342 = arith.constant 0 : i32
        %dma_start3A_343 = arith.constant 0 : i32
        %dma_start3A_344 = tpu.memref_slice %arg11[%dma_start3A_342, %dma_start3A_343] : memref<10240x128xf32, #tpu.memory_space<vmem_shared>> -> memref<10240x128xf32, #tpu.memory_space<vmem_shared>>
        tpu.enqueue_indirect_dma source(%arg10 : memref<128x128xf32, #tpu.memory_space<vmem>>) target(%dma_start3A_344 : memref<10240x128xf32, #tpu.memory_space<vmem_shared>>) offsets(%dma_start3A_341 : memref<128xi32, #tpu.memory_space<vmem>>) semaphore(%run_scoped3A_338 : memref<!tpu.dma_semaphore, #tpu.memory_space<semaphore_mem>>) {add = true}
        %dma_wait3A_345 = arith.constant 0 : i32
        %dma_wait3A_346 = tpu.memref_slice %arg8[%add3A_323, %dma_wait3A_345] : memref<40x128xi32, #tpu.memory_space<vmem>> -> memref<1x128xi32, #tpu.memory_space<vmem>>
        %dma_wait3A_347 = tpu.memref_squeeze %dma_wait3A_346 : memref<1x128xi32, #tpu.memory_space<vmem>> -> memref<128xi32, #tpu.memory_space<vmem>>
        %dma_wait3A_348 = arith.constant 0 : i32
        %dma_wait3A_349 = arith.constant 0 : i32
        %dma_wait3A_350 = tpu.memref_slice %arg11[%dma_wait3A_348, %dma_wait3A_349] : memref<10240x128xf32, #tpu.memory_space<vmem_shared>> -> memref<10240x128xf32, #tpu.memory_space<vmem_shared>>
        tpu.wait_indirect_dma semaphore(%run_scoped3A_338 : memref<!tpu.dma_semaphore, #tpu.memory_space<semaphore_mem>>) src(%arg10 : memref<128x128xf32, #tpu.memory_space<vmem>>) dst(%dma_wait3A_350 : memref<10240x128xf32, #tpu.memory_space<vmem_shared>>)
        tpu.yield
      }) : () -> ()
    }
    %scan3A_139 = arith.constant 19 : i32
    %dma_start3A_140 = arith.constant 39 : i32
    %dma_start3A_141 = arith.constant 0 : i32
    %dma_start3A_142 = tpu.memref_slice %arg7[%dma_start3A_140, %dma_start3A_141] : memref<40x128xi32, #tpu.memory_space<vmem>> -> memref<1x128xi32, #tpu.memory_space<vmem>>
    %dma_start3A_143 = tpu.memref_squeeze %dma_start3A_142 : memref<1x128xi32, #tpu.memory_space<vmem>> -> memref<128xi32, #tpu.memory_space<vmem>>
    %dma_start3A_144 = arith.constant 0 : i32
    %dma_start3A_145 = arith.constant 0 : i32
    %dma_start3A_146 = tpu.memref_slice %arg4[%dma_start3A_144, %dma_start3A_145] : memref<10240x128xf32, #tpu.memory_space<hbm>> -> memref<10240x128xf32, #tpu.memory_space<hbm>>
    tpu.enqueue_indirect_dma source(%dma_start3A_146 : memref<10240x128xf32, #tpu.memory_space<hbm>>) target(%arg10 : memref<128x128xf32, #tpu.memory_space<vmem>>) offsets(%dma_start3A_143 : memref<128xi32, #tpu.memory_space<vmem>>) semaphore(%arg13 : memref<!tpu.dma_semaphore, #tpu.memory_space<semaphore_mem>>)
    %dma_wait3A_147 = arith.constant 38 : i32
    %dma_wait3A_148 = arith.constant 0 : i32
    %dma_wait3A_149 = tpu.memref_slice %arg7[%dma_wait3A_147, %dma_wait3A_148] : memref<40x128xi32, #tpu.memory_space<vmem>> -> memref<1x128xi32, #tpu.memory_space<vmem>>
    %dma_wait3A_150 = tpu.memref_squeeze %dma_wait3A_149 : memref<1x128xi32, #tpu.memory_space<vmem>> -> memref<128xi32, #tpu.memory_space<vmem>>
    %dma_wait3A_151 = arith.constant 0 : i32
    %dma_wait3A_152 = arith.constant 0 : i32
    %dma_wait3A_153 = tpu.memref_slice %arg4[%dma_wait3A_151, %dma_wait3A_152] : memref<10240x128xf32, #tpu.memory_space<hbm>> -> memref<10240x128xf32, #tpu.memory_space<hbm>>
    tpu.wait_indirect_dma semaphore(%arg12 : memref<!tpu.dma_semaphore, #tpu.memory_space<semaphore_mem>>) src(%dma_wait3A_153 : memref<10240x128xf32, #tpu.memory_space<hbm>>) dst(%arg9 : memref<128x128xf32, #tpu.memory_space<vmem>>)
    %run_scoped3A_154 = arith.constant 38 : i32
    "tpu.region"() ({
      %run_scoped3A_301 = tpu.sem_alloc : memref<!tpu.dma_semaphore, #tpu.memory_space<semaphore_mem>>
      %dma_start3A_302 = arith.constant 0 : i32
      %dma_start3A_303 = tpu.memref_slice %arg8[%run_scoped3A_154, %dma_start3A_302] : memref<40x128xi32, #tpu.memory_space<vmem>> -> memref<1x128xi32, #tpu.memory_space<vmem>>
      %dma_start3A_304 = tpu.memref_squeeze %dma_start3A_303 : memref<1x128xi32, #tpu.memory_space<vmem>> -> memref<128xi32, #tpu.memory_space<vmem>>
      %dma_start3A_305 = arith.constant 0 : i32
      %dma_start3A_306 = arith.constant 0 : i32
      %dma_start3A_307 = tpu.memref_slice %arg11[%dma_start3A_305, %dma_start3A_306] : memref<10240x128xf32, #tpu.memory_space<vmem_shared>> -> memref<10240x128xf32, #tpu.memory_space<vmem_shared>>
      tpu.enqueue_indirect_dma source(%arg9 : memref<128x128xf32, #tpu.memory_space<vmem>>) target(%dma_start3A_307 : memref<10240x128xf32, #tpu.memory_space<vmem_shared>>) offsets(%dma_start3A_304 : memref<128xi32, #tpu.memory_space<vmem>>) semaphore(%run_scoped3A_301 : memref<!tpu.dma_semaphore, #tpu.memory_space<semaphore_mem>>) {add = true}
      %dma_wait3A_308 = arith.constant 0 : i32
      %dma_wait3A_309 = tpu.memref_slice %arg8[%run_scoped3A_154, %dma_wait3A_308] : memref<40x128xi32, #tpu.memory_space<vmem>> -> memref<1x128xi32, #tpu.memory_space<vmem>>
      %dma_wait3A_310 = tpu.memref_squeeze %dma_wait3A_309 : memref<1x128xi32, #tpu.memory_space<vmem>> -> memref<128xi32, #tpu.memory_space<vmem>>
      %dma_wait3A_311 = arith.constant 0 : i32
      %dma_wait3A_312 = arith.constant 0 : i32
      %dma_wait3A_313 = tpu.memref_slice %arg11[%dma_wait3A_311, %dma_wait3A_312] : memref<10240x128xf32, #tpu.memory_space<vmem_shared>> -> memref<10240x128xf32, #tpu.memory_space<vmem_shared>>
      tpu.wait_indirect_dma semaphore(%run_scoped3A_301 : memref<!tpu.dma_semaphore, #tpu.memory_space<semaphore_mem>>) src(%arg9 : memref<128x128xf32, #tpu.memory_space<vmem>>) dst(%dma_wait3A_313 : memref<10240x128xf32, #tpu.memory_space<vmem_shared>>)
      tpu.yield
    }) : () -> ()
    %dma_wait3A_155 = arith.constant 39 : i32
    %dma_wait3A_156 = arith.constant 0 : i32
    %dma_wait3A_157 = tpu.memref_slice %arg7[%dma_wait3A_155, %dma_wait3A_156] : memref<40x128xi32, #tpu.memory_space<vmem>> -> memref<1x128xi32, #tpu.memory_space<vmem>>
    %dma_wait3A_158 = tpu.memref_squeeze %dma_wait3A_157 : memref<1x128xi32, #tpu.memory_space<vmem>> -> memref<128xi32, #tpu.memory_space<vmem>>
    %dma_wait3A_159 = arith.constant 0 : i32
    %dma_wait3A_160 = arith.constant 0 : i32
    %dma_wait3A_161 = tpu.memref_slice %arg4[%dma_wait3A_159, %dma_wait3A_160] : memref<10240x128xf32, #tpu.memory_space<hbm>> -> memref<10240x128xf32, #tpu.memory_space<hbm>>
    tpu.wait_indirect_dma semaphore(%arg13 : memref<!tpu.dma_semaphore, #tpu.memory_space<semaphore_mem>>) src(%dma_wait3A_161 : memref<10240x128xf32, #tpu.memory_space<hbm>>) dst(%arg10 : memref<128x128xf32, #tpu.memory_space<vmem>>)
    %run_scoped3A_162 = arith.constant 39 : i32
    "tpu.region"() ({
      %run_scoped3A_301 = tpu.sem_alloc : memref<!tpu.dma_semaphore, #tpu.memory_space<semaphore_mem>>
      %dma_start3A_302 = arith.constant 0 : i32
      %dma_start3A_303 = tpu.memref_slice %arg8[%run_scoped3A_162, %dma_start3A_302] : memref<40x128xi32, #tpu.memory_space<vmem>> -> memref<1x128xi32, #tpu.memory_space<vmem>>
      %dma_start3A_304 = tpu.memref_squeeze %dma_start3A_303 : memref<1x128xi32, #tpu.memory_space<vmem>> -> memref<128xi32, #tpu.memory_space<vmem>>
      %dma_start3A_305 = arith.constant 0 : i32
      %dma_start3A_306 = arith.constant 0 : i32
      %dma_start3A_307 = tpu.memref_slice %arg11[%dma_start3A_305, %dma_start3A_306] : memref<10240x128xf32, #tpu.memory_space<vmem_shared>> -> memref<10240x128xf32, #tpu.memory_space<vmem_shared>>
      tpu.enqueue_indirect_dma source(%arg10 : memref<128x128xf32, #tpu.memory_space<vmem>>) target(%dma_start3A_307 : memref<10240x128xf32, #tpu.memory_space<vmem_shared>>) offsets(%dma_start3A_304 : memref<128xi32, #tpu.memory_space<vmem>>) semaphore(%run_scoped3A_301 : memref<!tpu.dma_semaphore, #tpu.memory_space<semaphore_mem>>) {add = true}
      %dma_wait3A_308 = arith.constant 0 : i32
      %dma_wait3A_309 = tpu.memref_slice %arg8[%run_scoped3A_162, %dma_wait3A_308] : memref<40x128xi32, #tpu.memory_space<vmem>> -> memref<1x128xi32, #tpu.memory_space<vmem>>
      %dma_wait3A_310 = tpu.memref_squeeze %dma_wait3A_309 : memref<1x128xi32, #tpu.memory_space<vmem>> -> memref<128xi32, #tpu.memory_space<vmem>>
      %dma_wait3A_311 = arith.constant 0 : i32
      %dma_wait3A_312 = arith.constant 0 : i32
      %dma_wait3A_313 = tpu.memref_slice %arg11[%dma_wait3A_311, %dma_wait3A_312] : memref<10240x128xf32, #tpu.memory_space<vmem_shared>> -> memref<10240x128xf32, #tpu.memory_space<vmem_shared>>
      tpu.wait_indirect_dma semaphore(%run_scoped3A_301 : memref<!tpu.dma_semaphore, #tpu.memory_space<semaphore_mem>>) src(%arg10 : memref<128x128xf32, #tpu.memory_space<vmem>>) dst(%dma_wait3A_313 : memref<10240x128xf32, #tpu.memory_space<vmem_shared>>)
      tpu.yield
    }) : () -> ()
    %barrier3A_163 = arith.constant 0 : index
    tpu.barrier barrier_id(%barrier3A_163)
    %mul3A_164 = arith.constant 640 : i32
    %mul3A_165 = arith.muli %arg1, %mul3A_164 : i32
    %add3A_166 = arith.constant 0 : i32
    %add3A_167 = arith.addi %mul3A_165, %add3A_166 : i32
    "tpu.region"() ({
      %run_scoped3A_301 = tpu.sem_alloc : memref<!tpu.dma_semaphore, #tpu.memory_space<semaphore_mem>>
      %dma_start3A_302 = arith.constant 0 : i32
      %dma_start3A_303 = tpu.memref_slice %arg11[%add3A_167, %dma_start3A_302] : memref<10240x128xf32, #tpu.memory_space<vmem_shared>> -> memref<128x128xf32, #tpu.memory_space<vmem_shared>>
      %dma_start3A_304 = arith.constant 0 : i32
      %dma_start3A_305 = tpu.memref_slice %arg11[%add3A_167, %dma_start3A_304] : memref<10240x128xf32, #tpu.memory_space<vmem_shared>> -> memref<128x128xf32, #tpu.memory_space<vmem_shared>>
      tpu.enqueue_dma source(%dma_start3A_305 : memref<128x128xf32, #tpu.memory_space<vmem_shared>>) target(%arg9 : memref<128x128xf32, #tpu.memory_space<vmem>>) target_semaphore(%run_scoped3A_301 : memref<!tpu.dma_semaphore, #tpu.memory_space<semaphore_mem>>)
      %dma_wait3A_306 = arith.constant 0 : i32
      %dma_wait3A_307 = tpu.memref_slice %arg11[%add3A_167, %dma_wait3A_306] : memref<10240x128xf32, #tpu.memory_space<vmem_shared>> -> memref<128x128xf32, #tpu.memory_space<vmem_shared>>
      %dma_wait3A_308 = arith.constant 0 : i32
      %dma_wait3A_309 = tpu.memref_slice %arg11[%add3A_167, %dma_wait3A_308] : memref<10240x128xf32, #tpu.memory_space<vmem_shared>> -> memref<128x128xf32, #tpu.memory_space<vmem_shared>>
      tpu.wait_dma2 semaphore(%run_scoped3A_301 : memref<!tpu.dma_semaphore, #tpu.memory_space<semaphore_mem>>) src(%dma_wait3A_309 : memref<128x128xf32, #tpu.memory_space<vmem_shared>>) dst(%arg9 : memref<128x128xf32, #tpu.memory_space<vmem>>)
      tpu.yield
    }) : () -> ()
    %eq3A = arith.constant 0 : i32
    %eq3A_168 = arith.cmpi eq, %arg0, %eq3A : i32
    %convert_element_type3A = arith.extui %eq3A_168 : i1 to i32
    %cond3A = arith.constant 0 : i32
    %cond3A_169 = arith.cmpi ne, %convert_element_type3A, %cond3A : i32
    scf.if %cond3A_169 {
      %dma_start3A_301 = arith.constant 0 : i32
      %dma_start3A_302 = tpu.memref_slice %arg5[%add3A_167, %dma_start3A_301] : memref<10240x128xf32, #tpu.memory_space<hbm>> -> memref<128x128xf32, #tpu.memory_space<hbm>>
      %dma_start3A_303 = arith.constant 0 : i32
      %dma_start3A_304 = tpu.memref_slice %arg5[%add3A_167, %dma_start3A_303] : memref<10240x128xf32, #tpu.memory_space<hbm>> -> memref<128x128xf32, #tpu.memory_space<hbm>>
      tpu.enqueue_dma source(%arg9 : memref<128x128xf32, #tpu.memory_space<vmem>>) target(%dma_start3A_304 : memref<128x128xf32, #tpu.memory_space<hbm>>) target_semaphore(%arg12 : memref<!tpu.dma_semaphore, #tpu.memory_space<semaphore_mem>>)
    } else {
    }
    %eq3A_170 = arith.constant 1 : i32
    %eq3A_171 = arith.cmpi eq, %arg0, %eq3A_170 : i32
    %convert_element_type3A_172 = arith.extui %eq3A_171 : i1 to i32
    %cond3A_173 = arith.constant 0 : i32
    %cond3A_174 = arith.cmpi ne, %convert_element_type3A_172, %cond3A_173 : i32
    scf.if %cond3A_174 {
      %dma_start3A_301 = arith.constant 0 : i32
      %dma_start3A_302 = tpu.memref_slice %arg6[%add3A_167, %dma_start3A_301] : memref<10240x128xf32, #tpu.memory_space<hbm>> -> memref<128x128xf32, #tpu.memory_space<hbm>>
      %dma_start3A_303 = arith.constant 0 : i32
      %dma_start3A_304 = tpu.memref_slice %arg6[%add3A_167, %dma_start3A_303] : memref<10240x128xf32, #tpu.memory_space<hbm>> -> memref<128x128xf32, #tpu.memory_space<hbm>>
      tpu.enqueue_dma source(%arg9 : memref<128x128xf32, #tpu.memory_space<vmem>>) target(%dma_start3A_304 : memref<128x128xf32, #tpu.memory_space<hbm>>) target_semaphore(%arg12 : memref<!tpu.dma_semaphore, #tpu.memory_space<semaphore_mem>>)
    } else {
    }
    %mul3A_175 = arith.constant 640 : i32
    %mul3A_176 = arith.muli %arg1, %mul3A_175 : i32
    %add3A_177 = arith.constant 128 : i32
    %add3A_178 = arith.addi %mul3A_176, %add3A_177 : i32
    "tpu.region"() ({
      %run_scoped3A_301 = tpu.sem_alloc : memref<!tpu.dma_semaphore, #tpu.memory_space<semaphore_mem>>
      %dma_start3A_302 = arith.constant 0 : i32
      %dma_start3A_303 = tpu.memref_slice %arg11[%add3A_178, %dma_start3A_302] : memref<10240x128xf32, #tpu.memory_space<vmem_shared>> -> memref<128x128xf32, #tpu.memory_space<vmem_shared>>
      %dma_start3A_304 = arith.constant 0 : i32
      %dma_start3A_305 = tpu.memref_slice %arg11[%add3A_178, %dma_start3A_304] : memref<10240x128xf32, #tpu.memory_space<vmem_shared>> -> memref<128x128xf32, #tpu.memory_space<vmem_shared>>
      tpu.enqueue_dma source(%dma_start3A_305 : memref<128x128xf32, #tpu.memory_space<vmem_shared>>) target(%arg10 : memref<128x128xf32, #tpu.memory_space<vmem>>) target_semaphore(%run_scoped3A_301 : memref<!tpu.dma_semaphore, #tpu.memory_space<semaphore_mem>>)
      %dma_wait3A_306 = arith.constant 0 : i32
      %dma_wait3A_307 = tpu.memref_slice %arg11[%add3A_178, %dma_wait3A_306] : memref<10240x128xf32, #tpu.memory_space<vmem_shared>> -> memref<128x128xf32, #tpu.memory_space<vmem_shared>>
      %dma_wait3A_308 = arith.constant 0 : i32
      %dma_wait3A_309 = tpu.memref_slice %arg11[%add3A_178, %dma_wait3A_308] : memref<10240x128xf32, #tpu.memory_space<vmem_shared>> -> memref<128x128xf32, #tpu.memory_space<vmem_shared>>
      tpu.wait_dma2 semaphore(%run_scoped3A_301 : memref<!tpu.dma_semaphore, #tpu.memory_space<semaphore_mem>>) src(%dma_wait3A_309 : memref<128x128xf32, #tpu.memory_space<vmem_shared>>) dst(%arg10 : memref<128x128xf32, #tpu.memory_space<vmem>>)
      tpu.yield
    }) : () -> ()
    %eq3A_179 = arith.constant 0 : i32
    %eq3A_180 = arith.cmpi eq, %arg0, %eq3A_179 : i32
    %convert_element_type3A_181 = arith.extui %eq3A_180 : i1 to i32
    %cond3A_182 = arith.constant 0 : i32
    %cond3A_183 = arith.cmpi ne, %convert_element_type3A_181, %cond3A_182 : i32
    scf.if %cond3A_183 {
      %dma_start3A_301 = arith.constant 0 : i32
      %dma_start3A_302 = tpu.memref_slice %arg5[%add3A_178, %dma_start3A_301] : memref<10240x128xf32, #tpu.memory_space<hbm>> -> memref<128x128xf32, #tpu.memory_space<hbm>>
      %dma_start3A_303 = arith.constant 0 : i32
      %dma_start3A_304 = tpu.memref_slice %arg5[%add3A_178, %dma_start3A_303] : memref<10240x128xf32, #tpu.memory_space<hbm>> -> memref<128x128xf32, #tpu.memory_space<hbm>>
      tpu.enqueue_dma source(%arg10 : memref<128x128xf32, #tpu.memory_space<vmem>>) target(%dma_start3A_304 : memref<128x128xf32, #tpu.memory_space<hbm>>) target_semaphore(%arg13 : memref<!tpu.dma_semaphore, #tpu.memory_space<semaphore_mem>>)
    } else {
    }
    %eq3A_184 = arith.constant 1 : i32
    %eq3A_185 = arith.cmpi eq, %arg0, %eq3A_184 : i32
    %convert_element_type3A_186 = arith.extui %eq3A_185 : i1 to i32
    %cond3A_187 = arith.constant 0 : i32
    %cond3A_188 = arith.cmpi ne, %convert_element_type3A_186, %cond3A_187 : i32
    scf.if %cond3A_188 {
      %dma_start3A_301 = arith.constant 0 : i32
      %dma_start3A_302 = tpu.memref_slice %arg6[%add3A_178, %dma_start3A_301] : memref<10240x128xf32, #tpu.memory_space<hbm>> -> memref<128x128xf32, #tpu.memory_space<hbm>>
      %dma_start3A_303 = arith.constant 0 : i32
      %dma_start3A_304 = tpu.memref_slice %arg6[%add3A_178, %dma_start3A_303] : memref<10240x128xf32, #tpu.memory_space<hbm>> -> memref<128x128xf32, #tpu.memory_space<hbm>>
      tpu.enqueue_dma source(%arg10 : memref<128x128xf32, #tpu.memory_space<vmem>>) target(%dma_start3A_304 : memref<128x128xf32, #tpu.memory_space<hbm>>) target_semaphore(%arg13 : memref<!tpu.dma_semaphore, #tpu.memory_space<semaphore_mem>>)
    } else {
    }
    %mul3A_189 = arith.constant 640 : i32
    %mul3A_190 = arith.muli %arg1, %mul3A_189 : i32
    %add3A_191 = arith.constant 256 : i32
    %add3A_192 = arith.addi %mul3A_190, %add3A_191 : i32
    %mul3A_193 = arith.constant 640 : i32
    %mul3A_194 = arith.muli %arg1, %mul3A_193 : i32
    %add3A_195 = arith.constant 0 : i32
    %add3A_196 = arith.addi %mul3A_194, %add3A_195 : i32
    %eq3A_197 = arith.constant 0 : i32
    %eq3A_198 = arith.cmpi eq, %arg0, %eq3A_197 : i32
    %convert_element_type3A_199 = arith.extui %eq3A_198 : i1 to i32
    %cond3A_200 = arith.constant 0 : i32
    %cond3A_201 = arith.cmpi ne, %convert_element_type3A_199, %cond3A_200 : i32
    scf.if %cond3A_201 {
      %dma_wait3A_301 = arith.constant 0 : i32
      %dma_wait3A_302 = tpu.memref_slice %arg5[%add3A_196, %dma_wait3A_301] : memref<10240x128xf32, #tpu.memory_space<hbm>> -> memref<128x128xf32, #tpu.memory_space<hbm>>
      %dma_wait3A_303 = arith.constant 0 : i32
      %dma_wait3A_304 = tpu.memref_slice %arg5[%add3A_196, %dma_wait3A_303] : memref<10240x128xf32, #tpu.memory_space<hbm>> -> memref<128x128xf32, #tpu.memory_space<hbm>>
      tpu.wait_dma2 semaphore(%arg12 : memref<!tpu.dma_semaphore, #tpu.memory_space<semaphore_mem>>) src(%arg9 : memref<128x128xf32, #tpu.memory_space<vmem>>) dst(%dma_wait3A_304 : memref<128x128xf32, #tpu.memory_space<hbm>>)
    } else {
    }
    %eq3A_202 = arith.constant 1 : i32
    %eq3A_203 = arith.cmpi eq, %arg0, %eq3A_202 : i32
    %convert_element_type3A_204 = arith.extui %eq3A_203 : i1 to i32
    %cond3A_205 = arith.constant 0 : i32
    %cond3A_206 = arith.cmpi ne, %convert_element_type3A_204, %cond3A_205 : i32
    scf.if %cond3A_206 {
      %dma_wait3A_301 = arith.constant 0 : i32
      %dma_wait3A_302 = tpu.memref_slice %arg6[%add3A_196, %dma_wait3A_301] : memref<10240x128xf32, #tpu.memory_space<hbm>> -> memref<128x128xf32, #tpu.memory_space<hbm>>
      %dma_wait3A_303 = arith.constant 0 : i32
      %dma_wait3A_304 = tpu.memref_slice %arg6[%add3A_196, %dma_wait3A_303] : memref<10240x128xf32, #tpu.memory_space<hbm>> -> memref<128x128xf32, #tpu.memory_space<hbm>>
      tpu.wait_dma2 semaphore(%arg12 : memref<!tpu.dma_semaphore, #tpu.memory_space<semaphore_mem>>) src(%arg9 : memref<128x128xf32, #tpu.memory_space<vmem>>) dst(%dma_wait3A_304 : memref<128x128xf32, #tpu.memory_space<hbm>>)
    } else {
    }
    "tpu.region"() ({
      %run_scoped3A_301 = tpu.sem_alloc : memref<!tpu.dma_semaphore, #tpu.memory_space<semaphore_mem>>
      %dma_start3A_302 = arith.constant 0 : i32
      %dma_start3A_303 = tpu.memref_slice %arg11[%add3A_192, %dma_start3A_302] : memref<10240x128xf32, #tpu.memory_space<vmem_shared>> -> memref<128x128xf32, #tpu.memory_space<vmem_shared>>
      %dma_start3A_304 = arith.constant 0 : i32
      %dma_start3A_305 = tpu.memref_slice %arg11[%add3A_192, %dma_start3A_304] : memref<10240x128xf32, #tpu.memory_space<vmem_shared>> -> memref<128x128xf32, #tpu.memory_space<vmem_shared>>
      tpu.enqueue_dma source(%dma_start3A_305 : memref<128x128xf32, #tpu.memory_space<vmem_shared>>) target(%arg9 : memref<128x128xf32, #tpu.memory_space<vmem>>) target_semaphore(%run_scoped3A_301 : memref<!tpu.dma_semaphore, #tpu.memory_space<semaphore_mem>>)
      %dma_wait3A_306 = arith.constant 0 : i32
      %dma_wait3A_307 = tpu.memref_slice %arg11[%add3A_192, %dma_wait3A_306] : memref<10240x128xf32, #tpu.memory_space<vmem_shared>> -> memref<128x128xf32, #tpu.memory_space<vmem_shared>>
      %dma_wait3A_308 = arith.constant 0 : i32
      %dma_wait3A_309 = tpu.memref_slice %arg11[%add3A_192, %dma_wait3A_308] : memref<10240x128xf32, #tpu.memory_space<vmem_shared>> -> memref<128x128xf32, #tpu.memory_space<vmem_shared>>
      tpu.wait_dma2 semaphore(%run_scoped3A_301 : memref<!tpu.dma_semaphore, #tpu.memory_space<semaphore_mem>>) src(%dma_wait3A_309 : memref<128x128xf32, #tpu.memory_space<vmem_shared>>) dst(%arg9 : memref<128x128xf32, #tpu.memory_space<vmem>>)
      tpu.yield
    }) : () -> ()
    %eq3A_207 = arith.constant 0 : i32
    %eq3A_208 = arith.cmpi eq, %arg0, %eq3A_207 : i32
    %convert_element_type3A_209 = arith.extui %eq3A_208 : i1 to i32
    %cond3A_210 = arith.constant 0 : i32
    %cond3A_211 = arith.cmpi ne, %convert_element_type3A_209, %cond3A_210 : i32
    scf.if %cond3A_211 {
      %dma_start3A_301 = arith.constant 0 : i32
      %dma_start3A_302 = tpu.memref_slice %arg5[%add3A_192, %dma_start3A_301] : memref<10240x128xf32, #tpu.memory_space<hbm>> -> memref<128x128xf32, #tpu.memory_space<hbm>>
      %dma_start3A_303 = arith.constant 0 : i32
      %dma_start3A_304 = tpu.memref_slice %arg5[%add3A_192, %dma_start3A_303] : memref<10240x128xf32, #tpu.memory_space<hbm>> -> memref<128x128xf32, #tpu.memory_space<hbm>>
      tpu.enqueue_dma source(%arg9 : memref<128x128xf32, #tpu.memory_space<vmem>>) target(%dma_start3A_304 : memref<128x128xf32, #tpu.memory_space<hbm>>) target_semaphore(%arg12 : memref<!tpu.dma_semaphore, #tpu.memory_space<semaphore_mem>>)
    } else {
    }
    %eq3A_212 = arith.constant 1 : i32
    %eq3A_213 = arith.cmpi eq, %arg0, %eq3A_212 : i32
    %convert_element_type3A_214 = arith.extui %eq3A_213 : i1 to i32
    %cond3A_215 = arith.constant 0 : i32
    %cond3A_216 = arith.cmpi ne, %convert_element_type3A_214, %cond3A_215 : i32
    scf.if %cond3A_216 {
      %dma_start3A_301 = arith.constant 0 : i32
      %dma_start3A_302 = tpu.memref_slice %arg6[%add3A_192, %dma_start3A_301] : memref<10240x128xf32, #tpu.memory_space<hbm>> -> memref<128x128xf32, #tpu.memory_space<hbm>>
      %dma_start3A_303 = arith.constant 0 : i32
      %dma_start3A_304 = tpu.memref_slice %arg6[%add3A_192, %dma_start3A_303] : memref<10240x128xf32, #tpu.memory_space<hbm>> -> memref<128x128xf32, #tpu.memory_space<hbm>>
      tpu.enqueue_dma source(%arg9 : memref<128x128xf32, #tpu.memory_space<vmem>>) target(%dma_start3A_304 : memref<128x128xf32, #tpu.memory_space<hbm>>) target_semaphore(%arg12 : memref<!tpu.dma_semaphore, #tpu.memory_space<semaphore_mem>>)
    } else {
    }
    %mul3A_217 = arith.constant 640 : i32
    %mul3A_218 = arith.muli %arg1, %mul3A_217 : i32
    %add3A_219 = arith.constant 384 : i32
    %add3A_220 = arith.addi %mul3A_218, %add3A_219 : i32
    %mul3A_221 = arith.constant 640 : i32
    %mul3A_222 = arith.muli %arg1, %mul3A_221 : i32
    %add3A_223 = arith.constant 128 : i32
    %add3A_224 = arith.addi %mul3A_222, %add3A_223 : i32
    %eq3A_225 = arith.constant 0 : i32
    %eq3A_226 = arith.cmpi eq, %arg0, %eq3A_225 : i32
    %convert_element_type3A_227 = arith.extui %eq3A_226 : i1 to i32
    %cond3A_228 = arith.constant 0 : i32
    %cond3A_229 = arith.cmpi ne, %convert_element_type3A_227, %cond3A_228 : i32
    scf.if %cond3A_229 {
      %dma_wait3A_301 = arith.constant 0 : i32
      %dma_wait3A_302 = tpu.memref_slice %arg5[%add3A_224, %dma_wait3A_301] : memref<10240x128xf32, #tpu.memory_space<hbm>> -> memref<128x128xf32, #tpu.memory_space<hbm>>
      %dma_wait3A_303 = arith.constant 0 : i32
      %dma_wait3A_304 = tpu.memref_slice %arg5[%add3A_224, %dma_wait3A_303] : memref<10240x128xf32, #tpu.memory_space<hbm>> -> memref<128x128xf32, #tpu.memory_space<hbm>>
      tpu.wait_dma2 semaphore(%arg13 : memref<!tpu.dma_semaphore, #tpu.memory_space<semaphore_mem>>) src(%arg10 : memref<128x128xf32, #tpu.memory_space<vmem>>) dst(%dma_wait3A_304 : memref<128x128xf32, #tpu.memory_space<hbm>>)
    } else {
    }
    %eq3A_230 = arith.constant 1 : i32
    %eq3A_231 = arith.cmpi eq, %arg0, %eq3A_230 : i32
    %convert_element_type3A_232 = arith.extui %eq3A_231 : i1 to i32
    %cond3A_233 = arith.constant 0 : i32
    %cond3A_234 = arith.cmpi ne, %convert_element_type3A_232, %cond3A_233 : i32
    scf.if %cond3A_234 {
      %dma_wait3A_301 = arith.constant 0 : i32
      %dma_wait3A_302 = tpu.memref_slice %arg6[%add3A_224, %dma_wait3A_301] : memref<10240x128xf32, #tpu.memory_space<hbm>> -> memref<128x128xf32, #tpu.memory_space<hbm>>
      %dma_wait3A_303 = arith.constant 0 : i32
      %dma_wait3A_304 = tpu.memref_slice %arg6[%add3A_224, %dma_wait3A_303] : memref<10240x128xf32, #tpu.memory_space<hbm>> -> memref<128x128xf32, #tpu.memory_space<hbm>>
      tpu.wait_dma2 semaphore(%arg13 : memref<!tpu.dma_semaphore, #tpu.memory_space<semaphore_mem>>) src(%arg10 : memref<128x128xf32, #tpu.memory_space<vmem>>) dst(%dma_wait3A_304 : memref<128x128xf32, #tpu.memory_space<hbm>>)
    } else {
    }
    "tpu.region"() ({
      %run_scoped3A_301 = tpu.sem_alloc : memref<!tpu.dma_semaphore, #tpu.memory_space<semaphore_mem>>
      %dma_start3A_302 = arith.constant 0 : i32
      %dma_start3A_303 = tpu.memref_slice %arg11[%add3A_220, %dma_start3A_302] : memref<10240x128xf32, #tpu.memory_space<vmem_shared>> -> memref<128x128xf32, #tpu.memory_space<vmem_shared>>
      %dma_start3A_304 = arith.constant 0 : i32
      %dma_start3A_305 = tpu.memref_slice %arg11[%add3A_220, %dma_start3A_304] : memref<10240x128xf32, #tpu.memory_space<vmem_shared>> -> memref<128x128xf32, #tpu.memory_space<vmem_shared>>
      tpu.enqueue_dma source(%dma_start3A_305 : memref<128x128xf32, #tpu.memory_space<vmem_shared>>) target(%arg10 : memref<128x128xf32, #tpu.memory_space<vmem>>) target_semaphore(%run_scoped3A_301 : memref<!tpu.dma_semaphore, #tpu.memory_space<semaphore_mem>>)
      %dma_wait3A_306 = arith.constant 0 : i32
      %dma_wait3A_307 = tpu.memref_slice %arg11[%add3A_220, %dma_wait3A_306] : memref<10240x128xf32, #tpu.memory_space<vmem_shared>> -> memref<128x128xf32, #tpu.memory_space<vmem_shared>>
      %dma_wait3A_308 = arith.constant 0 : i32
      %dma_wait3A_309 = tpu.memref_slice %arg11[%add3A_220, %dma_wait3A_308] : memref<10240x128xf32, #tpu.memory_space<vmem_shared>> -> memref<128x128xf32, #tpu.memory_space<vmem_shared>>
      tpu.wait_dma2 semaphore(%run_scoped3A_301 : memref<!tpu.dma_semaphore, #tpu.memory_space<semaphore_mem>>) src(%dma_wait3A_309 : memref<128x128xf32, #tpu.memory_space<vmem_shared>>) dst(%arg10 : memref<128x128xf32, #tpu.memory_space<vmem>>)
      tpu.yield
    }) : () -> ()
    %eq3A_235 = arith.constant 0 : i32
    %eq3A_236 = arith.cmpi eq, %arg0, %eq3A_235 : i32
    %convert_element_type3A_237 = arith.extui %eq3A_236 : i1 to i32
    %cond3A_238 = arith.constant 0 : i32
    %cond3A_239 = arith.cmpi ne, %convert_element_type3A_237, %cond3A_238 : i32
    scf.if %cond3A_239 {
      %dma_start3A_301 = arith.constant 0 : i32
      %dma_start3A_302 = tpu.memref_slice %arg5[%add3A_220, %dma_start3A_301] : memref<10240x128xf32, #tpu.memory_space<hbm>> -> memref<128x128xf32, #tpu.memory_space<hbm>>
      %dma_start3A_303 = arith.constant 0 : i32
      %dma_start3A_304 = tpu.memref_slice %arg5[%add3A_220, %dma_start3A_303] : memref<10240x128xf32, #tpu.memory_space<hbm>> -> memref<128x128xf32, #tpu.memory_space<hbm>>
      tpu.enqueue_dma source(%arg10 : memref<128x128xf32, #tpu.memory_space<vmem>>) target(%dma_start3A_304 : memref<128x128xf32, #tpu.memory_space<hbm>>) target_semaphore(%arg13 : memref<!tpu.dma_semaphore, #tpu.memory_space<semaphore_mem>>)
    } else {
    }
    %eq3A_240 = arith.constant 1 : i32
    %eq3A_241 = arith.cmpi eq, %arg0, %eq3A_240 : i32
    %convert_element_type3A_242 = arith.extui %eq3A_241 : i1 to i32
    %cond3A_243 = arith.constant 0 : i32
    %cond3A_244 = arith.cmpi ne, %convert_element_type3A_242, %cond3A_243 : i32
    scf.if %cond3A_244 {
      %dma_start3A_301 = arith.constant 0 : i32
      %dma_start3A_302 = tpu.memref_slice %arg6[%add3A_220, %dma_start3A_301] : memref<10240x128xf32, #tpu.memory_space<hbm>> -> memref<128x128xf32, #tpu.memory_space<hbm>>
      %dma_start3A_303 = arith.constant 0 : i32
      %dma_start3A_304 = tpu.memref_slice %arg6[%add3A_220, %dma_start3A_303] : memref<10240x128xf32, #tpu.memory_space<hbm>> -> memref<128x128xf32, #tpu.memory_space<hbm>>
      tpu.enqueue_dma source(%arg10 : memref<128x128xf32, #tpu.memory_space<vmem>>) target(%dma_start3A_304 : memref<128x128xf32, #tpu.memory_space<hbm>>) target_semaphore(%arg13 : memref<!tpu.dma_semaphore, #tpu.memory_space<semaphore_mem>>)
    } else {
    }
    %mul3A_245 = arith.constant 640 : i32
    %mul3A_246 = arith.muli %arg1, %mul3A_245 : i32
    %add3A_247 = arith.constant 512 : i32
    %add3A_248 = arith.addi %mul3A_246, %add3A_247 : i32
    %mul3A_249 = arith.constant 640 : i32
    %mul3A_250 = arith.muli %arg1, %mul3A_249 : i32
    %add3A_251 = arith.constant 256 : i32
    %add3A_252 = arith.addi %mul3A_250, %add3A_251 : i32
    %eq3A_253 = arith.constant 0 : i32
    %eq3A_254 = arith.cmpi eq, %arg0, %eq3A_253 : i32
    %convert_element_type3A_255 = arith.extui %eq3A_254 : i1 to i32
    %cond3A_256 = arith.constant 0 : i32
    %cond3A_257 = arith.cmpi ne, %convert_element_type3A_255, %cond3A_256 : i32
    scf.if %cond3A_257 {
      %dma_wait3A_301 = arith.constant 0 : i32
      %dma_wait3A_302 = tpu.memref_slice %arg5[%add3A_252, %dma_wait3A_301] : memref<10240x128xf32, #tpu.memory_space<hbm>> -> memref<128x128xf32, #tpu.memory_space<hbm>>
      %dma_wait3A_303 = arith.constant 0 : i32
      %dma_wait3A_304 = tpu.memref_slice %arg5[%add3A_252, %dma_wait3A_303] : memref<10240x128xf32, #tpu.memory_space<hbm>> -> memref<128x128xf32, #tpu.memory_space<hbm>>
      tpu.wait_dma2 semaphore(%arg12 : memref<!tpu.dma_semaphore, #tpu.memory_space<semaphore_mem>>) src(%arg9 : memref<128x128xf32, #tpu.memory_space<vmem>>) dst(%dma_wait3A_304 : memref<128x128xf32, #tpu.memory_space<hbm>>)
    } else {
    }
    %eq3A_258 = arith.constant 1 : i32
    %eq3A_259 = arith.cmpi eq, %arg0, %eq3A_258 : i32
    %convert_element_type3A_260 = arith.extui %eq3A_259 : i1 to i32
    %cond3A_261 = arith.constant 0 : i32
    %cond3A_262 = arith.cmpi ne, %convert_element_type3A_260, %cond3A_261 : i32
    scf.if %cond3A_262 {
      %dma_wait3A_301 = arith.constant 0 : i32
      %dma_wait3A_302 = tpu.memref_slice %arg6[%add3A_252, %dma_wait3A_301] : memref<10240x128xf32, #tpu.memory_space<hbm>> -> memref<128x128xf32, #tpu.memory_space<hbm>>
      %dma_wait3A_303 = arith.constant 0 : i32
      %dma_wait3A_304 = tpu.memref_slice %arg6[%add3A_252, %dma_wait3A_303] : memref<10240x128xf32, #tpu.memory_space<hbm>> -> memref<128x128xf32, #tpu.memory_space<hbm>>
      tpu.wait_dma2 semaphore(%arg12 : memref<!tpu.dma_semaphore, #tpu.memory_space<semaphore_mem>>) src(%arg9 : memref<128x128xf32, #tpu.memory_space<vmem>>) dst(%dma_wait3A_304 : memref<128x128xf32, #tpu.memory_space<hbm>>)
    } else {
    }
    "tpu.region"() ({
      %run_scoped3A_301 = tpu.sem_alloc : memref<!tpu.dma_semaphore, #tpu.memory_space<semaphore_mem>>
      %dma_start3A_302 = arith.constant 0 : i32
      %dma_start3A_303 = tpu.memref_slice %arg11[%add3A_248, %dma_start3A_302] : memref<10240x128xf32, #tpu.memory_space<vmem_shared>> -> memref<128x128xf32, #tpu.memory_space<vmem_shared>>
      %dma_start3A_304 = arith.constant 0 : i32
      %dma_start3A_305 = tpu.memref_slice %arg11[%add3A_248, %dma_start3A_304] : memref<10240x128xf32, #tpu.memory_space<vmem_shared>> -> memref<128x128xf32, #tpu.memory_space<vmem_shared>>
      tpu.enqueue_dma source(%dma_start3A_305 : memref<128x128xf32, #tpu.memory_space<vmem_shared>>) target(%arg9 : memref<128x128xf32, #tpu.memory_space<vmem>>) target_semaphore(%run_scoped3A_301 : memref<!tpu.dma_semaphore, #tpu.memory_space<semaphore_mem>>)
      %dma_wait3A_306 = arith.constant 0 : i32
      %dma_wait3A_307 = tpu.memref_slice %arg11[%add3A_248, %dma_wait3A_306] : memref<10240x128xf32, #tpu.memory_space<vmem_shared>> -> memref<128x128xf32, #tpu.memory_space<vmem_shared>>
      %dma_wait3A_308 = arith.constant 0 : i32
      %dma_wait3A_309 = tpu.memref_slice %arg11[%add3A_248, %dma_wait3A_308] : memref<10240x128xf32, #tpu.memory_space<vmem_shared>> -> memref<128x128xf32, #tpu.memory_space<vmem_shared>>
      tpu.wait_dma2 semaphore(%run_scoped3A_301 : memref<!tpu.dma_semaphore, #tpu.memory_space<semaphore_mem>>) src(%dma_wait3A_309 : memref<128x128xf32, #tpu.memory_space<vmem_shared>>) dst(%arg9 : memref<128x128xf32, #tpu.memory_space<vmem>>)
      tpu.yield
    }) : () -> ()
    %eq3A_263 = arith.constant 0 : i32
    %eq3A_264 = arith.cmpi eq, %arg0, %eq3A_263 : i32
    %convert_element_type3A_265 = arith.extui %eq3A_264 : i1 to i32
    %cond3A_266 = arith.constant 0 : i32
    %cond3A_267 = arith.cmpi ne, %convert_element_type3A_265, %cond3A_266 : i32
    scf.if %cond3A_267 {
      %dma_start3A_301 = arith.constant 0 : i32
      %dma_start3A_302 = tpu.memref_slice %arg5[%add3A_248, %dma_start3A_301] : memref<10240x128xf32, #tpu.memory_space<hbm>> -> memref<128x128xf32, #tpu.memory_space<hbm>>
      %dma_start3A_303 = arith.constant 0 : i32
      %dma_start3A_304 = tpu.memref_slice %arg5[%add3A_248, %dma_start3A_303] : memref<10240x128xf32, #tpu.memory_space<hbm>> -> memref<128x128xf32, #tpu.memory_space<hbm>>
      tpu.enqueue_dma source(%arg9 : memref<128x128xf32, #tpu.memory_space<vmem>>) target(%dma_start3A_304 : memref<128x128xf32, #tpu.memory_space<hbm>>) target_semaphore(%arg12 : memref<!tpu.dma_semaphore, #tpu.memory_space<semaphore_mem>>)
    } else {
    }
    %eq3A_268 = arith.constant 1 : i32
    %eq3A_269 = arith.cmpi eq, %arg0, %eq3A_268 : i32
    %convert_element_type3A_270 = arith.extui %eq3A_269 : i1 to i32
    %cond3A_271 = arith.constant 0 : i32
    %cond3A_272 = arith.cmpi ne, %convert_element_type3A_270, %cond3A_271 : i32
    scf.if %cond3A_272 {
      %dma_start3A_301 = arith.constant 0 : i32
      %dma_start3A_302 = tpu.memref_slice %arg6[%add3A_248, %dma_start3A_301] : memref<10240x128xf32, #tpu.memory_space<hbm>> -> memref<128x128xf32, #tpu.memory_space<hbm>>
      %dma_start3A_303 = arith.constant 0 : i32
      %dma_start3A_304 = tpu.memref_slice %arg6[%add3A_248, %dma_start3A_303] : memref<10240x128xf32, #tpu.memory_space<hbm>> -> memref<128x128xf32, #tpu.memory_space<hbm>>
      tpu.enqueue_dma source(%arg9 : memref<128x128xf32, #tpu.memory_space<vmem>>) target(%dma_start3A_304 : memref<128x128xf32, #tpu.memory_space<hbm>>) target_semaphore(%arg12 : memref<!tpu.dma_semaphore, #tpu.memory_space<semaphore_mem>>)
    } else {
    }
    %mul3A_273 = arith.constant 640 : i32
    %mul3A_274 = arith.muli %arg1, %mul3A_273 : i32
    %add3A_275 = arith.constant 384 : i32
    %add3A_276 = arith.addi %mul3A_274, %add3A_275 : i32
    %eq3A_277 = arith.constant 0 : i32
    %eq3A_278 = arith.cmpi eq, %arg0, %eq3A_277 : i32
    %convert_element_type3A_279 = arith.extui %eq3A_278 : i1 to i32
    %cond3A_280 = arith.constant 0 : i32
    %cond3A_281 = arith.cmpi ne, %convert_element_type3A_279, %cond3A_280 : i32
    scf.if %cond3A_281 {
      %dma_wait3A_301 = arith.constant 0 : i32
      %dma_wait3A_302 = tpu.memref_slice %arg5[%add3A_276, %dma_wait3A_301] : memref<10240x128xf32, #tpu.memory_space<hbm>> -> memref<128x128xf32, #tpu.memory_space<hbm>>
      %dma_wait3A_303 = arith.constant 0 : i32
      %dma_wait3A_304 = tpu.memref_slice %arg5[%add3A_276, %dma_wait3A_303] : memref<10240x128xf32, #tpu.memory_space<hbm>> -> memref<128x128xf32, #tpu.memory_space<hbm>>
      tpu.wait_dma2 semaphore(%arg13 : memref<!tpu.dma_semaphore, #tpu.memory_space<semaphore_mem>>) src(%arg10 : memref<128x128xf32, #tpu.memory_space<vmem>>) dst(%dma_wait3A_304 : memref<128x128xf32, #tpu.memory_space<hbm>>)
    } else {
    }
    %eq3A_282 = arith.constant 1 : i32
    %eq3A_283 = arith.cmpi eq, %arg0, %eq3A_282 : i32
    %convert_element_type3A_284 = arith.extui %eq3A_283 : i1 to i32
    %cond3A_285 = arith.constant 0 : i32
    %cond3A_286 = arith.cmpi ne, %convert_element_type3A_284, %cond3A_285 : i32
    scf.if %cond3A_286 {
      %dma_wait3A_301 = arith.constant 0 : i32
      %dma_wait3A_302 = tpu.memref_slice %arg6[%add3A_276, %dma_wait3A_301] : memref<10240x128xf32, #tpu.memory_space<hbm>> -> memref<128x128xf32, #tpu.memory_space<hbm>>
      %dma_wait3A_303 = arith.constant 0 : i32
      %dma_wait3A_304 = tpu.memref_slice %arg6[%add3A_276, %dma_wait3A_303] : memref<10240x128xf32, #tpu.memory_space<hbm>> -> memref<128x128xf32, #tpu.memory_space<hbm>>
      tpu.wait_dma2 semaphore(%arg13 : memref<!tpu.dma_semaphore, #tpu.memory_space<semaphore_mem>>) src(%arg10 : memref<128x128xf32, #tpu.memory_space<vmem>>) dst(%dma_wait3A_304 : memref<128x128xf32, #tpu.memory_space<hbm>>)
    } else {
    }
    %mul3A_287 = arith.constant 640 : i32
    %mul3A_288 = arith.muli %arg1, %mul3A_287 : i32
    %add3A_289 = arith.constant 512 : i32
    %add3A_290 = arith.addi %mul3A_288, %add3A_289 : i32
    %eq3A_291 = arith.constant 0 : i32
    %eq3A_292 = arith.cmpi eq, %arg0, %eq3A_291 : i32
    %convert_element_type3A_293 = arith.extui %eq3A_292 : i1 to i32
    %cond3A_294 = arith.constant 0 : i32
    %cond3A_295 = arith.cmpi ne, %convert_element_type3A_293, %cond3A_294 : i32
    scf.if %cond3A_295 {
      %dma_wait3A_301 = arith.constant 0 : i32
      %dma_wait3A_302 = tpu.memref_slice %arg5[%add3A_290, %dma_wait3A_301] : memref<10240x128xf32, #tpu.memory_space<hbm>> -> memref<128x128xf32, #tpu.memory_space<hbm>>
      %dma_wait3A_303 = arith.constant 0 : i32
      %dma_wait3A_304 = tpu.memref_slice %arg5[%add3A_290, %dma_wait3A_303] : memref<10240x128xf32, #tpu.memory_space<hbm>> -> memref<128x128xf32, #tpu.memory_space<hbm>>
      tpu.wait_dma2 semaphore(%arg12 : memref<!tpu.dma_semaphore, #tpu.memory_space<semaphore_mem>>) src(%arg9 : memref<128x128xf32, #tpu.memory_space<vmem>>) dst(%dma_wait3A_304 : memref<128x128xf32, #tpu.memory_space<hbm>>)
    } else {
    }
    %eq3A_296 = arith.constant 1 : i32
    %eq3A_297 = arith.cmpi eq, %arg0, %eq3A_296 : i32
    %convert_element_type3A_298 = arith.extui %eq3A_297 : i1 to i32
    %cond3A_299 = arith.constant 0 : i32
    %cond3A_300 = arith.cmpi ne, %convert_element_type3A_298, %cond3A_299 : i32
    scf.if %cond3A_300 {
      %dma_wait3A_301 = arith.constant 0 : i32
      %dma_wait3A_302 = tpu.memref_slice %arg6[%add3A_290, %dma_wait3A_301] : memref<10240x128xf32, #tpu.memory_space<hbm>> -> memref<128x128xf32, #tpu.memory_space<hbm>>
      %dma_wait3A_303 = arith.constant 0 : i32
      %dma_wait3A_304 = tpu.memref_slice %arg6[%add3A_290, %dma_wait3A_303] : memref<10240x128xf32, #tpu.memory_space<hbm>> -> memref<128x128xf32, #tpu.memory_space<hbm>>
      tpu.wait_dma2 semaphore(%arg12 : memref<!tpu.dma_semaphore, #tpu.memory_space<semaphore_mem>>) src(%arg9 : memref<128x128xf32, #tpu.memory_space<vmem>>) dst(%dma_wait3A_304 : memref<128x128xf32, #tpu.memory_space<hbm>>)
    } else {
    }
    return
  }
}

module attributes {stable_mosaic.version = 14 : i64} {
  func.func @body(%arg0: i32, %arg1: memref<640x128xf32, #tpu.memory_space<vmem>>, %arg2: memref<640x1xf32, #tpu.memory_space<vmem>>, %arg3: memref<640x1xf32, #tpu.memory_space<vmem>>, %arg4: memref<640x128xf32, #tpu.memory_space<vmem>>, %arg5: memref<640x1xf32, #tpu.memory_space<vmem>>, %arg6: memref<640x1xf32, #tpu.memory_space<vmem>>) attributes {dimension_semantics = [#tpu.dimension_semantics<arbitrary>], iteration_bounds = array<i64: 16>, scalar_prefetch = 0 : i64, scratch_operands = 0 : i64, tpu.core_type = #tpu.core_type<tc>, window_params = [{transform_indices = @transform_0, window_bounds = array<i64: 640, 128>}, {transform_indices = @transform_1, window_bounds = array<i64: 640, 1>}, {transform_indices = @transform_2, window_bounds = array<i64: 640, 1>}, {transform_indices = @transform_3, window_bounds = array<i64: 640, 128>}, {transform_indices = @transform_4, window_bounds = array<i64: 640, 1>}, {transform_indices = @transform_5, window_bounds = array<i64: 640, 1>}]} {
    %get3A = arith.constant 0 : index
    %get3A_0 = arith.constant 0 : index
    %get3A_1 = vector.load %arg2[%get3A, %get3A_0] : memref<640x1xf32, #tpu.memory_space<vmem>>, vector<640x1xf32>
    %max3A = arith.constant 1.000000e+00 : f32
    %max3A_2 = vector.broadcast %max3A : f32 to vector<640x1xf32>
    %max3A_3 = arith.maximumf %get3A_1, %max3A_2 : vector<640x1xf32>
    %rsqrt3A = math.rsqrt %max3A_3 : vector<640x1xf32>
    %get3A_4 = arith.constant 0 : index
    %get3A_5 = arith.constant 0 : index
    %get3A_6 = vector.load %arg3[%get3A_4, %get3A_5] : memref<640x1xf32, #tpu.memory_space<vmem>>, vector<640x1xf32>
    %max3A_7 = arith.constant 1.000000e+00 : f32
    %max3A_8 = vector.broadcast %max3A_7 : f32 to vector<640x1xf32>
    %max3A_9 = arith.maximumf %get3A_6, %max3A_8 : vector<640x1xf32>
    %rsqrt3A_10 = math.rsqrt %max3A_9 : vector<640x1xf32>
    %get3A_11 = arith.constant 0 : index
    %get3A_12 = arith.constant 0 : index
    %get3A_13 = vector.load %arg1[%get3A_11, %get3A_12] : memref<640x128xf32, #tpu.memory_space<vmem>>, vector<640x128xf32>
    %mul3A = vector.broadcast %rsqrt3A : vector<640x1xf32> to vector<640x128xf32>
    %mul3A_14 = arith.mulf %get3A_13, %mul3A : vector<640x128xf32>
    %swap3A = arith.constant 0 : index
    %swap3A_15 = arith.constant 0 : index
    %swap3A_16 = vector.load %arg4[%swap3A, %swap3A_15] : memref<640x128xf32, #tpu.memory_space<vmem>>, vector<640x128xf32>
    tpu.vector_store %arg4[%swap3A, %swap3A_15], %mul3A_14 {strides = array<i32>} : memref<640x128xf32, #tpu.memory_space<vmem>>, vector<640x128xf32>,
    %swap3A_17 = arith.constant 0 : index
    %swap3A_18 = arith.constant 0 : index
    %swap3A_19 = vector.load %arg5[%swap3A_17, %swap3A_18] : memref<640x1xf32, #tpu.memory_space<vmem>>, vector<640x1xf32>
    tpu.vector_store %arg5[%swap3A_17, %swap3A_18], %rsqrt3A_10 {strides = array<i32>} : memref<640x1xf32, #tpu.memory_space<vmem>>, vector<640x1xf32>,
    %swap3A_20 = arith.constant 0 : index
    %swap3A_21 = arith.constant 0 : index
    %swap3A_22 = vector.load %arg6[%swap3A_20, %swap3A_21] : memref<640x1xf32, #tpu.memory_space<vmem>>, vector<640x1xf32>
    tpu.vector_store %arg6[%swap3A_20, %swap3A_21], %rsqrt3A {strides = array<i32>} : memref<640x1xf32, #tpu.memory_space<vmem>>, vector<640x1xf32>,
    return
  }
  func.func @transform_0(%arg0: i32) -> (i32, i32) {
    %c0_i32 = arith.constant 0 : i32
    %c0_i32_0 = arith.constant 0 : i32
    return %arg0, %c0_i32 : i32, i32
  }
  func.func @transform_1(%arg0: i32) -> (i32, i32) {
    %c0_i32 = arith.constant 0 : i32
    %c0_i32_0 = arith.constant 0 : i32
    return %arg0, %c0_i32 : i32, i32
  }
  func.func @transform_2(%arg0: i32) -> (i32, i32) {
    %c0_i32 = arith.constant 0 : i32
    %c0_i32_0 = arith.constant 0 : i32
    return %arg0, %c0_i32 : i32, i32
  }
  func.func @transform_3(%arg0: i32) -> (i32, i32) {
    %c0_i32 = arith.constant 0 : i32
    %c0_i32_0 = arith.constant 0 : i32
    return %arg0, %c0_i32 : i32, i32
  }
  func.func @transform_4(%arg0: i32) -> (i32, i32) {
    %c0_i32 = arith.constant 0 : i32
    %c0_i32_0 = arith.constant 0 : i32
    return %arg0, %c0_i32 : i32, i32
  }
  func.func @transform_5(%arg0: i32) -> (i32, i32) {
    %c0_i32 = arith.constant 0 : i32
    %c0_i32_0 = arith.constant 0 : i32
    return %arg0, %c0_i32 : i32, i32
  }
}

module attributes {stable_mosaic.version = 14 : i64} {
  func.func @body(%arg0: i32, %arg1: memref<640x128xf32, #tpu.memory_space<vmem>>, %arg2: memref<640x128xf32, #tpu.memory_space<vmem>>, %arg3: memref<640x1xf32, #tpu.memory_space<vmem>>, %arg4: memref<640x1xf32, #tpu.memory_space<vmem>>, %arg5: memref<256x1024xf32, #tpu.memory_space<vmem>>, %arg6: memref<1x1024xf32, #tpu.memory_space<vmem>>, %arg7: memref<1024x128xf32, #tpu.memory_space<vmem>>, %arg8: memref<640x128xf32, #tpu.memory_space<vmem>>) attributes {dimension_semantics = [#tpu.dimension_semantics<arbitrary>], iteration_bounds = array<i64: 16>, scalar_prefetch = 0 : i64, scratch_operands = 0 : i64, tpu.core_type = #tpu.core_type<tc>, window_params = [{transform_indices = @transform_0, window_bounds = array<i64: 640, 128>}, {transform_indices = @transform_1, window_bounds = array<i64: 640, 128>}, {transform_indices = @transform_2, window_bounds = array<i64: 640, 1>}, {transform_indices = @transform_3, window_bounds = array<i64: 640, 1>}, {pipeline_mode = #tpu.pipeline_mode<synchronous>, transform_indices = @transform_4, window_bounds = array<i64: 256, 1024>}, {pipeline_mode = #tpu.pipeline_mode<synchronous>, transform_indices = @transform_5, window_bounds = array<i64: 1, 1024>}, {pipeline_mode = #tpu.pipeline_mode<synchronous>, transform_indices = @transform_6, window_bounds = array<i64: 1024, 128>}, {transform_indices = @transform_7, window_bounds = array<i64: 640, 128>}]} {
    %get3A = arith.constant 0 : index
    %get3A_0 = arith.constant 0 : index
    %get3A_1 = vector.load %arg1[%get3A, %get3A_0] : memref<640x128xf32, #tpu.memory_space<vmem>>, vector<640x128xf32>
    %get3A_2 = arith.constant 0 : index
    %get3A_3 = arith.constant 0 : index
    %get3A_4 = vector.load %arg2[%get3A_2, %get3A_3] : memref<640x128xf32, #tpu.memory_space<vmem>>, vector<640x128xf32>
    %add3A = arith.addf %get3A_1, %get3A_4 : vector<640x128xf32>
    %get3A_5 = arith.constant 0 : index
    %get3A_6 = arith.constant 0 : index
    %get3A_7 = vector.load %arg3[%get3A_5, %get3A_6] : memref<640x1xf32, #tpu.memory_space<vmem>>, vector<640x1xf32>
    %mul3A = vector.broadcast %get3A_7 : vector<640x1xf32> to vector<640x128xf32>
    %mul3A_8 = arith.mulf %add3A, %mul3A : vector<640x128xf32>
    %gt3A = arith.constant 0.000000e+00 : f32
    %gt3A_9 = vector.broadcast %gt3A : f32 to vector<640x128xf32>
    %gt3A_10 = arith.cmpf ogt, %mul3A_8, %gt3A_9 : vector<640x128xf32>
    %exp3A = math.exp %mul3A_8 : vector<640x128xf32>
    %sub3A = arith.constant 1.000000e+00 : f32
    %sub3A_11 = vector.broadcast %sub3A : f32 to vector<640x128xf32>
    %sub3A_12 = arith.subf %exp3A, %sub3A_11 : vector<640x128xf32>
    %select_n3A = arith.select %gt3A_10, %mul3A_8, %sub3A_12 : vector<640x128xi1>, vector<640x128xf32>
    %get3A_13 = arith.constant 0 : index
    %get3A_14 = arith.constant 0 : index
    %get3A_15 = vector.load %arg5[%get3A_13, %get3A_14] : memref<256x1024xf32, #tpu.memory_space<vmem>>, vector<128x1024xf32>
    %get3A_16 = arith.constant 128 : index
    %get3A_17 = arith.constant 0 : index
    %get3A_18 = vector.load %arg5[%get3A_16, %get3A_17] : memref<256x1024xf32, #tpu.memory_space<vmem>>, vector<128x1024xf32>
    %add3A_19 = arith.addf %get3A_15, %get3A_18 : vector<128x1024xf32>
    %dot_general3A = arith.constant dense<0.000000e+00> : vector<640x1024xf32>
    %dot_general3A_20 = tpu.matmul %select_n3A, %add3A_19, %dot_general3A {dimension_numbers = #tpu.dot_dimension_numbers<[1], [0], [0], [1], [0, 0, 1, 1], [], []>, transpose_lhs_hint = false} : vector<640x128xf32>, vector<128x1024xf32>, vector<640x1024xf32> -> vector<640x1024xf32>
    %get3A_21 = arith.constant 0 : index
    %get3A_22 = arith.constant 0 : index
    %get3A_23 = vector.load %arg6[%get3A_21, %get3A_22] : memref<1x1024xf32, #tpu.memory_space<vmem>>, vector<1x1024xf32>
    %add3A_24 = vector.broadcast %get3A_23 : vector<1x1024xf32> to vector<640x1024xf32>
    %add3A_25 = arith.addf %dot_general3A_20, %add3A_24 : vector<640x1024xf32>
    %get3A_26 = arith.constant 0 : index
    %get3A_27 = arith.constant 0 : index
    %get3A_28 = vector.load %arg7[%get3A_26, %get3A_27] : memref<1024x128xf32, #tpu.memory_space<vmem>>, vector<1024x128xf32>
    %dot_general3A_29 = arith.constant dense<0.000000e+00> : vector<640x128xf32>
    %dot_general3A_30 = tpu.matmul %add3A_25, %get3A_28, %dot_general3A_29 {dimension_numbers = #tpu.dot_dimension_numbers<[1], [0], [0], [1], [0, 0, 1, 1], [], []>, transpose_lhs_hint = false} : vector<640x1024xf32>, vector<1024x128xf32>, vector<640x128xf32> -> vector<640x128xf32>
    %get3A_31 = arith.constant 0 : index
    %get3A_32 = arith.constant 0 : index
    %get3A_33 = vector.load %arg4[%get3A_31, %get3A_32] : memref<640x1xf32, #tpu.memory_space<vmem>>, vector<640x1xf32>
    %mul3A_34 = vector.broadcast %get3A_33 : vector<640x1xf32> to vector<640x128xf32>
    %mul3A_35 = arith.mulf %dot_general3A_30, %mul3A_34 : vector<640x128xf32>
    %swap3A = arith.constant 0 : index
    %swap3A_36 = arith.constant 0 : index
    %swap3A_37 = vector.load %arg8[%swap3A, %swap3A_36] : memref<640x128xf32, #tpu.memory_space<vmem>>, vector<640x128xf32>
    tpu.vector_store %arg8[%swap3A, %swap3A_36], %mul3A_35 {strides = array<i32>} : memref<640x128xf32, #tpu.memory_space<vmem>>, vector<640x128xf32>,
    return
  }
  func.func @transform_0(%arg0: i32) -> (i32, i32) {
    %c0_i32 = arith.constant 0 : i32
    %c0_i32_0 = arith.constant 0 : i32
    return %arg0, %c0_i32 : i32, i32
  }
  func.func @transform_1(%arg0: i32) -> (i32, i32) {
    %c0_i32 = arith.constant 0 : i32
    %c0_i32_0 = arith.constant 0 : i32
    return %arg0, %c0_i32 : i32, i32
  }
  func.func @transform_2(%arg0: i32) -> (i32, i32) {
    %c0_i32 = arith.constant 0 : i32
    %c0_i32_0 = arith.constant 0 : i32
    return %arg0, %c0_i32 : i32, i32
  }
  func.func @transform_3(%arg0: i32) -> (i32, i32) {
    %c0_i32 = arith.constant 0 : i32
    %c0_i32_0 = arith.constant 0 : i32
    return %arg0, %c0_i32 : i32, i32
  }
  func.func @transform_4(%arg0: i32) -> (i32, i32) {
    %c0_i32 = arith.constant 0 : i32
    %c0_i32_0 = arith.constant 0 : i32
    %c0_i32_1 = arith.constant 0 : i32
    return %c0_i32, %c0_i32_0 : i32, i32
  }
  func.func @transform_5(%arg0: i32) -> (i32, i32) {
    %c0_i32 = arith.constant 0 : i32
    %c0_i32_0 = arith.constant 0 : i32
    %c0_i32_1 = arith.constant 0 : i32
    return %c0_i32, %c0_i32_0 : i32, i32
  }
  func.func @transform_6(%arg0: i32) -> (i32, i32) {
    %c0_i32 = arith.constant 0 : i32
    %c0_i32_0 = arith.constant 0 : i32
    %c0_i32_1 = arith.constant 0 : i32
    return %c0_i32, %c0_i32_0 : i32, i32
  }
  func.func @transform_7(%arg0: i32) -> (i32, i32) {
    %c0_i32 = arith.constant 0 : i32
    %c0_i32_0 = arith.constant 0 : i32
    return %arg0, %c0_i32 : i32, i32
  }
}

module attributes {stable_mosaic.version = 14 : i64} {
  func.func @body(%arg0: i32, %arg1: memref<640x128xf32, #tpu.memory_space<vmem>>, %arg2: memref<640x128xf32, #tpu.memory_space<vmem>>, %arg3: memref<640x1xf32, #tpu.memory_space<vmem>>, %arg4: memref<1x128xf32, #tpu.memory_space<vmem>>, %arg5: memref<640x128xf32, #tpu.memory_space<vmem>>) attributes {dimension_semantics = [#tpu.dimension_semantics<arbitrary>], iteration_bounds = array<i64: 16>, scalar_prefetch = 0 : i64, scratch_operands = 0 : i64, tpu.core_type = #tpu.core_type<tc>, window_params = [{transform_indices = @transform_0, window_bounds = array<i64: 640, 128>}, {transform_indices = @transform_1, window_bounds = array<i64: 640, 128>}, {transform_indices = @transform_2, window_bounds = array<i64: 640, 1>}, {pipeline_mode = #tpu.pipeline_mode<synchronous>, transform_indices = @transform_3, window_bounds = array<i64: 1, 128>}, {transform_indices = @transform_4, window_bounds = array<i64: 640, 128>}]} {
    %get3A = arith.constant 0 : index
    %get3A_0 = arith.constant 0 : index
    %get3A_1 = vector.load %arg1[%get3A, %get3A_0] : memref<640x128xf32, #tpu.memory_space<vmem>>, vector<640x128xf32>
    %get3A_2 = arith.constant 0 : index
    %get3A_3 = arith.constant 0 : index
    %get3A_4 = vector.load %arg2[%get3A_2, %get3A_3] : memref<640x128xf32, #tpu.memory_space<vmem>>, vector<640x128xf32>
    %add3A = arith.addf %get3A_1, %get3A_4 : vector<640x128xf32>
    %get3A_5 = arith.constant 0 : index
    %get3A_6 = arith.constant 0 : index
    %get3A_7 = vector.load %arg3[%get3A_5, %get3A_6] : memref<640x1xf32, #tpu.memory_space<vmem>>, vector<640x1xf32>
    %mul3A = vector.broadcast %get3A_7 : vector<640x1xf32> to vector<640x128xf32>
    %mul3A_8 = arith.mulf %add3A, %mul3A : vector<640x128xf32>
    %get3A_9 = arith.constant 0 : index
    %get3A_10 = arith.constant 0 : index
    %get3A_11 = vector.load %arg4[%get3A_9, %get3A_10] : memref<1x128xf32, #tpu.memory_space<vmem>>, vector<1x128xf32>
    %add3A_12 = vector.broadcast %get3A_11 : vector<1x128xf32> to vector<640x128xf32>
    %add3A_13 = arith.addf %mul3A_8, %add3A_12 : vector<640x128xf32>
    %swap3A = arith.constant 0 : index
    %swap3A_14 = arith.constant 0 : index
    %swap3A_15 = vector.load %arg5[%swap3A, %swap3A_14] : memref<640x128xf32, #tpu.memory_space<vmem>>, vector<640x128xf32>
    tpu.vector_store %arg5[%swap3A, %swap3A_14], %add3A_13 {strides = array<i32>} : memref<640x128xf32, #tpu.memory_space<vmem>>, vector<640x128xf32>,
    return
  }
  func.func @transform_0(%arg0: i32) -> (i32, i32) {
    %c0_i32 = arith.constant 0 : i32
    %c0_i32_0 = arith.constant 0 : i32
    return %arg0, %c0_i32 : i32, i32
  }
  func.func @transform_1(%arg0: i32) -> (i32, i32) {
    %c0_i32 = arith.constant 0 : i32
    %c0_i32_0 = arith.constant 0 : i32
    return %arg0, %c0_i32 : i32, i32
  }
  func.func @transform_2(%arg0: i32) -> (i32, i32) {
    %c0_i32 = arith.constant 0 : i32
    %c0_i32_0 = arith.constant 0 : i32
    return %arg0, %c0_i32 : i32, i32
  }
  func.func @transform_3(%arg0: i32) -> (i32, i32) {
    %c0_i32 = arith.constant 0 : i32
    %c0_i32_0 = arith.constant 0 : i32
    %c0_i32_1 = arith.constant 0 : i32
    return %c0_i32, %c0_i32_0 : i32, i32
  }
  func.func @transform_4(%arg0: i32) -> (i32, i32) {
    %c0_i32 = arith.constant 0 : i32
    %c0_i32_0 = arith.constant 0 : i32
    return %arg0, %c0_i32 : i32, i32
  }
}

</mosaic_0001>

<sc_bundles>
// kernel: kernel.11.cloned.1.call-start
scs
__scs_entry_jumppad:
0x0: {  	(pc) =	sbr.rel $0x88, $3  }
0x1: {  	(tag) =	ssettag $0x0;
	lr =	simm.s32 $0x1  }
0x2: {  	[smem:$0x3F9B] =	sst lr;
	_ =	strace $0xD0000000  }
0x3: {  	_ = 	snop  }
0x4: {  	_ = 	snop  }
0x5: {  	_ = 	snop  }
0x6: {  	_ = 	snop  }
0x7: {  	_ = 	snop  }
__scs_overlays_trampoline_lowered:
0x8: {  	[smem:$0x3FAA] =	sst s0  }
0x9: {  	[smem:$0x3FAB] =	sst s1  }
0xa: {  	[smem:$0x3FAC] =	sst s2  }
0xb: {  	[smem:$0x3FAD] =	sst s3  }
0xc: {  	[smem:$0x3FAE] =	sst s4  }
0xd: {  	[smem:$0x3FAF] =	sst s5  }
0xe: {  	[smem:$0x3FB0] =	sst s6  }
0xf: {  	[smem:$0x3FB1] =	sst s7  }
0x10: {  	[smem:$0x3FB2] =	sst s8  }
0x11: {  	[smem:$0x3FB3] =	sst s9;
	s0 =	simm.s32 @!p0 $0x0  }
0x12: {  	s1 =	sld [smem:$0x3F99];
	s0 =	simm.s32 @p0 $0x1  }
0x13: {  	[smem:$0x3FB4] =	sst s0;
	s0 =	simm.s32 @!p1 $0x0  }
0x14: {  	s2 =	sld [smem:$0x3F98];
	s0 =	simm.s32 @p1 $0x1  }
0x15: {  	[smem:$0x3FB5] =	sst s0;
	s0 =	simm.s32 @!p2 $0x0  }
0x16: {  	s3 =	sld [smem:$0x3FDB];
	s0 =	simm.s32 @p2 $0x1  }
0x17: {  	s4 =	simm.s32 $0x1BF5;
	[smem:$0x3FB7] =	sst s0  }
0x18: {  	s0 =	sld [smem:$0x3F9A];
	_ =	swait.ge [sflag:s4], $0x0  }
0x19: {  	s7 =	sld [smem:$0x3F9B]  }
0x1a: {  	s8 =	sadd.s32 $0xFFFFE003, lr  }
0x1b: {  	s9 =	sadd.s32 $0xFFFFFEF7, lr;
	s5 =	simm.s32 $0xFFFFFFFF;
	p2 =	slt.u32 s8, $0xFFFFF086  }
0x1c: {  	p1 =	slt.u32 s9, $0xF7A;
	s5 =	simm.s32 @!p2 $0x0  }
0x1d: {  	s5 =	simm.s32 @p1 $0x1;
	p0 =	seq.s32 s7, s2  }
0x1e: {  	s7 =	smul.u32 @!p0 $0xF7A, s2;
	p2 =	seq.s32 @!p0 s5, $0x0  }
0x1f: {  	s9 =	smul.u32 $0xF7A, s1;
	s8 =	simm.s32 @!p0 $0x1BF5;
	p2 =	por !p2, p0  }
0x20: {  	[sflag:s8] =	ssyncset.s32 @!p0 $0xFFFFF086;
	s6 =	sadd.s32 @!p0 s3, s7;
	s7 =	simm.s32 @!p0 $0x108  }
0x21: {  	s3 =	sadd.s32 s3, s9;
	s6 =	sadd.s32 @!p0 $0x88, s6;
	s7 =	simm.s32 @p2 $0x1082  }
0x22: {  	[simem:s7], [sflag:s8] =	dma.local @!p0 [hbm:s6], $0xF7A  }
0x23: {  	s9 =	sor.u32 $0xD0000000, s2;
	s6 =	simm.s32 $0x108;
	_ =	swait.ge @!p0 [sflag:s8], $0x0  }
0x24: {  	s3 =	sadd.s32 $0x88, s3;
	s6 =	simm.s32 @!p1 $0x1082;
	[sflag:s4] =	ssyncset.s32 $0xFFFFF086  }
0x25: {  	[simem:s6], [sflag:s4] =	dma.local [hbm:s3], $0xF7A  }
0x26: {  	[smem:$0x3F9B] =	sst s1;
	(tag) =	ssettag s2;
	_ =	strace s9  }
0x27: {  	s1 =	sld [smem:$0x3FAB]  }
0x28: {  	s2 =	sld [smem:$0x3FAC]  }
0x29: {  	s4 =	sld [smem:$0x3FAE]  }
0x2a: {  	p0 =	seq.s32 s5, $0x0;
	s5 =	sld [smem:$0x3FAF]  }
0x2b: {  	s6 =	sld [smem:$0x3FB0]  }
0x2c: {  	s7 =	sld [smem:$0x3FB1]  }
0x2d: {  	s3 =	simm.s32 $0x108;
	s8 =	sld [smem:$0x3FB2]  }
0x2e: {  	s3 =	simm.s32 @!p0 $0x1082;
	s9 =	sld [smem:$0x3FB3]  }
0x2f: {  	lr =	sadd.s32 s0, s3;
	s0 =	sld [smem:$0x3FAA]  }
0x30: {  	s3 =	sld [smem:$0x3FAD]  }
0x31: {  	[smem:$0x3FB6] =	sst s10  }
0x32: {  	s10 =	sld [smem:$0x3FB4];
	_ =	sdelay $0x3  }
0x33: {  	p0 =	seq.s32 s10, $0x1;
	s10 =	sld [smem:$0x3FB6];
	_ =	sdelay $0x3  }
0x34: {  	[smem:$0x3FB6] =	sst s10  }
0x35: {  	s10 =	sld [smem:$0x3FB5];
	_ =	sdelay $0x3  }
0x36: {  	p1 =	seq.s32 s10, $0x1;
	s10 =	sld [smem:$0x3FB6];
	_ =	sdelay $0x3  }
0x37: {  	[smem:$0x3FB6] =	sst s10  }
0x38: {  	s10 =	sld [smem:$0x3FB7]  }
0x39: {  	_ = 	snop;
	(pc) =	sbr.ind lr, $3  }
0x3a: {  	_ = 	snop  }
0x3b: {  	_ = 	snop  }
0x3c: {  	p2 =	seq.s32 s10, $0x1;
	s10 =	sld [smem:$0x3FB6]  }
0x3d: {  	_ =	shalt  }
0x3e: {  	_ =	shalt  }
0x3f: {  	_ =	shalt  }
0x40: {  	_ =	shalt  }
0x41: {  	_ =	shalt  }
0x42: {  	_ =	shalt  }
0x43: {  	_ =	shalt  }
0x44: {  	_ =	shalt  }
0x45: {  	_ =	shalt  }
0x46: {  	_ =	shalt  }
0x47: {  	_ =	shalt  }
0x48: {  	_ =	shalt  }
0x49: {  	_ =	shalt  }
0x4a: {  	_ =	shalt  }
0x4b: {  	_ =	shalt  }
0x4c: {  	_ =	shalt  }
0x4d: {  	_ =	shalt  }
0x4e: {  	_ =	shalt  }
0x4f: {  	_ =	shalt  }
0x50: {  	_ =	shalt  }
0x51: {  	_ =	shalt  }
0x52: {  	_ =	shalt  }
0x53: {  	_ =	shalt  }
0x54: {  	_ =	shalt  }
0x55: {  	_ =	shalt  }
0x56: {  	_ =	shalt  }
0x57: {  	_ =	shalt  }
0x58: {  	_ =	shalt  }
0x59: {  	_ =	shalt  }
0x5a: {  	_ =	shalt  }
0x5b: {  	_ =	shalt  }
0x5c: {  	_ =	shalt  }
0x5d: {  	_ =	shalt  }
0x5e: {  	_ =	shalt  }
0x5f: {  	_ =	shalt  }
0x60: {  	_ =	shalt  }
0x61: {  	_ =	shalt  }
0x62: {  	_ =	shalt  }
0x63: {  	_ =	shalt  }
0x64: {  	_ =	shalt  }
0x65: {  	_ =	shalt  }
0x66: {  	_ =	shalt  }
0x67: {  	_ =	shalt  }
0x68: {  	_ =	shalt  }
0x69: {  	_ =	shalt  }
0x6a: {  	_ =	shalt  }
0x6b: {  	_ =	shalt  }
0x6c: {  	_ =	shalt  }
0x6d: {  	_ =	shalt  }
0x6e: {  	_ =	shalt  }
0x6f: {  	_ =	shalt  }
0x70: {  	_ =	shalt  }
0x71: {  	_ =	shalt  }
0x72: {  	_ =	shalt  }
0x73: {  	_ =	shalt  }
0x74: {  	_ =	shalt  }
0x75: {  	_ =	shalt  }
0x76: {  	_ =	shalt  }
0x77: {  	_ =	shalt  }
0x78: {  	_ =	shalt  }
0x79: {  	_ =	shalt  }
0x7a: {  	_ =	shalt  }
0x7b: {  	_ =	shalt  }
0x7c: {  	_ =	shalt  }
0x7d: {  	_ =	shalt  }
0x7e: {  	_ =	shalt  }
0x7f: {  	_ =	shalt  }
0x80: {  	_ =	shalt  }
0x81: {  	_ =	shalt  }
0x82: {  	_ =	shalt  }
0x83: {  	_ =	shalt  }
0x84: {  	_ =	shalt  }
0x85: {  	_ =	shalt  }
0x86: {  	_ =	shalt  }
0x87: {  	_ =	shalt  }
.Lfunc_end0:
.L_simem_size_0:
called_computation.1_lowered:
.L_overlay_start_0:
0x88: {  	s2 =	sld [smem:$0x3FD9]  }
0x89: {  	s3 =	sld [smem:$0x3FFE];
	_ =	sdelay $0x1  }
0x8a: {  	s1 =	srdreg.scid  }
0x8b: {  	s0 =	sand.u32 $0x1, s1  }
0x8c: {  	s17 =	sshll.u32 s0, $0xA;
	s2 =	sadd.s32 s3, s2  }
0x8d: {  	s2 =	sadd.s32 s2, s17  }
0x8e: {  	[smem:$0x3FC2] =	sst s2  }
0x8f: {  	_ = 	snop  }
0x90: {  	s2 =	sld [smem:$0x3FD0];
	(tm) =	ssettm $0x1  }
0x91: {  	s18 =	sld [smem:$0x3FFB];
	_ =	sdelay $0x3  }
0x92: {  	_ =	strace s18  }
0x93: {  	s3 =	sld [smem:$0x3FFC];
	_ =	sdelay $0x3  }
0x94: {  	_ =	strace s3  }
0x95: {  	s3 =	sld [smem:$0x3FFD];
	_ =	sdelay $0x3  }
0x96: {  	_ =	strace s3  }
0x97: {  	_ =	strace $0x8FFFFFFF  }
0x98: {  	s19 =	sld [smem:$0x3FDB];
	_ =	sdelay $0x1  }
0x99: {  	s4 =	simm.s32 $_scs_section_size  }
0x9a: {  	s5 =	simm.s32 $_size__tile_overlayer_lowered;
	s6 =	simm.s32 $_tile_overlayer_lowered  }
0x9b: {  	s22 =	simm.s32 $0x1BFF;
	s21 =	sshll.u32 s6, $0x1;
	s3 =	sadd.s32 s4, s19  }
0x9c: {  	s7 =	simm.s32 $0x0;
	s20 =	sshll.u32 s5, $0x1;
	s5 =	sadd.s32 s21, s3  }
0x9d: {  	[timem:s7], [sflag:s22] =	dma.local [hbm:s5], s20  }
0x9e: {  	_ =	swait.ge [sflag:s22], s20  }
0x9f: {  	s4 =	ssub.s32 $0x0, s20;
	[sflag:s22] =	ssyncset.done $0x0  }
0xa0: {  	[sflag:s22] =	ssyncadd.s32 s4;
	_ =	sdelay $0x1  }
0xa1: {  	s23 =	simm.s32 $0x1B8B  }
0xa2: {  	_ =	swait.ge [sflag:s23], $0x1  }
0xa3: {  	[sflag:s23] =	ssyncset.done $0x0  }
0xa4: {  	s25 =	simm.s32 $0x1B8E;
	s24 =	sld [smem:$0x3FFE];
	[sflag:s23] =	ssyncadd.s32 $0xFFFFFFFF  }
0xa5: {  	s26 =	simm.s32 $execute0_lowered;
	[smem:$0x3FD2] =	sst s25  }
0xa6: {  	s5 =	sshll.u32 s26, $0x1;
	_ =	strace $0x80000049;
	[dreg:$0x1] =	wrdreg $0xFFFFFFFF  }
0xa7: {  	s28 =	simm.s32 $_size_execute0_lowered;
	s3 =	sadd.s32 s3, s5;
	[dreg:$0x0] =	wrdreg $0x0  }
0xa8: {  	s5 =	sshll.u32 s28, $0x1;
	[dreg:$0x2] =	wrdreg s3  }
0xa9: {  	[dreg:$0x3] =	wrdreg s5  }
0xaa: {  	[dreg:$0x4] =	wrdreg $0xC0  }
0xab: {  	_ =	task [dreg:s7], $0x5FFFF  }
0xac: {  	[dreg:$0x1] =	wrdreg $0xFFFFFFFF  }
0xad: {  	[dreg:$0x0] =	wrdreg $0x60  }
0xae: {  	[dreg:$0x2] =	wrdreg s24  }
0xaf: {  	[dreg:$0x3] =	wrdreg s2  }
0xb0: {  	[dreg:$0x4] =	wrdreg $0xA8000  }
0xb1: {  	[dreg:$0x5] =	wrdreg $0x9  }
0xb2: {  	_ =	task.clear_ibuf [dreg:s7], $0x6FFFF;
	_ =	strace $0x90000049  }
0xb3: {  	s29 =	simm.s32 $0x9;
	_ =	strace $0x8000004B  }
0xb4: {  	_ =	swait.ge [sflag:s29], $0x1  }
0xb5: {  	[sflag:s29] =	ssyncadd.s32 $0xFFFFFFFF  }
0xb6: {  	_ =	strace $0x9000004B  }
0xb7: {  	_ =	sfence  }
0xb8: {  	s30 =	sld [smem:$0x0];
	_ =	sdelay $0x2  }
0xb9: {  	s31 =	sshll.u32 s1, $0xD;
	s1 =	sshrl.u32 s1, $0x2  }
0xba: {  	s3 =	sand.u32 $0x4000, s31;
	s1 =	sadd.s32 s1, s30  }
0xbb: {  	s0 =	sor.u32 s3, s0;
	s1 =	sshll.u32 s1, $0x11  }
0xbc: {  	s0 =	sor.u32 s1, s0  }
0xbd: {  	s0 =	sadd.s32 $0x8F2B, s0  }
0xbe: {  	[sflag:s0] =	ssyncadd.remote.s32 $0x1  }
0xbf: {  	_ =	sfence.sel $0xFFFF  }
0xc0: {  	[dreg:$0x0] =	wrdreg $0xFFFFFFFF;
	(pc) =	sbr.abs _section_cstart, $3  }
0xc1: {  	[dreg:$0x1] =	wrdreg $0xFFFFFFFF  }
0xc2: {  	_ =	task.clear_ibuf [dreg:s7], $0x2FFFF;
	_ =	strace $0x9FFFFFFF  }
0xc3: {  	(tm) =	ssettm $0x7FFFFFFF  }
tec
execute0_lowered:
.L_overlay_start_1:
0x0: {  	(tag) =	ssettag $0x1  }
0x1: {  	s0 =	rddreg [dreg:$0x0]  }
0x2: {  	s1 =	rddreg [dreg:$0x1]  }
0x3: {  	s2 =	rddreg [dreg:$0x2]  }
0x4: {  	s3 =	simm.s32 $0x0;
	s4 =	srdreg.scid;
	s21 =	stileid.u32  }
0x5: {  	s28 =	simm.s32 $0x1380;
	s29 =	simm.s32 $0x2700;
	s30 =	simm.s32 $0x2780  }
0x6: {  	s31 =	simm.s32 $0x0;
	[smem:$0x7FF] =	sst s3;
	s8 =	smul.u32 $0x280, s21  }
0x7: {  	s14 =	sand.u32 $0x1, s4;
	s6 =	smul.u32 $0x50000, s21;
	s12 =	sadd.s32 $0x3600, s0  }
0x8: {  	s4 =	sadd.s32 $0xD600, s0;
	_ =	strace $0x8000004A;
	s5 =	ssub.s32 $0x2, s14  }
0x9: {  	s25 =	sshll.u32 s14, $0x4;
	p0 =	seq.s32 s14, $0x0;
	s7 =	sshrl.u32 s5, $0x1  }
0xa: {  	s23 =	sshrl.u32 s6, $0x2;
	s16 =	sadd.s32 $0x80, s8;
	s17 =	sadd.s32 $0x100, s8  }
0xb: {  	s9 =	sor.u32 s21, s25;
	s18 =	sadd.s32 $0x180, s8;
	s19 =	sadd.s32 $0x200, s8  }
0xc: {  	s25 =	smul.u32 $0x2800, s21;
	s21 =	simm.s32 $0x1;
	s15 =	ssub.s32 s5, s7  }
0xd: {  	s5 =	sadd.s32 s23, s2;
	s24 =	sshll.u32 s16, $0x7;
	s26 =	sshll.u32 s17, $0x7  }
0xe: {  	s10 =	smul.u32 $0x2800, s9;
	s11 =	sshll.u32 s18, $0x7;
	s13 =	sshll.u32 s19, $0x7  }
0xf: {  	s20 =	smul.u32 $0x500, s9;
	s16 =	sshll.u32 s16, $0x4;
	s17 =	sshll.u32 s17, $0x4  }
0x10: {  	s18 =	sshll.u32 s18, $0x4;
	s6 =	sadd.s32 s24, s2;
	s7 =	sadd.s32 s26, s2  }
0x11: {  	s8 =	sadd.s32 s11, s2;
	s9 =	sadd.s32 s13, s2;
	s26 =	sshll.u32 s19, $0x4  }
0x12: {  	s14 =	smax.u32 s15, $0x1;
	s10 =	sshrl.u32 s10, $0x3;
	s22 =	sadd.s32 s12, s20  }
0x13: {  	s23 =	sadd.s32 s1, s20;
	s20 =	simm.s32 $0x2800;
	s11 =	sadd.s32 $0x280, s10  }
0x14: {  	[dreg:$0x4] =	wrdreg s22;
	s13 =	sadd.s32 s1, s11;
	s1 =	simm.s32 $0x5D600  }
0x15: {  	[dreg:$0x5] =	wrdreg s23;
	s22 =	simm.s32 $0x3;
	s1 =	simm.s32 @!p0 $0x85600  }
0x16: {  	s23 =	simm.s32 $0x1400;
	s24 =	sadd.s32 s12, s11;
	s0 =	sadd.s32 s1, s0  }
0x17: {  	[dreg:$0x6] =	wrdreg s24;
	s24 =	simm.s32 $0x80;
	s15 =	sadd.s32 s0, s25  }
0x18: {  	s16 =	sadd.s32 s0, s16;
	s17 =	sadd.s32 s0, s17;
	s18 =	sadd.s32 s0, s18  }
0x19: {  	v0 =	vimm.f32 $0.0e+00;
	s19 =	sadd.s32 s0, s26;
	s25 =	simm.s32 $0x6800;
	s26 =	simm.s32 $0x2  }
.LBB2_1:
0x1a: {  	s0 =	simm.s32 $0x0;
	s1 =	simm.s32 $0x200  }
.LBB2_2:
0x1b: {  	p0 =	sne.s32 s1, $0xFE00;
	[tilespmem:s0+$0x2870] =	vst v0  }
0x1c: {  	[tilespmem:s0+$0x2800] =	vst v0  }
0x1d: {  	[tilespmem:s0+$0x2810] =	vst v0  }
.Ltmp0:
0x1e: {  	[tilespmem:s0+$0x2820] =	vst v0;
	(pc) =	sbr.rel @p0 .LBB2_2-.Ltmp0, $4  }
0x1f: {  	[tilespmem:s0+$0x2830] =	vst v0  }
0x20: {  	[tilespmem:s0+$0x2840] =	vst v0  }
0x21: {  	[tilespmem:s0+$0x2850] =	vst v0  }
0x22: {  	[tilespmem:s0+$0x2860] =	vst v0;
	s0 =	sshra.s32 s1, $0x2;
	s1 =	sadd.s32 $0x200, s1  }
0x23: {  	[tilespmem:s0+$0x2870] =	vst v0  }
0x24: {  	[tilespmem:s0+$0x2800] =	vst v0  }
0x25: {  	[tilespmem:s0+$0x2810] =	vst v0  }
0x26: {  	[tilespmem:s0+$0x2820] =	vst v0  }
0x27: {  	[tilespmem:s0+$0x2830] =	vst v0  }
0x28: {  	[tilespmem:s0+$0x2840] =	vst v0  }
0x29: {  	[tilespmem:s0+$0x2850] =	vst v0  }
0x2a: {  	[tilespmem:s0+$0x2860] =	vst v0  }
0x2b: {  	[spmem:s5] =	stream.linear.scatter [tilespmem:s20], [sflag:$0x1], $0x4000, $0x38;
	[tilespmem:$0x1E800] =	vst v63  }
0x2c: {  	_ = 	snop  }
0x2d: {  	[spmem:s6] =	stream.linear.scatter [tilespmem:s20], [sflag:$0x1], $0x4000, $0x38;
	[tilespmem:$0x1E800] =	vst v63  }
0x2e: {  	_ = 	snop  }
0x2f: {  	[spmem:s7] =	stream.linear.scatter [tilespmem:s20], [sflag:$0x1], $0x4000, $0x38;
	[tilespmem:$0x1E800] =	vst v63  }
0x30: {  	_ = 	snop  }
0x31: {  	[spmem:s8] =	stream.linear.scatter [tilespmem:s20], [sflag:$0x1], $0x4000, $0x38;
	[tilespmem:$0x1E800] =	vst v63  }
0x32: {  	_ = 	snop  }
0x33: {  	[spmem:s9] =	stream.linear.scatter [tilespmem:s20], [sflag:$0x1], $0x4000, $0x38;
	[tilespmem:$0x1E800] =	vst v63  }
0x34: {  	_ =	swait.ge [sflag:s21], $0x4000  }
0x35: {  	[sflag:s21] =	ssyncset.done $0x0  }
0x36: {  	[sflag:s21] =	ssyncadd.s32 $0xFFFFC000  }
0x37: {  	_ =	swait.ge [sflag:s21], $0x4000  }
0x38: {  	[sflag:s21] =	ssyncset.done $0x0  }
0x39: {  	[sflag:s21] =	ssyncadd.s32 $0xFFFFC000  }
0x3a: {  	_ =	swait.ge [sflag:s21], $0x4000  }
0x3b: {  	[sflag:s21] =	ssyncset.done $0x0  }
0x3c: {  	[sflag:s21] =	ssyncadd.s32 $0xFFFFC000  }
0x3d: {  	_ =	swait.ge [sflag:s21], $0x4000  }
0x3e: {  	[sflag:s21] =	ssyncset.done $0x0  }
0x3f: {  	[sflag:s21] =	ssyncadd.s32 $0xFFFFC000  }
0x40: {  	_ =	swait.ge [sflag:s21], $0x4000  }
0x41: {  	[sflag:s21] =	ssyncset.done $0x0  }
0x42: {  	[sflag:s21] =	ssyncadd.s32 $0xFFFFC000  }
0x43: {  	[bflag:$0x0] =	sbarrier.arrive $0xFFFF  }
0x44: {  	s11 =	simm.s32 $0x0;
	s1 =	rddreg [dreg:$0x4]  }
0x45: {  	[tilespmem:s11], [sflag:$0x3] =	stream.linear.gather [hbm4b:s1+s11], $0x1400, $0x38;
	[tilespmem:$0x1E800] =	vst v63  }
0x46: {  	_ =	swait.ge [sflag:s22], $0x1400  }
0x47: {  	[sflag:s22] =	ssyncset.done $0x0  }
0x48: {  	s12 =	rddreg [dreg:$0x5];
	[sflag:s22] =	ssyncadd.s32 $0xFFFFEC00  }
0x49: {  	[tilespmem:s23], [sflag:$0x3] =	stream.linear.gather [hbm4b:s12+s11], $0x1400, $0x38;
	[tilespmem:$0x1E800] =	vst v63  }
0x4a: {  	_ =	swait.ge [sflag:s22], $0x1400  }
0x4b: {  	[sflag:s22] =	ssyncset.done $0x0  }
0x4c: {  	[sflag:s22] =	ssyncadd.s32 $0xFFFFEC00  }
0x4d: {  	[tilespmem:s20], [sflag:$0x1] =	stream.indirect.gather [hbm4b:s4+s24], $0x80, s11, s24, $0xb8;
	[tilespmem:$0x1E800] =	vst v63  }
0x4e: {  	s1 =	simm.s32 $0x80  }
0x4f: {  	[tilespmem:s25], [sflag:$0x2] =	stream.indirect.gather [hbm4b:s4+s24], $0x80, s1, s24, $0xb8;
	[tilespmem:$0x1E800] =	vst v63  }
0x50: {  	_ =	swait.ge [sflag:s21], $0x4000  }
0x51: {  	[sflag:s21] =	ssyncset.done $0x0  }
0x52: {  	s10 =	simm.s32 $0x1400;
	[sflag:s21] =	ssyncadd.s32 $0xFFFFC000  }
0x53: {  	[spmem:s2] =	stream.indirect.scatter.add.f32 [tilespmem:s20], [sflag:$0x3], $0x80, s10, s24, $0xb8;
	[tilespmem:$0x1E800] =	vst v63  }
0x54: {  	_ =	swait.ge [sflag:s22], $0x4000  }
0x55: {  	[sflag:s22] =	ssyncset.done $0x0  }
0x56: {  	s11 =	simm.s32 $0x100;
	[sflag:s22] =	ssyncadd.s32 $0xFFFFC000  }
0x57: {  	[tilespmem:s20], [sflag:$0x1] =	stream.indirect.gather [hbm4b:s4+s24], $0x80, s11, s24, $0xb8;
	[tilespmem:$0x1E800] =	vst v63  }
0x58: {  	_ =	swait.ge [sflag:s26], $0x4000  }
0x59: {  	[sflag:s26] =	ssyncset.done $0x0  }
0x5a: {  	s12 =	simm.s32 $0x1480;
	[sflag:s26] =	ssyncadd.s32 $0xFFFFC000  }
0x5b: {  	[spmem:s2] =	stream.indirect.scatter.add.f32 [tilespmem:s25], [sflag:$0x3], $0x80, s12, s24, $0xb8;
	[tilespmem:$0x1E800] =	vst v63  }
0x5c: {  	_ =	swait.ge [sflag:s22], $0x4000  }
0x5d: {  	s0 =	simm.s32 $0x100;
	s1 =	simm.s32 $0x800;
	[sflag:s22] =	ssyncset.done $0x0  }
.LBB2_4:
0x5e: {  	s10 =	sadd.s32 $0x80, s0  }
0x5f: {  	[sflag:s22] =	ssyncadd.s32 $0xFFFFC000;
	s11 =	smov.u32 s1;
	s12 =	sadd.s32 $0x400, s1  }
0x60: {  	[tilespmem:s25], [sflag:$0x2] =	stream.indirect.gather [hbm4b:s4+s24], $0x80, s10, s24, $0xb8;
	[tilespmem:$0x1E800] =	vst v63  }
0x61: {  	p0 =	sne.s32 s1, $0x4800;
	_ =	swait.ge [sflag:s21], $0x4000  }
0x62: {  	[sflag:s21] =	ssyncset.done $0x0  }
0x63: {  	s1 =	sadd.s32 $0x1400, s0;
	[sflag:s21] =	ssyncadd.s32 $0xFFFFC000  }
0x64: {  	[spmem:s2] =	stream.indirect.scatter.add.f32 [tilespmem:s20], [sflag:$0x3], $0x80, s1, s24, $0xb8;
	[tilespmem:$0x1E800] =	vst v63  }
0x65: {  	_ =	swait.ge [sflag:s22], $0x4000  }
0x66: {  	[sflag:s22] =	ssyncset.done $0x0  }
0x67: {  	s1 =	sadd.s32 $0x100, s0;
	[sflag:s22] =	ssyncadd.s32 $0xFFFFC000  }
0x68: {  	[tilespmem:s20], [sflag:$0x1] =	stream.indirect.gather [hbm4b:s4+s24], $0x80, s1, s24, $0xb8;
	[tilespmem:$0x1E800] =	vst v63  }
0x69: {  	_ =	swait.ge [sflag:s26], $0x4000  }
.Ltmp1:
0x6a: {  	[sflag:s26] =	ssyncset.done $0x0;
	(pc) =	sbr.rel @p0 .LBB2_4-.Ltmp1, $4  }
0x6b: {  	s0 =	sadd.s32 $0x1480, s0;
	[sflag:s26] =	ssyncadd.s32 $0xFFFFC000  }
0x6c: {  	[spmem:s2] =	stream.indirect.scatter.add.f32 [tilespmem:s25], [sflag:$0x3], $0x80, s0, s24, $0xb8;
	[tilespmem:$0x1E800] =	vst v63  }
0x6d: {  	_ =	swait.ge [sflag:s22], $0x4000  }
0x6e: {  	s1 =	smov.u32 s12;
	s0 =	sshra.s32 s11, $0x2;
	[sflag:s22] =	ssyncset.done $0x0  }
0x6f: {  	s1 =	sadd.s32 $0x80, s0;
	[sflag:s22] =	ssyncadd.s32 $0xFFFFC000  }
0x70: {  	[tilespmem:s25], [sflag:$0x2] =	stream.indirect.gather [hbm4b:s4+s24], $0x80, s1, s24, $0xb8;
	[tilespmem:$0x1E800] =	vst v63  }
0x71: {  	_ =	swait.ge [sflag:s21], $0x4000  }
0x72: {  	[sflag:s21] =	ssyncset.done $0x0  }
0x73: {  	s11 =	sadd.s32 $0x1400, s0;
	[sflag:s21] =	ssyncadd.s32 $0xFFFFC000  }
0x74: {  	[spmem:s2] =	stream.indirect.scatter.add.f32 [tilespmem:s20], [sflag:$0x3], $0x80, s11, s24, $0xb8;
	[tilespmem:$0x1E800] =	vst v63  }
0x75: {  	_ =	swait.ge [sflag:s22], $0x4000  }
0x76: {  	[sflag:s22] =	ssyncset.done $0x0  }
0x77: {  	s12 =	sadd.s32 $0x100, s0;
	[sflag:s22] =	ssyncadd.s32 $0xFFFFC000  }
0x78: {  	[tilespmem:s20], [sflag:$0x1] =	stream.indirect.gather [hbm4b:s4+s24], $0x80, s12, s24, $0xb8;
	[tilespmem:$0x1E800] =	vst v63  }
0x79: {  	_ =	swait.ge [sflag:s26], $0x4000  }
0x7a: {  	[sflag:s26] =	ssyncset.done $0x0  }
0x7b: {  	s10 =	sadd.s32 $0x1480, s0;
	[sflag:s26] =	ssyncadd.s32 $0xFFFFC000  }
0x7c: {  	[spmem:s2] =	stream.indirect.scatter.add.f32 [tilespmem:s25], [sflag:$0x3], $0x80, s10, s24, $0xb8;
	[tilespmem:$0x1E800] =	vst v63  }
0x7d: {  	_ =	swait.ge [sflag:s22], $0x4000  }
0x7e: {  	[sflag:s22] =	ssyncset.done $0x0  }
0x7f: {  	[sflag:s22] =	ssyncadd.s32 $0xFFFFC000  }
0x80: {  	[tilespmem:s25], [sflag:$0x2] =	stream.indirect.gather [hbm4b:s4+s24], $0x80, s28, s24, $0xb8;
	[tilespmem:$0x1E800] =	vst v63  }
0x81: {  	_ =	swait.ge [sflag:s21], $0x4000  }
0x82: {  	[sflag:s21] =	ssyncset.done $0x0  }
0x83: {  	[sflag:s21] =	ssyncadd.s32 $0xFFFFC000  }
0x84: {  	[spmem:s2] =	stream.indirect.scatter.add.f32 [tilespmem:s20], [sflag:$0x3], $0x80, s29, s24, $0xb8;
	[tilespmem:$0x1E800] =	vst v63  }
0x85: {  	_ =	swait.ge [sflag:s22], $0x4000  }
0x86: {  	[sflag:s22] =	ssyncset.done $0x0  }
0x87: {  	[sflag:s22] =	ssyncadd.s32 $0xFFFFC000  }
0x88: {  	_ =	swait.ge [sflag:s26], $0x4000  }
0x89: {  	[sflag:s26] =	ssyncset.done $0x0  }
0x8a: {  	[sflag:s26] =	ssyncadd.s32 $0xFFFFC000  }
0x8b: {  	[spmem:s2] =	stream.indirect.scatter.add.f32 [tilespmem:s25], [sflag:$0x3], $0x80, s30, s24, $0xb8;
	[tilespmem:$0x1E800] =	vst v63  }
0x8c: {  	_ =	swait.ge [sflag:s22], $0x4000  }
0x8d: {  	[sflag:s22] =	ssyncset.done $0x0  }
0x8e: {  	s11 =	simm.s32 $0x0;
	s12 =	rddreg [dreg:$0x6];
	[sflag:s22] =	ssyncadd.s32 $0xFFFFC000  }
0x8f: {  	[tilespmem:s11], [sflag:$0x3] =	stream.linear.gather [hbm4b:s12+s11], $0x1400, $0x38;
	[tilespmem:$0x1E800] =	vst v63  }
0x90: {  	_ =	swait.ge [sflag:s22], $0x1400  }
0x91: {  	[sflag:s22] =	ssyncset.done $0x0  }
0x92: {  	[sflag:s22] =	ssyncadd.s32 $0xFFFFEC00  }
0x93: {  	[tilespmem:s23], [sflag:$0x3] =	stream.linear.gather [hbm4b:s13+s11], $0x1400, $0x38;
	[tilespmem:$0x1E800] =	vst v63  }
0x94: {  	_ =	swait.ge [sflag:s22], $0x1400  }
0x95: {  	[sflag:s22] =	ssyncset.done $0x0  }
0x96: {  	[sflag:s22] =	ssyncadd.s32 $0xFFFFEC00  }
0x97: {  	[tilespmem:s20], [sflag:$0x1] =	stream.indirect.gather [hbm4b:s4+s24], $0x80, s11, s24, $0xb8;
	[tilespmem:$0x1E800] =	vst v63  }
0x98: {  	s1 =	simm.s32 $0x80  }
0x99: {  	[tilespmem:s25], [sflag:$0x2] =	stream.indirect.gather [hbm4b:s4+s24], $0x80, s1, s24, $0xb8;
	[tilespmem:$0x1E800] =	vst v63  }
0x9a: {  	_ =	swait.ge [sflag:s21], $0x4000  }
0x9b: {  	[sflag:s21] =	ssyncset.done $0x0  }
0x9c: {  	s10 =	simm.s32 $0x1400;
	[sflag:s21] =	ssyncadd.s32 $0xFFFFC000  }
0x9d: {  	[spmem:s2] =	stream.indirect.scatter.add.f32 [tilespmem:s20], [sflag:$0x3], $0x80, s10, s24, $0xb8;
	[tilespmem:$0x1E800] =	vst v63  }
0x9e: {  	_ =	swait.ge [sflag:s22], $0x4000  }
0x9f: {  	[sflag:s22] =	ssyncset.done $0x0  }
0xa0: {  	s11 =	simm.s32 $0x100;
	[sflag:s22] =	ssyncadd.s32 $0xFFFFC000  }
0xa1: {  	[tilespmem:s20], [sflag:$0x1] =	stream.indirect.gather [hbm4b:s4+s24], $0x80, s11, s24, $0xb8;
	[tilespmem:$0x1E800] =	vst v63  }
0xa2: {  	_ =	swait.ge [sflag:s26], $0x4000  }
0xa3: {  	[sflag:s26] =	ssyncset.done $0x0  }
0xa4: {  	s12 =	simm.s32 $0x1480;
	[sflag:s26] =	ssyncadd.s32 $0xFFFFC000  }
0xa5: {  	[spmem:s2] =	stream.indirect.scatter.add.f32 [tilespmem:s25], [sflag:$0x3], $0x80, s12, s24, $0xb8;
	[tilespmem:$0x1E800] =	vst v63  }
0xa6: {  	_ =	swait.ge [sflag:s22], $0x4000  }
0xa7: {  	s0 =	simm.s32 $0x100;
	s1 =	simm.s32 $0x800;
	[sflag:s22] =	ssyncset.done $0x0  }
.LBB2_6:
0xa8: {  	s10 =	sadd.s32 $0x80, s0  }
0xa9: {  	[sflag:s22] =	ssyncadd.s32 $0xFFFFC000;
	s11 =	smov.u32 s1;
	s12 =	sadd.s32 $0x400, s1  }
0xaa: {  	[tilespmem:s25], [sflag:$0x2] =	stream.indirect.gather [hbm4b:s4+s24], $0x80, s10, s24, $0xb8;
	[tilespmem:$0x1E800] =	vst v63  }
0xab: {  	p0 =	sne.s32 s1, $0x4800;
	_ =	swait.ge [sflag:s21], $0x4000  }
0xac: {  	[sflag:s21] =	ssyncset.done $0x0  }
0xad: {  	s1 =	sadd.s32 $0x1400, s0;
	[sflag:s21] =	ssyncadd.s32 $0xFFFFC000  }
0xae: {  	[spmem:s2] =	stream.indirect.scatter.add.f32 [tilespmem:s20], [sflag:$0x3], $0x80, s1, s24, $0xb8;
	[tilespmem:$0x1E800] =	vst v63  }
0xaf: {  	_ =	swait.ge [sflag:s22], $0x4000  }
0xb0: {  	[sflag:s22] =	ssyncset.done $0x0  }
0xb1: {  	s1 =	sadd.s32 $0x100, s0;
	[sflag:s22] =	ssyncadd.s32 $0xFFFFC000  }
0xb2: {  	[tilespmem:s20], [sflag:$0x1] =	stream.indirect.gather [hbm4b:s4+s24], $0x80, s1, s24, $0xb8;
	[tilespmem:$0x1E800] =	vst v63  }
0xb3: {  	_ =	swait.ge [sflag:s26], $0x4000  }
.Ltmp2:
0xb4: {  	[sflag:s26] =	ssyncset.done $0x0;
	(pc) =	sbr.rel @p0 .LBB2_6-.Ltmp2, $4  }
0xb5: {  	s0 =	sadd.s32 $0x1480, s0;
	[sflag:s26] =	ssyncadd.s32 $0xFFFFC000  }
0xb6: {  	[spmem:s2] =	stream.indirect.scatter.add.f32 [tilespmem:s25], [sflag:$0x3], $0x80, s0, s24, $0xb8;
	[tilespmem:$0x1E800] =	vst v63  }
0xb7: {  	_ =	swait.ge [sflag:s22], $0x4000  }
0xb8: {  	s1 =	smov.u32 s12;
	s0 =	sshra.s32 s11, $0x2;
	[sflag:s22] =	ssyncset.done $0x0  }
0xb9: {  	s1 =	sadd.s32 $0x80, s0;
	[sflag:s22] =	ssyncadd.s32 $0xFFFFC000  }
0xba: {  	[tilespmem:s25], [sflag:$0x2] =	stream.indirect.gather [hbm4b:s4+s24], $0x80, s1, s24, $0xb8;
	[tilespmem:$0x1E800] =	vst v63  }
0xbb: {  	_ =	swait.ge [sflag:s21], $0x4000  }
0xbc: {  	[sflag:s21] =	ssyncset.done $0x0  }
0xbd: {  	s10 =	sadd.s32 $0x1400, s0;
	[sflag:s21] =	ssyncadd.s32 $0xFFFFC000  }
0xbe: {  	[spmem:s2] =	stream.indirect.scatter.add.f32 [tilespmem:s20], [sflag:$0x3], $0x80, s10, s24, $0xb8;
	[tilespmem:$0x1E800] =	vst v63  }
0xbf: {  	_ =	swait.ge [sflag:s22], $0x4000  }
0xc0: {  	[sflag:s22] =	ssyncset.done $0x0  }
0xc1: {  	s11 =	sadd.s32 $0x100, s0;
	[sflag:s22] =	ssyncadd.s32 $0xFFFFC000  }
0xc2: {  	[tilespmem:s20], [sflag:$0x1] =	stream.indirect.gather [hbm4b:s4+s24], $0x80, s11, s24, $0xb8;
	[tilespmem:$0x1E800] =	vst v63  }
0xc3: {  	_ =	swait.ge [sflag:s26], $0x4000  }
0xc4: {  	[sflag:s26] =	ssyncset.done $0x0  }
0xc5: {  	s12 =	sadd.s32 $0x1480, s0;
	[sflag:s26] =	ssyncadd.s32 $0xFFFFC000  }
0xc6: {  	[spmem:s2] =	stream.indirect.scatter.add.f32 [tilespmem:s25], [sflag:$0x3], $0x80, s12, s24, $0xb8;
	[tilespmem:$0x1E800] =	vst v63  }
0xc7: {  	_ =	swait.ge [sflag:s22], $0x4000  }
0xc8: {  	[sflag:s22] =	ssyncset.done $0x0  }
0xc9: {  	[sflag:s22] =	ssyncadd.s32 $0xFFFFC000  }
0xca: {  	[tilespmem:s25], [sflag:$0x2] =	stream.indirect.gather [hbm4b:s4+s24], $0x80, s28, s24, $0xb8;
	[tilespmem:$0x1E800] =	vst v63  }
0xcb: {  	_ =	swait.ge [sflag:s21], $0x4000  }
0xcc: {  	[sflag:s21] =	ssyncset.done $0x0  }
0xcd: {  	[sflag:s21] =	ssyncadd.s32 $0xFFFFC000  }
0xce: {  	[spmem:s2] =	stream.indirect.scatter.add.f32 [tilespmem:s20], [sflag:$0x3], $0x80, s29, s24, $0xb8;
	[tilespmem:$0x1E800] =	vst v63  }
0xcf: {  	_ =	swait.ge [sflag:s22], $0x4000  }
0xd0: {  	[sflag:s22] =	ssyncset.done $0x0  }
0xd1: {  	[sflag:s22] =	ssyncadd.s32 $0xFFFFC000  }
0xd2: {  	_ =	swait.ge [sflag:s26], $0x4000  }
0xd3: {  	[sflag:s26] =	ssyncset.done $0x0  }
0xd4: {  	[sflag:s26] =	ssyncadd.s32 $0xFFFFC000  }
0xd5: {  	[spmem:s2] =	stream.indirect.scatter.add.f32 [tilespmem:s25], [sflag:$0x3], $0x80, s30, s24, $0xb8;
	[tilespmem:$0x1E800] =	vst v63  }
0xd6: {  	_ =	swait.ge [sflag:s22], $0x4000  }
0xd7: {  	[sflag:s22] =	ssyncset.done $0x0  }
0xd8: {  	[sflag:s22] =	ssyncadd.s32 $0xFFFFC000  }
0xd9: {  	[bflag:$0x0] =	sbarrier.arrive $0xFFFF  }
0xda: {  	[tilespmem:s20], [sflag:$0x3] =	stream.linear.gather [spmem:s5], $0x4000, $0x38;
	[tilespmem:$0x1E800] =	vst v63  }
0xdb: {  	_ =	swait.ge [sflag:s22], $0x4000  }
0xdc: {  	[sflag:s22] =	ssyncset.done $0x0  }
0xdd: {  	[sflag:s22] =	ssyncadd.s32 $0xFFFFC000  }
0xde: {  	[hbm4b:s15+s3] =	stream.linear.scatter [tilespmem:s20], [sflag:$0x1], $0x4000, $0x38;
	[tilespmem:$0x1E800] =	vst v63  }
0xdf: {  	_ = 	snop  }
0xe0: {  	[tilespmem:s25], [sflag:$0x3] =	stream.linear.gather [spmem:s6], $0x4000, $0x38;
	[tilespmem:$0x1E800] =	vst v63  }
0xe1: {  	_ =	swait.ge [sflag:s22], $0x4000  }
0xe2: {  	[sflag:s22] =	ssyncset.done $0x0  }
0xe3: {  	[sflag:s22] =	ssyncadd.s32 $0xFFFFC000  }
0xe4: {  	[hbm4b:s16+s3] =	stream.linear.scatter [tilespmem:s25], [sflag:$0x2], $0x4000, $0x38;
	[tilespmem:$0x1E800] =	vst v63  }
0xe5: {  	_ =	swait.ge [sflag:s21], $0x4000  }
0xe6: {  	[sflag:s21] =	ssyncset.done $0x0  }
0xe7: {  	[sflag:s21] =	ssyncadd.s32 $0xFFFFC000  }
0xe8: {  	[tilespmem:s20], [sflag:$0x3] =	stream.linear.gather [spmem:s7], $0x4000, $0x38;
	[tilespmem:$0x1E800] =	vst v63  }
0xe9: {  	_ =	swait.ge [sflag:s22], $0x4000  }
0xea: {  	[sflag:s22] =	ssyncset.done $0x0  }
0xeb: {  	[sflag:s22] =	ssyncadd.s32 $0xFFFFC000  }
0xec: {  	[hbm4b:s17+s3] =	stream.linear.scatter [tilespmem:s20], [sflag:$0x1], $0x4000, $0x38;
	[tilespmem:$0x1E800] =	vst v63  }
0xed: {  	_ =	swait.ge [sflag:s26], $0x4000  }
0xee: {  	[sflag:s26] =	ssyncset.done $0x0  }
0xef: {  	[sflag:s26] =	ssyncadd.s32 $0xFFFFC000  }
0xf0: {  	[tilespmem:s25], [sflag:$0x3] =	stream.linear.gather [spmem:s8], $0x4000, $0x38;
	[tilespmem:$0x1E800] =	vst v63  }
0xf1: {  	_ =	swait.ge [sflag:s22], $0x4000  }
0xf2: {  	[sflag:s22] =	ssyncset.done $0x0  }
0xf3: {  	[sflag:s22] =	ssyncadd.s32 $0xFFFFC000  }
0xf4: {  	[hbm4b:s18+s3] =	stream.linear.scatter [tilespmem:s25], [sflag:$0x2], $0x4000, $0x38;
	[tilespmem:$0x1E800] =	vst v63  }
0xf5: {  	_ =	swait.ge [sflag:s21], $0x4000  }
0xf6: {  	[sflag:s21] =	ssyncset.done $0x0  }
0xf7: {  	[sflag:s21] =	ssyncadd.s32 $0xFFFFC000  }
0xf8: {  	[tilespmem:s20], [sflag:$0x3] =	stream.linear.gather [spmem:s9], $0x4000, $0x38;
	[tilespmem:$0x1E800] =	vst v63  }
0xf9: {  	_ =	swait.ge [sflag:s22], $0x4000  }
0xfa: {  	[sflag:s22] =	ssyncset.done $0x0  }
0xfb: {  	s31 =	sadd.s32 $0x1, s31;
	[sflag:s22] =	ssyncadd.s32 $0xFFFFC000  }
0xfc: {  	[hbm4b:s19+s3] =	stream.linear.scatter [tilespmem:s20], [sflag:$0x1], $0x4000, $0x38;
	[tilespmem:$0x1E800] =	vst v63  }
0xfd: {  	p0 =	sne.s32 s31, s14;
	_ =	swait.ge [sflag:s26], $0x4000  }
.Ltmp3:
0xfe: {  	[sflag:s26] =	ssyncset.done $0x0;
	(pc) =	sbr.rel @p0 .LBB2_1-.Ltmp3, $4  }
0xff: {  	[sflag:s26] =	ssyncadd.s32 $0xFFFFC000  }
0x100: {  	_ =	swait.ge [sflag:s21], $0x4000  }
0x101: {  	[sflag:s21] =	ssyncset.done $0x0  }
0x102: {  	[sflag:s21] =	ssyncadd.s32 $0xFFFFC000  }
0x103: {  	_ =	sfence.sel $0x180000  }
0x104: {  	[bflag:$0x0] =	sbarrier.arrive $0xFFFF  }
0x105: {  	_ =	strace $0x9000004A  }
0x106: {  	s0 =	stileid.u32;
	[bflag:$0x2] =	sbarrier.arrive $0xFFFF  }
0x107: {  	p0 =	sne.s32 s0, $0x0;
	s0 =	rddreg [dreg:$0x3]  }
0x108: {  	s0 =	sadd.s32 @!p0 $0x100000, s0  }
0x109: {  	[sflag:s0] =	ssyncadd.tile.s32 @!p0 $0x1;
	_ =	shalt  }
.Lfunc_end2:
_tile_overlayer_lowered:
.L_overlay_start_2:
0x10a: {  	(tag) =	ssettag $0x2  }
0x10b: {  	s0 =	rddreg [dreg:$0x0];
	s2 =	stileid.u32  }
0x10c: {  	s1 =	rddreg [dreg:$0x1];
	p0 =	sne.s32 s2, $0x0  }
0x10d: {  	s3 =	rddreg [dreg:$0x2];
	[bflag:$0x3] =	sbarrier.arrive $0xFFFF;
	s2 =	simm.s32 @!p0 $0x1C03  }
0x10e: {  	[timem:s3], [sflag:s2] =	dma.local @!p0 [hbm:s0], s1  }
0x10f: {  	s0 =	simm.s32 @!p0 $0x3  }
0x110: {  	_ =	swait.ge @!p0 [sflag:s0], s1  }
0x111: {  	s1 =	ssub.s32 @!p0 $0x0, s1;
	[sflag:s0] =	ssyncset.done @!p0 $0x0  }
0x112: {  	[sflag:s0] =	ssyncadd.s32 @!p0 s1  }
0x113: {  	[bflag:$0x3] =	sbarrier.arrive $0xFFFF  }
0x114: {  	_ =	shalt  }

// kernel: kernel.14.cloned.1.call-start
scs
__scs_entry_jumppad:
0x0: {  	(pc) =	sbr.rel $0x88, $3  }
0x1: {  	(tag) =	ssettag $0x0;
	lr =	simm.s32 $0x1  }
0x2: {  	[smem:$0x3F9B] =	sst lr;
	_ =	strace $0xD0000000  }
0x3: {  	_ = 	snop  }
0x4: {  	_ = 	snop  }
0x5: {  	_ = 	snop  }
0x6: {  	_ = 	snop  }
0x7: {  	_ = 	snop  }
__scs_overlays_trampoline_lowered:
0x8: {  	[smem:$0x3FAA] =	sst s0  }
0x9: {  	[smem:$0x3FAB] =	sst s1  }
0xa: {  	[smem:$0x3FAC] =	sst s2  }
0xb: {  	[smem:$0x3FAD] =	sst s3  }
0xc: {  	[smem:$0x3FAE] =	sst s4  }
0xd: {  	[smem:$0x3FAF] =	sst s5  }
0xe: {  	[smem:$0x3FB0] =	sst s6  }
0xf: {  	[smem:$0x3FB1] =	sst s7  }
0x10: {  	[smem:$0x3FB2] =	sst s8  }
0x11: {  	[smem:$0x3FB3] =	sst s9;
	s0 =	simm.s32 @!p0 $0x0  }
0x12: {  	s1 =	sld [smem:$0x3F99];
	s0 =	simm.s32 @p0 $0x1  }
0x13: {  	[smem:$0x3FB4] =	sst s0;
	s0 =	simm.s32 @!p1 $0x0  }
0x14: {  	s2 =	sld [smem:$0x3F98];
	s0 =	simm.s32 @p1 $0x1  }
0x15: {  	[smem:$0x3FB5] =	sst s0;
	s0 =	simm.s32 @!p2 $0x0  }
0x16: {  	s3 =	sld [smem:$0x3FDB];
	s0 =	simm.s32 @p2 $0x1  }
0x17: {  	s4 =	simm.s32 $0x1BF5;
	[smem:$0x3FB7] =	sst s0  }
0x18: {  	s0 =	sld [smem:$0x3F9A];
	_ =	swait.ge [sflag:s4], $0x0  }
0x19: {  	s7 =	sld [smem:$0x3F9B]  }
0x1a: {  	s8 =	sadd.s32 $0xFFFFE003, lr  }
0x1b: {  	s9 =	sadd.s32 $0xFFFFFEF7, lr;
	s5 =	simm.s32 $0xFFFFFFFF;
	p2 =	slt.u32 s8, $0xFFFFF086  }
0x1c: {  	p1 =	slt.u32 s9, $0xF7A;
	s5 =	simm.s32 @!p2 $0x0  }
0x1d: {  	s5 =	simm.s32 @p1 $0x1;
	p0 =	seq.s32 s7, s2  }
0x1e: {  	s7 =	smul.u32 @!p0 $0xF7A, s2;
	p2 =	seq.s32 @!p0 s5, $0x0  }
0x1f: {  	s9 =	smul.u32 $0xF7A, s1;
	s8 =	simm.s32 @!p0 $0x1BF5;
	p2 =	por !p2, p0  }
0x20: {  	[sflag:s8] =	ssyncset.s32 @!p0 $0xFFFFF086;
	s6 =	sadd.s32 @!p0 s3, s7;
	s7 =	simm.s32 @!p0 $0x108  }
0x21: {  	s3 =	sadd.s32 s3, s9;
	s6 =	sadd.s32 @!p0 $0x88, s6;
	s7 =	simm.s32 @p2 $0x1082  }
0x22: {  	[simem:s7], [sflag:s8] =	dma.local @!p0 [hbm:s6], $0xF7A  }
0x23: {  	s9 =	sor.u32 $0xD0000000, s2;
	s6 =	simm.s32 $0x108;
	_ =	swait.ge @!p0 [sflag:s8], $0x0  }
0x24: {  	s3 =	sadd.s32 $0x88, s3;
	s6 =	simm.s32 @!p1 $0x1082;
	[sflag:s4] =	ssyncset.s32 $0xFFFFF086  }
0x25: {  	[simem:s6], [sflag:s4] =	dma.local [hbm:s3], $0xF7A  }
0x26: {  	[smem:$0x3F9B] =	sst s1;
	(tag) =	ssettag s2;
	_ =	strace s9  }
0x27: {  	s1 =	sld [smem:$0x3FAB]  }
0x28: {  	s2 =	sld [smem:$0x3FAC]  }
0x29: {  	s4 =	sld [smem:$0x3FAE]  }
0x2a: {  	p0 =	seq.s32 s5, $0x0;
	s5 =	sld [smem:$0x3FAF]  }
0x2b: {  	s6 =	sld [smem:$0x3FB0]  }
0x2c: {  	s7 =	sld [smem:$0x3FB1]  }
0x2d: {  	s3 =	simm.s32 $0x108;
	s8 =	sld [smem:$0x3FB2]  }
0x2e: {  	s3 =	simm.s32 @!p0 $0x1082;
	s9 =	sld [smem:$0x3FB3]  }
0x2f: {  	lr =	sadd.s32 s0, s3;
	s0 =	sld [smem:$0x3FAA]  }
0x30: {  	s3 =	sld [smem:$0x3FAD]  }
0x31: {  	[smem:$0x3FB6] =	sst s10  }
0x32: {  	s10 =	sld [smem:$0x3FB4];
	_ =	sdelay $0x3  }
0x33: {  	p0 =	seq.s32 s10, $0x1;
	s10 =	sld [smem:$0x3FB6];
	_ =	sdelay $0x3  }
0x34: {  	[smem:$0x3FB6] =	sst s10  }
0x35: {  	s10 =	sld [smem:$0x3FB5];
	_ =	sdelay $0x3  }
0x36: {  	p1 =	seq.s32 s10, $0x1;
	s10 =	sld [smem:$0x3FB6];
	_ =	sdelay $0x3  }
0x37: {  	[smem:$0x3FB6] =	sst s10  }
0x38: {  	s10 =	sld [smem:$0x3FB7]  }
0x39: {  	_ = 	snop;
	(pc) =	sbr.ind lr, $3  }
0x3a: {  	_ = 	snop  }
0x3b: {  	_ = 	snop  }
0x3c: {  	p2 =	seq.s32 s10, $0x1;
	s10 =	sld [smem:$0x3FB6]  }
0x3d: {  	_ =	shalt  }
0x3e: {  	_ =	shalt  }
0x3f: {  	_ =	shalt  }
0x40: {  	_ =	shalt  }
0x41: {  	_ =	shalt  }
0x42: {  	_ =	shalt  }
0x43: {  	_ =	shalt  }
0x44: {  	_ =	shalt  }
0x45: {  	_ =	shalt  }
0x46: {  	_ =	shalt  }
0x47: {  	_ =	shalt  }
0x48: {  	_ =	shalt  }
0x49: {  	_ =	shalt  }
0x4a: {  	_ =	shalt  }
0x4b: {  	_ =	shalt  }
0x4c: {  	_ =	shalt  }
0x4d: {  	_ =	shalt  }
0x4e: {  	_ =	shalt  }
0x4f: {  	_ =	shalt  }
0x50: {  	_ =	shalt  }
0x51: {  	_ =	shalt  }
0x52: {  	_ =	shalt  }
0x53: {  	_ =	shalt  }
0x54: {  	_ =	shalt  }
0x55: {  	_ =	shalt  }
0x56: {  	_ =	shalt  }
0x57: {  	_ =	shalt  }
0x58: {  	_ =	shalt  }
0x59: {  	_ =	shalt  }
0x5a: {  	_ =	shalt  }
0x5b: {  	_ =	shalt  }
0x5c: {  	_ =	shalt  }
0x5d: {  	_ =	shalt  }
0x5e: {  	_ =	shalt  }
0x5f: {  	_ =	shalt  }
0x60: {  	_ =	shalt  }
0x61: {  	_ =	shalt  }
0x62: {  	_ =	shalt  }
0x63: {  	_ =	shalt  }
0x64: {  	_ =	shalt  }
0x65: {  	_ =	shalt  }
0x66: {  	_ =	shalt  }
0x67: {  	_ =	shalt  }
0x68: {  	_ =	shalt  }
0x69: {  	_ =	shalt  }
0x6a: {  	_ =	shalt  }
0x6b: {  	_ =	shalt  }
0x6c: {  	_ =	shalt  }
0x6d: {  	_ =	shalt  }
0x6e: {  	_ =	shalt  }
0x6f: {  	_ =	shalt  }
0x70: {  	_ =	shalt  }
0x71: {  	_ =	shalt  }
0x72: {  	_ =	shalt  }
0x73: {  	_ =	shalt  }
0x74: {  	_ =	shalt  }
0x75: {  	_ =	shalt  }
0x76: {  	_ =	shalt  }
0x77: {  	_ =	shalt  }
0x78: {  	_ =	shalt  }
0x79: {  	_ =	shalt  }
0x7a: {  	_ =	shalt  }
0x7b: {  	_ =	shalt  }
0x7c: {  	_ =	shalt  }
0x7d: {  	_ =	shalt  }
0x7e: {  	_ =	shalt  }
0x7f: {  	_ =	shalt  }
0x80: {  	_ =	shalt  }
0x81: {  	_ =	shalt  }
0x82: {  	_ =	shalt  }
0x83: {  	_ =	shalt  }
0x84: {  	_ =	shalt  }
0x85: {  	_ =	shalt  }
0x86: {  	_ =	shalt  }
0x87: {  	_ =	shalt  }
.Lfunc_end0:
.L_simem_size_0:
called_computation.2_lowered:
.L_overlay_start_0:
0x88: {  	s2 =	sld [smem:$0x3FD9]  }
0x89: {  	s3 =	sld [smem:$0x3FFE];
	_ =	sdelay $0x1  }
0x8a: {  	s1 =	srdreg.scid  }
0x8b: {  	s0 =	sand.u32 $0x1, s1  }
0x8c: {  	s17 =	sshll.u32 s0, $0xA;
	s2 =	sadd.s32 s3, s2  }
0x8d: {  	s2 =	sadd.s32 s2, s17  }
0x8e: {  	[smem:$0x3FC2] =	sst s2  }
0x8f: {  	_ = 	snop  }
0x90: {  	s2 =	sld [smem:$0x3FD0];
	(tm) =	ssettm $0x1  }
0x91: {  	s18 =	sld [smem:$0x3FFB];
	_ =	sdelay $0x3  }
0x92: {  	_ =	strace s18  }
0x93: {  	s3 =	sld [smem:$0x3FFC];
	_ =	sdelay $0x3  }
0x94: {  	_ =	strace s3  }
0x95: {  	s3 =	sld [smem:$0x3FFD];
	_ =	sdelay $0x3  }
0x96: {  	_ =	strace s3  }
0x97: {  	_ =	strace $0x8FFFFFFF  }
0x98: {  	s19 =	sld [smem:$0x3FDB];
	_ =	sdelay $0x1  }
0x99: {  	s4 =	simm.s32 $_scs_section_size  }
0x9a: {  	s5 =	simm.s32 $_size__tile_overlayer_lowered;
	s6 =	simm.s32 $_tile_overlayer_lowered  }
0x9b: {  	s22 =	simm.s32 $0x1BFF;
	s21 =	sshll.u32 s6, $0x1;
	s3 =	sadd.s32 s4, s19  }
0x9c: {  	s7 =	simm.s32 $0x0;
	s20 =	sshll.u32 s5, $0x1;
	s5 =	sadd.s32 s21, s3  }
0x9d: {  	[timem:s7], [sflag:s22] =	dma.local [hbm:s5], s20  }
0x9e: {  	_ =	swait.ge [sflag:s22], s20  }
0x9f: {  	s4 =	ssub.s32 $0x0, s20;
	[sflag:s22] =	ssyncset.done $0x0  }
0xa0: {  	[sflag:s22] =	ssyncadd.s32 s4;
	_ =	sdelay $0x1  }
0xa1: {  	s23 =	simm.s32 $0x1B8B  }
0xa2: {  	_ =	swait.ge [sflag:s23], $0x1  }
0xa3: {  	[sflag:s23] =	ssyncset.done $0x0  }
0xa4: {  	s25 =	simm.s32 $0x1B8E;
	s24 =	sld [smem:$0x3FFE];
	[sflag:s23] =	ssyncadd.s32 $0xFFFFFFFF  }
0xa5: {  	s26 =	simm.s32 $execute0_lowered;
	[smem:$0x3FD2] =	sst s25  }
0xa6: {  	s5 =	sshll.u32 s26, $0x1;
	_ =	strace $0x8000004C;
	[dreg:$0x1] =	wrdreg $0xFFFFFFFF  }
0xa7: {  	s28 =	simm.s32 $_size_execute0_lowered;
	s3 =	sadd.s32 s3, s5;
	[dreg:$0x0] =	wrdreg $0x0  }
0xa8: {  	s5 =	sshll.u32 s28, $0x1;
	[dreg:$0x2] =	wrdreg s3  }
0xa9: {  	[dreg:$0x3] =	wrdreg s5  }
0xaa: {  	[dreg:$0x4] =	wrdreg $0xC0  }
0xab: {  	_ =	task [dreg:s7], $0x5FFFF  }
0xac: {  	[dreg:$0x1] =	wrdreg $0xFFFFFFFF  }
0xad: {  	[dreg:$0x0] =	wrdreg $0x60  }
0xae: {  	[dreg:$0x2] =	wrdreg s24  }
0xaf: {  	[dreg:$0x3] =	wrdreg s2  }
0xb0: {  	[dreg:$0x4] =	wrdreg $0xA8000  }
0xb1: {  	[dreg:$0x5] =	wrdreg $0x9  }
0xb2: {  	_ =	task.clear_ibuf [dreg:s7], $0x6FFFF;
	_ =	strace $0x9000004C  }
0xb3: {  	s29 =	simm.s32 $0x9;
	_ =	strace $0x8000004E  }
0xb4: {  	_ =	swait.ge [sflag:s29], $0x1  }
0xb5: {  	[sflag:s29] =	ssyncadd.s32 $0xFFFFFFFF  }
0xb6: {  	_ =	strace $0x9000004E  }
0xb7: {  	_ =	sfence  }
0xb8: {  	s30 =	sld [smem:$0x0];
	_ =	sdelay $0x2  }
0xb9: {  	s31 =	sshll.u32 s1, $0xD;
	s1 =	sshrl.u32 s1, $0x2  }
0xba: {  	s3 =	sand.u32 $0x4000, s31;
	s1 =	sadd.s32 s1, s30  }
0xbb: {  	s0 =	sor.u32 s3, s0;
	s1 =	sshll.u32 s1, $0x11  }
0xbc: {  	s0 =	sor.u32 s1, s0  }
0xbd: {  	s0 =	sadd.s32 $0x8F2B, s0  }
0xbe: {  	[sflag:s0] =	ssyncadd.remote.s32 $0x1  }
0xbf: {  	_ =	sfence.sel $0xFFFF  }
0xc0: {  	[dreg:$0x0] =	wrdreg $0xFFFFFFFF;
	(pc) =	sbr.abs _section_cstart, $3  }
0xc1: {  	[dreg:$0x1] =	wrdreg $0xFFFFFFFF  }
0xc2: {  	_ =	task.clear_ibuf [dreg:s7], $0x2FFFF;
	_ =	strace $0x9FFFFFFF  }
0xc3: {  	(tm) =	ssettm $0x7FFFFFFF  }
tec
execute0_lowered:
.L_overlay_start_1:
0x0: {  	(tag) =	ssettag $0x1  }
0x1: {  	s0 =	rddreg [dreg:$0x0]  }
0x2: {  	s1 =	rddreg [dreg:$0x1]  }
0x3: {  	s2 =	rddreg [dreg:$0x2]  }
0x4: {  	s3 =	simm.s32 $0x0;
	s4 =	srdreg.scid;
	s21 =	stileid.u32  }
0x5: {  	s28 =	simm.s32 $0x1380;
	s29 =	simm.s32 $0x2700;
	s30 =	simm.s32 $0x2780  }
0x6: {  	s31 =	simm.s32 $0x0;
	[smem:$0x7FF] =	sst s3;
	s8 =	smul.u32 $0x280, s21  }
0x7: {  	s14 =	sand.u32 $0x1, s4;
	s6 =	smul.u32 $0x50000, s21;
	s12 =	sadd.s32 $0x3600, s0  }
0x8: {  	s4 =	sadd.s32 $0xD600, s0;
	_ =	strace $0x8000004D;
	s5 =	ssub.s32 $0x2, s14  }
0x9: {  	s25 =	sshll.u32 s14, $0x4;
	p0 =	seq.s32 s14, $0x0;
	s7 =	sshrl.u32 s5, $0x1  }
0xa: {  	s23 =	sshrl.u32 s6, $0x2;
	s16 =	sadd.s32 $0x80, s8;
	s17 =	sadd.s32 $0x100, s8  }
0xb: {  	s9 =	sor.u32 s21, s25;
	s18 =	sadd.s32 $0x180, s8;
	s19 =	sadd.s32 $0x200, s8  }
0xc: {  	s25 =	smul.u32 $0x2800, s21;
	s21 =	simm.s32 $0x1;
	s15 =	ssub.s32 s5, s7  }
0xd: {  	s5 =	sadd.s32 s23, s2;
	s24 =	sshll.u32 s16, $0x7;
	s26 =	sshll.u32 s17, $0x7  }
0xe: {  	s10 =	smul.u32 $0x2800, s9;
	s11 =	sshll.u32 s18, $0x7;
	s13 =	sshll.u32 s19, $0x7  }
0xf: {  	s20 =	smul.u32 $0x500, s9;
	s16 =	sshll.u32 s16, $0x4;
	s17 =	sshll.u32 s17, $0x4  }
0x10: {  	s18 =	sshll.u32 s18, $0x4;
	s6 =	sadd.s32 s24, s2;
	s7 =	sadd.s32 s26, s2  }
0x11: {  	s8 =	sadd.s32 s11, s2;
	s9 =	sadd.s32 s13, s2;
	s26 =	sshll.u32 s19, $0x4  }
0x12: {  	s14 =	smax.u32 s15, $0x1;
	s10 =	sshrl.u32 s10, $0x3;
	s22 =	sadd.s32 s12, s20  }
0x13: {  	s23 =	sadd.s32 s1, s20;
	s20 =	simm.s32 $0x2800;
	s11 =	sadd.s32 $0x280, s10  }
0x14: {  	[dreg:$0x4] =	wrdreg s22;
	s13 =	sadd.s32 s1, s11;
	s1 =	simm.s32 $0x35600  }
0x15: {  	[dreg:$0x5] =	wrdreg s23;
	s22 =	simm.s32 $0x3;
	s1 =	simm.s32 @!p0 $0x5D600  }
0x16: {  	s23 =	simm.s32 $0x1400;
	s24 =	sadd.s32 s12, s11;
	s0 =	sadd.s32 s1, s0  }
0x17: {  	[dreg:$0x6] =	wrdreg s24;
	s24 =	simm.s32 $0x80;
	s15 =	sadd.s32 s0, s25  }
0x18: {  	s16 =	sadd.s32 s0, s16;
	s17 =	sadd.s32 s0, s17;
	s18 =	sadd.s32 s0, s18  }
0x19: {  	v0 =	vimm.f32 $0.0e+00;
	s19 =	sadd.s32 s0, s26;
	s25 =	simm.s32 $0x6800;
	s26 =	simm.s32 $0x2  }
.LBB2_1:
0x1a: {  	s0 =	simm.s32 $0x0;
	s1 =	simm.s32 $0x200  }
.LBB2_2:
0x1b: {  	p0 =	sne.s32 s1, $0xFE00;
	[tilespmem:s0+$0x2870] =	vst v0  }
0x1c: {  	[tilespmem:s0+$0x2800] =	vst v0  }
0x1d: {  	[tilespmem:s0+$0x2810] =	vst v0  }
.Ltmp0:
0x1e: {  	[tilespmem:s0+$0x2820] =	vst v0;
	(pc) =	sbr.rel @p0 .LBB2_2-.Ltmp0, $4  }
0x1f: {  	[tilespmem:s0+$0x2830] =	vst v0  }
0x20: {  	[tilespmem:s0+$0x2840] =	vst v0  }
0x21: {  	[tilespmem:s0+$0x2850] =	vst v0  }
0x22: {  	[tilespmem:s0+$0x2860] =	vst v0;
	s0 =	sshra.s32 s1, $0x2;
	s1 =	sadd.s32 $0x200, s1  }
0x23: {  	[tilespmem:s0+$0x2870] =	vst v0  }
0x24: {  	[tilespmem:s0+$0x2800] =	vst v0  }
0x25: {  	[tilespmem:s0+$0x2810] =	vst v0  }
0x26: {  	[tilespmem:s0+$0x2820] =	vst v0  }
0x27: {  	[tilespmem:s0+$0x2830] =	vst v0  }
0x28: {  	[tilespmem:s0+$0x2840] =	vst v0  }
0x29: {  	[tilespmem:s0+$0x2850] =	vst v0  }
0x2a: {  	[tilespmem:s0+$0x2860] =	vst v0  }
0x2b: {  	[spmem:s5] =	stream.linear.scatter [tilespmem:s20], [sflag:$0x1], $0x4000, $0x38;
	[tilespmem:$0x1E800] =	vst v63  }
0x2c: {  	_ = 	snop  }
0x2d: {  	[spmem:s6] =	stream.linear.scatter [tilespmem:s20], [sflag:$0x1], $0x4000, $0x38;
	[tilespmem:$0x1E800] =	vst v63  }
0x2e: {  	_ = 	snop  }
0x2f: {  	[spmem:s7] =	stream.linear.scatter [tilespmem:s20], [sflag:$0x1], $0x4000, $0x38;
	[tilespmem:$0x1E800] =	vst v63  }
0x30: {  	_ = 	snop  }
0x31: {  	[spmem:s8] =	stream.linear.scatter [tilespmem:s20], [sflag:$0x1], $0x4000, $0x38;
	[tilespmem:$0x1E800] =	vst v63  }
0x32: {  	_ = 	snop  }
0x33: {  	[spmem:s9] =	stream.linear.scatter [tilespmem:s20], [sflag:$0x1], $0x4000, $0x38;
	[tilespmem:$0x1E800] =	vst v63  }
0x34: {  	_ =	swait.ge [sflag:s21], $0x4000  }
0x35: {  	[sflag:s21] =	ssyncset.done $0x0  }
0x36: {  	[sflag:s21] =	ssyncadd.s32 $0xFFFFC000  }
0x37: {  	_ =	swait.ge [sflag:s21], $0x4000  }
0x38: {  	[sflag:s21] =	ssyncset.done $0x0  }
0x39: {  	[sflag:s21] =	ssyncadd.s32 $0xFFFFC000  }
0x3a: {  	_ =	swait.ge [sflag:s21], $0x4000  }
0x3b: {  	[sflag:s21] =	ssyncset.done $0x0  }
0x3c: {  	[sflag:s21] =	ssyncadd.s32 $0xFFFFC000  }
0x3d: {  	_ =	swait.ge [sflag:s21], $0x4000  }
0x3e: {  	[sflag:s21] =	ssyncset.done $0x0  }
0x3f: {  	[sflag:s21] =	ssyncadd.s32 $0xFFFFC000  }
0x40: {  	_ =	swait.ge [sflag:s21], $0x4000  }
0x41: {  	[sflag:s21] =	ssyncset.done $0x0  }
0x42: {  	[sflag:s21] =	ssyncadd.s32 $0xFFFFC000  }
0x43: {  	[bflag:$0x0] =	sbarrier.arrive $0xFFFF  }
0x44: {  	s11 =	simm.s32 $0x0;
	s1 =	rddreg [dreg:$0x4]  }
0x45: {  	[tilespmem:s11], [sflag:$0x3] =	stream.linear.gather [hbm4b:s1+s11], $0x1400, $0x38;
	[tilespmem:$0x1E800] =	vst v63  }
0x46: {  	_ =	swait.ge [sflag:s22], $0x1400  }
0x47: {  	[sflag:s22] =	ssyncset.done $0x0  }
0x48: {  	s12 =	rddreg [dreg:$0x5];
	[sflag:s22] =	ssyncadd.s32 $0xFFFFEC00  }
0x49: {  	[tilespmem:s23], [sflag:$0x3] =	stream.linear.gather [hbm4b:s12+s11], $0x1400, $0x38;
	[tilespmem:$0x1E800] =	vst v63  }
0x4a: {  	_ =	swait.ge [sflag:s22], $0x1400  }
0x4b: {  	[sflag:s22] =	ssyncset.done $0x0  }
0x4c: {  	[sflag:s22] =	ssyncadd.s32 $0xFFFFEC00  }
0x4d: {  	[tilespmem:s20], [sflag:$0x1] =	stream.indirect.gather [hbm4b:s4+s24], $0x80, s11, s24, $0xb8;
	[tilespmem:$0x1E800] =	vst v63  }
0x4e: {  	s1 =	simm.s32 $0x80  }
0x4f: {  	[tilespmem:s25], [sflag:$0x2] =	stream.indirect.gather [hbm4b:s4+s24], $0x80, s1, s24, $0xb8;
	[tilespmem:$0x1E800] =	vst v63  }
0x50: {  	_ =	swait.ge [sflag:s21], $0x4000  }
0x51: {  	[sflag:s21] =	ssyncset.done $0x0  }
0x52: {  	s10 =	simm.s32 $0x1400;
	[sflag:s21] =	ssyncadd.s32 $0xFFFFC000  }
0x53: {  	[spmem:s2] =	stream.indirect.scatter.add.f32 [tilespmem:s20], [sflag:$0x3], $0x80, s10, s24, $0xb8;
	[tilespmem:$0x1E800] =	vst v63  }
0x54: {  	_ =	swait.ge [sflag:s22], $0x4000  }
0x55: {  	[sflag:s22] =	ssyncset.done $0x0  }
0x56: {  	s11 =	simm.s32 $0x100;
	[sflag:s22] =	ssyncadd.s32 $0xFFFFC000  }
0x57: {  	[tilespmem:s20], [sflag:$0x1] =	stream.indirect.gather [hbm4b:s4+s24], $0x80, s11, s24, $0xb8;
	[tilespmem:$0x1E800] =	vst v63  }
0x58: {  	_ =	swait.ge [sflag:s26], $0x4000  }
0x59: {  	[sflag:s26] =	ssyncset.done $0x0  }
0x5a: {  	s12 =	simm.s32 $0x1480;
	[sflag:s26] =	ssyncadd.s32 $0xFFFFC000  }
0x5b: {  	[spmem:s2] =	stream.indirect.scatter.add.f32 [tilespmem:s25], [sflag:$0x3], $0x80, s12, s24, $0xb8;
	[tilespmem:$0x1E800] =	vst v63  }
0x5c: {  	_ =	swait.ge [sflag:s22], $0x4000  }
0x5d: {  	s0 =	simm.s32 $0x100;
	s1 =	simm.s32 $0x800;
	[sflag:s22] =	ssyncset.done $0x0  }
.LBB2_4:
0x5e: {  	s10 =	sadd.s32 $0x80, s0  }
0x5f: {  	[sflag:s22] =	ssyncadd.s32 $0xFFFFC000;
	s11 =	smov.u32 s1;
	s12 =	sadd.s32 $0x400, s1  }
0x60: {  	[tilespmem:s25], [sflag:$0x2] =	stream.indirect.gather [hbm4b:s4+s24], $0x80, s10, s24, $0xb8;
	[tilespmem:$0x1E800] =	vst v63  }
0x61: {  	p0 =	sne.s32 s1, $0x4800;
	_ =	swait.ge [sflag:s21], $0x4000  }
0x62: {  	[sflag:s21] =	ssyncset.done $0x0  }
0x63: {  	s1 =	sadd.s32 $0x1400, s0;
	[sflag:s21] =	ssyncadd.s32 $0xFFFFC000  }
0x64: {  	[spmem:s2] =	stream.indirect.scatter.add.f32 [tilespmem:s20], [sflag:$0x3], $0x80, s1, s24, $0xb8;
	[tilespmem:$0x1E800] =	vst v63  }
0x65: {  	_ =	swait.ge [sflag:s22], $0x4000  }
0x66: {  	[sflag:s22] =	ssyncset.done $0x0  }
0x67: {  	s1 =	sadd.s32 $0x100, s0;
	[sflag:s22] =	ssyncadd.s32 $0xFFFFC000  }
0x68: {  	[tilespmem:s20], [sflag:$0x1] =	stream.indirect.gather [hbm4b:s4+s24], $0x80, s1, s24, $0xb8;
	[tilespmem:$0x1E800] =	vst v63  }
0x69: {  	_ =	swait.ge [sflag:s26], $0x4000  }
.Ltmp1:
0x6a: {  	[sflag:s26] =	ssyncset.done $0x0;
	(pc) =	sbr.rel @p0 .LBB2_4-.Ltmp1, $4  }
0x6b: {  	s0 =	sadd.s32 $0x1480, s0;
	[sflag:s26] =	ssyncadd.s32 $0xFFFFC000  }
0x6c: {  	[spmem:s2] =	stream.indirect.scatter.add.f32 [tilespmem:s25], [sflag:$0x3], $0x80, s0, s24, $0xb8;
	[tilespmem:$0x1E800] =	vst v63  }
0x6d: {  	_ =	swait.ge [sflag:s22], $0x4000  }
0x6e: {  	s1 =	smov.u32 s12;
	s0 =	sshra.s32 s11, $0x2;
	[sflag:s22] =	ssyncset.done $0x0  }
0x6f: {  	s1 =	sadd.s32 $0x80, s0;
	[sflag:s22] =	ssyncadd.s32 $0xFFFFC000  }
0x70: {  	[tilespmem:s25], [sflag:$0x2] =	stream.indirect.gather [hbm4b:s4+s24], $0x80, s1, s24, $0xb8;
	[tilespmem:$0x1E800] =	vst v63  }
0x71: {  	_ =	swait.ge [sflag:s21], $0x4000  }
0x72: {  	[sflag:s21] =	ssyncset.done $0x0  }
0x73: {  	s11 =	sadd.s32 $0x1400, s0;
	[sflag:s21] =	ssyncadd.s32 $0xFFFFC000  }
0x74: {  	[spmem:s2] =	stream.indirect.scatter.add.f32 [tilespmem:s20], [sflag:$0x3], $0x80, s11, s24, $0xb8;
	[tilespmem:$0x1E800] =	vst v63  }
0x75: {  	_ =	swait.ge [sflag:s22], $0x4000  }
0x76: {  	[sflag:s22] =	ssyncset.done $0x0  }
0x77: {  	s12 =	sadd.s32 $0x100, s0;
	[sflag:s22] =	ssyncadd.s32 $0xFFFFC000  }
0x78: {  	[tilespmem:s20], [sflag:$0x1] =	stream.indirect.gather [hbm4b:s4+s24], $0x80, s12, s24, $0xb8;
	[tilespmem:$0x1E800] =	vst v63  }
0x79: {  	_ =	swait.ge [sflag:s26], $0x4000  }
0x7a: {  	[sflag:s26] =	ssyncset.done $0x0  }
0x7b: {  	s10 =	sadd.s32 $0x1480, s0;
	[sflag:s26] =	ssyncadd.s32 $0xFFFFC000  }
0x7c: {  	[spmem:s2] =	stream.indirect.scatter.add.f32 [tilespmem:s25], [sflag:$0x3], $0x80, s10, s24, $0xb8;
	[tilespmem:$0x1E800] =	vst v63  }
0x7d: {  	_ =	swait.ge [sflag:s22], $0x4000  }
0x7e: {  	[sflag:s22] =	ssyncset.done $0x0  }
0x7f: {  	[sflag:s22] =	ssyncadd.s32 $0xFFFFC000  }
0x80: {  	[tilespmem:s25], [sflag:$0x2] =	stream.indirect.gather [hbm4b:s4+s24], $0x80, s28, s24, $0xb8;
	[tilespmem:$0x1E800] =	vst v63  }
0x81: {  	_ =	swait.ge [sflag:s21], $0x4000  }
0x82: {  	[sflag:s21] =	ssyncset.done $0x0  }
0x83: {  	[sflag:s21] =	ssyncadd.s32 $0xFFFFC000  }
0x84: {  	[spmem:s2] =	stream.indirect.scatter.add.f32 [tilespmem:s20], [sflag:$0x3], $0x80, s29, s24, $0xb8;
	[tilespmem:$0x1E800] =	vst v63  }
0x85: {  	_ =	swait.ge [sflag:s22], $0x4000  }
0x86: {  	[sflag:s22] =	ssyncset.done $0x0  }
0x87: {  	[sflag:s22] =	ssyncadd.s32 $0xFFFFC000  }
0x88: {  	_ =	swait.ge [sflag:s26], $0x4000  }
0x89: {  	[sflag:s26] =	ssyncset.done $0x0  }
0x8a: {  	[sflag:s26] =	ssyncadd.s32 $0xFFFFC000  }
0x8b: {  	[spmem:s2] =	stream.indirect.scatter.add.f32 [tilespmem:s25], [sflag:$0x3], $0x80, s30, s24, $0xb8;
	[tilespmem:$0x1E800] =	vst v63  }
0x8c: {  	_ =	swait.ge [sflag:s22], $0x4000  }
0x8d: {  	[sflag:s22] =	ssyncset.done $0x0  }
0x8e: {  	s11 =	simm.s32 $0x0;
	s12 =	rddreg [dreg:$0x6];
	[sflag:s22] =	ssyncadd.s32 $0xFFFFC000  }
0x8f: {  	[tilespmem:s11], [sflag:$0x3] =	stream.linear.gather [hbm4b:s12+s11], $0x1400, $0x38;
	[tilespmem:$0x1E800] =	vst v63  }
0x90: {  	_ =	swait.ge [sflag:s22], $0x1400  }
0x91: {  	[sflag:s22] =	ssyncset.done $0x0  }
0x92: {  	[sflag:s22] =	ssyncadd.s32 $0xFFFFEC00  }
0x93: {  	[tilespmem:s23], [sflag:$0x3] =	stream.linear.gather [hbm4b:s13+s11], $0x1400, $0x38;
	[tilespmem:$0x1E800] =	vst v63  }
0x94: {  	_ =	swait.ge [sflag:s22], $0x1400  }
0x95: {  	[sflag:s22] =	ssyncset.done $0x0  }
0x96: {  	[sflag:s22] =	ssyncadd.s32 $0xFFFFEC00  }
0x97: {  	[tilespmem:s20], [sflag:$0x1] =	stream.indirect.gather [hbm4b:s4+s24], $0x80, s11, s24, $0xb8;
	[tilespmem:$0x1E800] =	vst v63  }
0x98: {  	s1 =	simm.s32 $0x80  }
0x99: {  	[tilespmem:s25], [sflag:$0x2] =	stream.indirect.gather [hbm4b:s4+s24], $0x80, s1, s24, $0xb8;
	[tilespmem:$0x1E800] =	vst v63  }
0x9a: {  	_ =	swait.ge [sflag:s21], $0x4000  }
0x9b: {  	[sflag:s21] =	ssyncset.done $0x0  }
0x9c: {  	s10 =	simm.s32 $0x1400;
	[sflag:s21] =	ssyncadd.s32 $0xFFFFC000  }
0x9d: {  	[spmem:s2] =	stream.indirect.scatter.add.f32 [tilespmem:s20], [sflag:$0x3], $0x80, s10, s24, $0xb8;
	[tilespmem:$0x1E800] =	vst v63  }
0x9e: {  	_ =	swait.ge [sflag:s22], $0x4000  }
0x9f: {  	[sflag:s22] =	ssyncset.done $0x0  }
0xa0: {  	s11 =	simm.s32 $0x100;
	[sflag:s22] =	ssyncadd.s32 $0xFFFFC000  }
0xa1: {  	[tilespmem:s20], [sflag:$0x1] =	stream.indirect.gather [hbm4b:s4+s24], $0x80, s11, s24, $0xb8;
	[tilespmem:$0x1E800] =	vst v63  }
0xa2: {  	_ =	swait.ge [sflag:s26], $0x4000  }
0xa3: {  	[sflag:s26] =	ssyncset.done $0x0  }
0xa4: {  	s12 =	simm.s32 $0x1480;
	[sflag:s26] =	ssyncadd.s32 $0xFFFFC000  }
0xa5: {  	[spmem:s2] =	stream.indirect.scatter.add.f32 [tilespmem:s25], [sflag:$0x3], $0x80, s12, s24, $0xb8;
	[tilespmem:$0x1E800] =	vst v63  }
0xa6: {  	_ =	swait.ge [sflag:s22], $0x4000  }
0xa7: {  	s0 =	simm.s32 $0x100;
	s1 =	simm.s32 $0x800;
	[sflag:s22] =	ssyncset.done $0x0  }
.LBB2_6:
0xa8: {  	s10 =	sadd.s32 $0x80, s0  }
0xa9: {  	[sflag:s22] =	ssyncadd.s32 $0xFFFFC000;
	s11 =	smov.u32 s1;
	s12 =	sadd.s32 $0x400, s1  }
0xaa: {  	[tilespmem:s25], [sflag:$0x2] =	stream.indirect.gather [hbm4b:s4+s24], $0x80, s10, s24, $0xb8;
	[tilespmem:$0x1E800] =	vst v63  }
0xab: {  	p0 =	sne.s32 s1, $0x4800;
	_ =	swait.ge [sflag:s21], $0x4000  }
0xac: {  	[sflag:s21] =	ssyncset.done $0x0  }
0xad: {  	s1 =	sadd.s32 $0x1400, s0;
	[sflag:s21] =	ssyncadd.s32 $0xFFFFC000  }
0xae: {  	[spmem:s2] =	stream.indirect.scatter.add.f32 [tilespmem:s20], [sflag:$0x3], $0x80, s1, s24, $0xb8;
	[tilespmem:$0x1E800] =	vst v63  }
0xaf: {  	_ =	swait.ge [sflag:s22], $0x4000  }
0xb0: {  	[sflag:s22] =	ssyncset.done $0x0  }
0xb1: {  	s1 =	sadd.s32 $0x100, s0;
	[sflag:s22] =	ssyncadd.s32 $0xFFFFC000  }
0xb2: {  	[tilespmem:s20], [sflag:$0x1] =	stream.indirect.gather [hbm4b:s4+s24], $0x80, s1, s24, $0xb8;
	[tilespmem:$0x1E800] =	vst v63  }
0xb3: {  	_ =	swait.ge [sflag:s26], $0x4000  }
.Ltmp2:
0xb4: {  	[sflag:s26] =	ssyncset.done $0x0;
	(pc) =	sbr.rel @p0 .LBB2_6-.Ltmp2, $4  }
0xb5: {  	s0 =	sadd.s32 $0x1480, s0;
	[sflag:s26] =	ssyncadd.s32 $0xFFFFC000  }
0xb6: {  	[spmem:s2] =	stream.indirect.scatter.add.f32 [tilespmem:s25], [sflag:$0x3], $0x80, s0, s24, $0xb8;
	[tilespmem:$0x1E800] =	vst v63  }
0xb7: {  	_ =	swait.ge [sflag:s22], $0x4000  }
0xb8: {  	s1 =	smov.u32 s12;
	s0 =	sshra.s32 s11, $0x2;
	[sflag:s22] =	ssyncset.done $0x0  }
0xb9: {  	s1 =	sadd.s32 $0x80, s0;
	[sflag:s22] =	ssyncadd.s32 $0xFFFFC000  }
0xba: {  	[tilespmem:s25], [sflag:$0x2] =	stream.indirect.gather [hbm4b:s4+s24], $0x80, s1, s24, $0xb8;
	[tilespmem:$0x1E800] =	vst v63  }
0xbb: {  	_ =	swait.ge [sflag:s21], $0x4000  }
0xbc: {  	[sflag:s21] =	ssyncset.done $0x0  }
0xbd: {  	s10 =	sadd.s32 $0x1400, s0;
	[sflag:s21] =	ssyncadd.s32 $0xFFFFC000  }
0xbe: {  	[spmem:s2] =	stream.indirect.scatter.add.f32 [tilespmem:s20], [sflag:$0x3], $0x80, s10, s24, $0xb8;
	[tilespmem:$0x1E800] =	vst v63  }
0xbf: {  	_ =	swait.ge [sflag:s22], $0x4000  }
0xc0: {  	[sflag:s22] =	ssyncset.done $0x0  }
0xc1: {  	s11 =	sadd.s32 $0x100, s0;
	[sflag:s22] =	ssyncadd.s32 $0xFFFFC000  }
0xc2: {  	[tilespmem:s20], [sflag:$0x1] =	stream.indirect.gather [hbm4b:s4+s24], $0x80, s11, s24, $0xb8;
	[tilespmem:$0x1E800] =	vst v63  }
0xc3: {  	_ =	swait.ge [sflag:s26], $0x4000  }
0xc4: {  	[sflag:s26] =	ssyncset.done $0x0  }
0xc5: {  	s12 =	sadd.s32 $0x1480, s0;
	[sflag:s26] =	ssyncadd.s32 $0xFFFFC000  }
0xc6: {  	[spmem:s2] =	stream.indirect.scatter.add.f32 [tilespmem:s25], [sflag:$0x3], $0x80, s12, s24, $0xb8;
	[tilespmem:$0x1E800] =	vst v63  }
0xc7: {  	_ =	swait.ge [sflag:s22], $0x4000  }
0xc8: {  	[sflag:s22] =	ssyncset.done $0x0  }
0xc9: {  	[sflag:s22] =	ssyncadd.s32 $0xFFFFC000  }
0xca: {  	[tilespmem:s25], [sflag:$0x2] =	stream.indirect.gather [hbm4b:s4+s24], $0x80, s28, s24, $0xb8;
	[tilespmem:$0x1E800] =	vst v63  }
0xcb: {  	_ =	swait.ge [sflag:s21], $0x4000  }
0xcc: {  	[sflag:s21] =	ssyncset.done $0x0  }
0xcd: {  	[sflag:s21] =	ssyncadd.s32 $0xFFFFC000  }
0xce: {  	[spmem:s2] =	stream.indirect.scatter.add.f32 [tilespmem:s20], [sflag:$0x3], $0x80, s29, s24, $0xb8;
	[tilespmem:$0x1E800] =	vst v63  }
0xcf: {  	_ =	swait.ge [sflag:s22], $0x4000  }
0xd0: {  	[sflag:s22] =	ssyncset.done $0x0  }
0xd1: {  	[sflag:s22] =	ssyncadd.s32 $0xFFFFC000  }
0xd2: {  	_ =	swait.ge [sflag:s26], $0x4000  }
0xd3: {  	[sflag:s26] =	ssyncset.done $0x0  }
0xd4: {  	[sflag:s26] =	ssyncadd.s32 $0xFFFFC000  }
0xd5: {  	[spmem:s2] =	stream.indirect.scatter.add.f32 [tilespmem:s25], [sflag:$0x3], $0x80, s30, s24, $0xb8;
	[tilespmem:$0x1E800] =	vst v63  }
0xd6: {  	_ =	swait.ge [sflag:s22], $0x4000  }
0xd7: {  	[sflag:s22] =	ssyncset.done $0x0  }
0xd8: {  	[sflag:s22] =	ssyncadd.s32 $0xFFFFC000  }
0xd9: {  	[bflag:$0x0] =	sbarrier.arrive $0xFFFF  }
0xda: {  	[tilespmem:s20], [sflag:$0x3] =	stream.linear.gather [spmem:s5], $0x4000, $0x38;
	[tilespmem:$0x1E800] =	vst v63  }
0xdb: {  	_ =	swait.ge [sflag:s22], $0x4000  }
0xdc: {  	[sflag:s22] =	ssyncset.done $0x0  }
0xdd: {  	[sflag:s22] =	ssyncadd.s32 $0xFFFFC000  }
0xde: {  	[hbm4b:s15+s3] =	stream.linear.scatter [tilespmem:s20], [sflag:$0x1], $0x4000, $0x38;
	[tilespmem:$0x1E800] =	vst v63  }
0xdf: {  	_ = 	snop  }
0xe0: {  	[tilespmem:s25], [sflag:$0x3] =	stream.linear.gather [spmem:s6], $0x4000, $0x38;
	[tilespmem:$0x1E800] =	vst v63  }
0xe1: {  	_ =	swait.ge [sflag:s22], $0x4000  }
0xe2: {  	[sflag:s22] =	ssyncset.done $0x0  }
0xe3: {  	[sflag:s22] =	ssyncadd.s32 $0xFFFFC000  }
0xe4: {  	[hbm4b:s16+s3] =	stream.linear.scatter [tilespmem:s25], [sflag:$0x2], $0x4000, $0x38;
	[tilespmem:$0x1E800] =	vst v63  }
0xe5: {  	_ =	swait.ge [sflag:s21], $0x4000  }
0xe6: {  	[sflag:s21] =	ssyncset.done $0x0  }
0xe7: {  	[sflag:s21] =	ssyncadd.s32 $0xFFFFC000  }
0xe8: {  	[tilespmem:s20], [sflag:$0x3] =	stream.linear.gather [spmem:s7], $0x4000, $0x38;
	[tilespmem:$0x1E800] =	vst v63  }
0xe9: {  	_ =	swait.ge [sflag:s22], $0x4000  }
0xea: {  	[sflag:s22] =	ssyncset.done $0x0  }
0xeb: {  	[sflag:s22] =	ssyncadd.s32 $0xFFFFC000  }
0xec: {  	[hbm4b:s17+s3] =	stream.linear.scatter [tilespmem:s20], [sflag:$0x1], $0x4000, $0x38;
	[tilespmem:$0x1E800] =	vst v63  }
0xed: {  	_ =	swait.ge [sflag:s26], $0x4000  }
0xee: {  	[sflag:s26] =	ssyncset.done $0x0  }
0xef: {  	[sflag:s26] =	ssyncadd.s32 $0xFFFFC000  }
0xf0: {  	[tilespmem:s25], [sflag:$0x3] =	stream.linear.gather [spmem:s8], $0x4000, $0x38;
	[tilespmem:$0x1E800] =	vst v63  }
0xf1: {  	_ =	swait.ge [sflag:s22], $0x4000  }
0xf2: {  	[sflag:s22] =	ssyncset.done $0x0  }
0xf3: {  	[sflag:s22] =	ssyncadd.s32 $0xFFFFC000  }
0xf4: {  	[hbm4b:s18+s3] =	stream.linear.scatter [tilespmem:s25], [sflag:$0x2], $0x4000, $0x38;
	[tilespmem:$0x1E800] =	vst v63  }
0xf5: {  	_ =	swait.ge [sflag:s21], $0x4000  }
0xf6: {  	[sflag:s21] =	ssyncset.done $0x0  }
0xf7: {  	[sflag:s21] =	ssyncadd.s32 $0xFFFFC000  }
0xf8: {  	[tilespmem:s20], [sflag:$0x3] =	stream.linear.gather [spmem:s9], $0x4000, $0x38;
	[tilespmem:$0x1E800] =	vst v63  }
0xf9: {  	_ =	swait.ge [sflag:s22], $0x4000  }
0xfa: {  	[sflag:s22] =	ssyncset.done $0x0  }
0xfb: {  	s31 =	sadd.s32 $0x1, s31;
	[sflag:s22] =	ssyncadd.s32 $0xFFFFC000  }
0xfc: {  	[hbm4b:s19+s3] =	stream.linear.scatter [tilespmem:s20], [sflag:$0x1], $0x4000, $0x38;
	[tilespmem:$0x1E800] =	vst v63  }
0xfd: {  	p0 =	sne.s32 s31, s14;
	_ =	swait.ge [sflag:s26], $0x4000  }
.Ltmp3:
0xfe: {  	[sflag:s26] =	ssyncset.done $0x0;
	(pc) =	sbr.rel @p0 .LBB2_1-.Ltmp3, $4  }
0xff: {  	[sflag:s26] =	ssyncadd.s32 $0xFFFFC000  }
0x100: {  	_ =	swait.ge [sflag:s21], $0x4000  }
0x101: {  	[sflag:s21] =	ssyncset.done $0x0  }
0x102: {  	[sflag:s21] =	ssyncadd.s32 $0xFFFFC000  }
0x103: {  	_ =	sfence.sel $0x180000  }
0x104: {  	[bflag:$0x0] =	sbarrier.arrive $0xFFFF  }
0x105: {  	_ =	strace $0x9000004D  }
0x106: {  	s0 =	stileid.u32;
	[bflag:$0x2] =	sbarrier.arrive $0xFFFF  }
0x107: {  	p0 =	sne.s32 s0, $0x0;
	s0 =	rddreg [dreg:$0x3]  }
0x108: {  	s0 =	sadd.s32 @!p0 $0x100000, s0  }
0x109: {  	[sflag:s0] =	ssyncadd.tile.s32 @!p0 $0x1;
	_ =	shalt  }
.Lfunc_end2:
_tile_overlayer_lowered:
.L_overlay_start_2:
0x10a: {  	(tag) =	ssettag $0x2  }
0x10b: {  	s0 =	rddreg [dreg:$0x0];
	s2 =	stileid.u32  }
0x10c: {  	s1 =	rddreg [dreg:$0x1];
	p0 =	sne.s32 s2, $0x0  }
0x10d: {  	s3 =	rddreg [dreg:$0x2];
	[bflag:$0x3] =	sbarrier.arrive $0xFFFF;
	s2 =	simm.s32 @!p0 $0x1C03  }
0x10e: {  	[timem:s3], [sflag:s2] =	dma.local @!p0 [hbm:s0], s1  }
0x10f: {  	s0 =	simm.s32 @!p0 $0x3  }
0x110: {  	_ =	swait.ge @!p0 [sflag:s0], s1  }
0x111: {  	s1 =	ssub.s32 @!p0 $0x0, s1;
	[sflag:s0] =	ssyncset.done @!p0 $0x0  }
0x112: {  	[sflag:s0] =	ssyncadd.s32 @!p0 s1  }
0x113: {  	[bflag:$0x3] =	sbarrier.arrive $0xFFFF  }
0x114: {  	_ =	shalt  }

// kernel: kernel.8.cloned.1.call-start
scs
__scs_entry_jumppad:
0x0: {  	(pc) =	sbr.rel $0x88, $3  }
0x1: {  	(tag) =	ssettag $0x0;
	lr =	simm.s32 $0x1  }
0x2: {  	[smem:$0x3F9B] =	sst lr;
	_ =	strace $0xD0000000  }
0x3: {  	_ = 	snop  }
0x4: {  	_ = 	snop  }
0x5: {  	_ = 	snop  }
0x6: {  	_ = 	snop  }
0x7: {  	_ = 	snop  }
__scs_overlays_trampoline_lowered:
0x8: {  	[smem:$0x3FAA] =	sst s0  }
0x9: {  	[smem:$0x3FAB] =	sst s1  }
0xa: {  	[smem:$0x3FAC] =	sst s2  }
0xb: {  	[smem:$0x3FAD] =	sst s3  }
0xc: {  	[smem:$0x3FAE] =	sst s4  }
0xd: {  	[smem:$0x3FAF] =	sst s5  }
0xe: {  	[smem:$0x3FB0] =	sst s6  }
0xf: {  	[smem:$0x3FB1] =	sst s7  }
0x10: {  	[smem:$0x3FB2] =	sst s8  }
0x11: {  	[smem:$0x3FB3] =	sst s9;
	s0 =	simm.s32 @!p0 $0x0  }
0x12: {  	s1 =	sld [smem:$0x3F99];
	s0 =	simm.s32 @p0 $0x1  }
0x13: {  	[smem:$0x3FB4] =	sst s0;
	s0 =	simm.s32 @!p1 $0x0  }
0x14: {  	s2 =	sld [smem:$0x3F98];
	s0 =	simm.s32 @p1 $0x1  }
0x15: {  	[smem:$0x3FB5] =	sst s0;
	s0 =	simm.s32 @!p2 $0x0  }
0x16: {  	s3 =	sld [smem:$0x3FDB];
	s0 =	simm.s32 @p2 $0x1  }
0x17: {  	s4 =	simm.s32 $0x1BF5;
	[smem:$0x3FB7] =	sst s0  }
0x18: {  	s0 =	sld [smem:$0x3F9A];
	_ =	swait.ge [sflag:s4], $0x0  }
0x19: {  	s7 =	sld [smem:$0x3F9B]  }
0x1a: {  	s8 =	sadd.s32 $0xFFFFE003, lr  }
0x1b: {  	s9 =	sadd.s32 $0xFFFFFEF7, lr;
	s5 =	simm.s32 $0xFFFFFFFF;
	p2 =	slt.u32 s8, $0xFFFFF086  }
0x1c: {  	p1 =	slt.u32 s9, $0xF7A;
	s5 =	simm.s32 @!p2 $0x0  }
0x1d: {  	s5 =	simm.s32 @p1 $0x1;
	p0 =	seq.s32 s7, s2  }
0x1e: {  	s7 =	smul.u32 @!p0 $0xF7A, s2;
	p2 =	seq.s32 @!p0 s5, $0x0  }
0x1f: {  	s9 =	smul.u32 $0xF7A, s1;
	s8 =	simm.s32 @!p0 $0x1BF5;
	p2 =	por !p2, p0  }
0x20: {  	[sflag:s8] =	ssyncset.s32 @!p0 $0xFFFFF086;
	s6 =	sadd.s32 @!p0 s3, s7;
	s7 =	simm.s32 @!p0 $0x108  }
0x21: {  	s3 =	sadd.s32 s3, s9;
	s6 =	sadd.s32 @!p0 $0x88, s6;
	s7 =	simm.s32 @p2 $0x1082  }
0x22: {  	[simem:s7], [sflag:s8] =	dma.local @!p0 [hbm:s6], $0xF7A  }
0x23: {  	s9 =	sor.u32 $0xD0000000, s2;
	s6 =	simm.s32 $0x108;
	_ =	swait.ge @!p0 [sflag:s8], $0x0  }
0x24: {  	s3 =	sadd.s32 $0x88, s3;
	s6 =	simm.s32 @!p1 $0x1082;
	[sflag:s4] =	ssyncset.s32 $0xFFFFF086  }
0x25: {  	[simem:s6], [sflag:s4] =	dma.local [hbm:s3], $0xF7A  }
0x26: {  	[smem:$0x3F9B] =	sst s1;
	(tag) =	ssettag s2;
	_ =	strace s9  }
0x27: {  	s1 =	sld [smem:$0x3FAB]  }
0x28: {  	s2 =	sld [smem:$0x3FAC]  }
0x29: {  	s4 =	sld [smem:$0x3FAE]  }
0x2a: {  	p0 =	seq.s32 s5, $0x0;
	s5 =	sld [smem:$0x3FAF]  }
0x2b: {  	s6 =	sld [smem:$0x3FB0]  }
0x2c: {  	s7 =	sld [smem:$0x3FB1]  }
0x2d: {  	s3 =	simm.s32 $0x108;
	s8 =	sld [smem:$0x3FB2]  }
0x2e: {  	s3 =	simm.s32 @!p0 $0x1082;
	s9 =	sld [smem:$0x3FB3]  }
0x2f: {  	lr =	sadd.s32 s0, s3;
	s0 =	sld [smem:$0x3FAA]  }
0x30: {  	s3 =	sld [smem:$0x3FAD]  }
0x31: {  	[smem:$0x3FB6] =	sst s10  }
0x32: {  	s10 =	sld [smem:$0x3FB4];
	_ =	sdelay $0x3  }
0x33: {  	p0 =	seq.s32 s10, $0x1;
	s10 =	sld [smem:$0x3FB6];
	_ =	sdelay $0x3  }
0x34: {  	[smem:$0x3FB6] =	sst s10  }
0x35: {  	s10 =	sld [smem:$0x3FB5];
	_ =	sdelay $0x3  }
0x36: {  	p1 =	seq.s32 s10, $0x1;
	s10 =	sld [smem:$0x3FB6];
	_ =	sdelay $0x3  }
0x37: {  	[smem:$0x3FB6] =	sst s10  }
0x38: {  	s10 =	sld [smem:$0x3FB7]  }
0x39: {  	_ = 	snop;
	(pc) =	sbr.ind lr, $3  }
0x3a: {  	_ = 	snop  }
0x3b: {  	_ = 	snop  }
0x3c: {  	p2 =	seq.s32 s10, $0x1;
	s10 =	sld [smem:$0x3FB6]  }
0x3d: {  	_ =	shalt  }
0x3e: {  	_ =	shalt  }
0x3f: {  	_ =	shalt  }
0x40: {  	_ =	shalt  }
0x41: {  	_ =	shalt  }
0x42: {  	_ =	shalt  }
0x43: {  	_ =	shalt  }
0x44: {  	_ =	shalt  }
0x45: {  	_ =	shalt  }
0x46: {  	_ =	shalt  }
0x47: {  	_ =	shalt  }
0x48: {  	_ =	shalt  }
0x49: {  	_ =	shalt  }
0x4a: {  	_ =	shalt  }
0x4b: {  	_ =	shalt  }
0x4c: {  	_ =	shalt  }
0x4d: {  	_ =	shalt  }
0x4e: {  	_ =	shalt  }
0x4f: {  	_ =	shalt  }
0x50: {  	_ =	shalt  }
0x51: {  	_ =	shalt  }
0x52: {  	_ =	shalt  }
0x53: {  	_ =	shalt  }
0x54: {  	_ =	shalt  }
0x55: {  	_ =	shalt  }
0x56: {  	_ =	shalt  }
0x57: {  	_ =	shalt  }
0x58: {  	_ =	shalt  }
0x59: {  	_ =	shalt  }
0x5a: {  	_ =	shalt  }
0x5b: {  	_ =	shalt  }
0x5c: {  	_ =	shalt  }
0x5d: {  	_ =	shalt  }
0x5e: {  	_ =	shalt  }
0x5f: {  	_ =	shalt  }
0x60: {  	_ =	shalt  }
0x61: {  	_ =	shalt  }
0x62: {  	_ =	shalt  }
0x63: {  	_ =	shalt  }
0x64: {  	_ =	shalt  }
0x65: {  	_ =	shalt  }
0x66: {  	_ =	shalt  }
0x67: {  	_ =	shalt  }
0x68: {  	_ =	shalt  }
0x69: {  	_ =	shalt  }
0x6a: {  	_ =	shalt  }
0x6b: {  	_ =	shalt  }
0x6c: {  	_ =	shalt  }
0x6d: {  	_ =	shalt  }
0x6e: {  	_ =	shalt  }
0x6f: {  	_ =	shalt  }
0x70: {  	_ =	shalt  }
0x71: {  	_ =	shalt  }
0x72: {  	_ =	shalt  }
0x73: {  	_ =	shalt  }
0x74: {  	_ =	shalt  }
0x75: {  	_ =	shalt  }
0x76: {  	_ =	shalt  }
0x77: {  	_ =	shalt  }
0x78: {  	_ =	shalt  }
0x79: {  	_ =	shalt  }
0x7a: {  	_ =	shalt  }
0x7b: {  	_ =	shalt  }
0x7c: {  	_ =	shalt  }
0x7d: {  	_ =	shalt  }
0x7e: {  	_ =	shalt  }
0x7f: {  	_ =	shalt  }
0x80: {  	_ =	shalt  }
0x81: {  	_ =	shalt  }
0x82: {  	_ =	shalt  }
0x83: {  	_ =	shalt  }
0x84: {  	_ =	shalt  }
0x85: {  	_ =	shalt  }
0x86: {  	_ =	shalt  }
0x87: {  	_ =	shalt  }
.Lfunc_end0:
.L_simem_size_0:
called_computation_lowered:
.L_overlay_start_0:
0x88: {  	s2 =	sld [smem:$0x3FD9]  }
0x89: {  	s3 =	sld [smem:$0x3FFE];
	_ =	sdelay $0x1  }
0x8a: {  	s1 =	srdreg.scid  }
0x8b: {  	s0 =	sand.u32 $0x1, s1  }
0x8c: {  	s17 =	sshll.u32 s0, $0xA;
	s2 =	sadd.s32 s3, s2  }
0x8d: {  	s2 =	sadd.s32 s2, s17  }
0x8e: {  	[smem:$0x3FC2] =	sst s2  }
0x8f: {  	_ = 	snop  }
0x90: {  	s2 =	sld [smem:$0x3FD0];
	(tm) =	ssettm $0x1  }
0x91: {  	s18 =	sld [smem:$0x3FFB];
	_ =	sdelay $0x3  }
0x92: {  	_ =	strace s18  }
0x93: {  	s3 =	sld [smem:$0x3FFC];
	_ =	sdelay $0x3  }
0x94: {  	_ =	strace s3  }
0x95: {  	s3 =	sld [smem:$0x3FFD];
	_ =	sdelay $0x3  }
0x96: {  	_ =	strace s3  }
0x97: {  	_ =	strace $0x8FFFFFFF  }
0x98: {  	s19 =	sld [smem:$0x3FDB];
	_ =	sdelay $0x1  }
0x99: {  	s4 =	simm.s32 $_scs_section_size  }
0x9a: {  	s5 =	simm.s32 $_size__tile_overlayer_lowered;
	s6 =	simm.s32 $_tile_overlayer_lowered  }
0x9b: {  	s22 =	simm.s32 $0x1BFF;
	s21 =	sshll.u32 s6, $0x1;
	s3 =	sadd.s32 s4, s19  }
0x9c: {  	s7 =	simm.s32 $0x0;
	s20 =	sshll.u32 s5, $0x1;
	s5 =	sadd.s32 s21, s3  }
0x9d: {  	[timem:s7], [sflag:s22] =	dma.local [hbm:s5], s20  }
0x9e: {  	_ =	swait.ge [sflag:s22], s20  }
0x9f: {  	s4 =	ssub.s32 $0x0, s20;
	[sflag:s22] =	ssyncset.done $0x0  }
0xa0: {  	[sflag:s22] =	ssyncadd.s32 s4;
	_ =	sdelay $0x1  }
0xa1: {  	s23 =	simm.s32 $0x1B8B  }
0xa2: {  	_ =	swait.ge [sflag:s23], $0x1  }
0xa3: {  	[sflag:s23] =	ssyncset.done $0x0  }
0xa4: {  	s25 =	simm.s32 $0x1B8E;
	s24 =	sld [smem:$0x3FFE];
	[sflag:s23] =	ssyncadd.s32 $0xFFFFFFFF  }
0xa5: {  	s26 =	simm.s32 $execute0_lowered;
	[smem:$0x3FD2] =	sst s25  }
0xa6: {  	s5 =	sshll.u32 s26, $0x1;
	_ =	strace $0x80000046;
	[dreg:$0x1] =	wrdreg $0xFFFFFFFF  }
0xa7: {  	s28 =	simm.s32 $_size_execute0_lowered;
	s3 =	sadd.s32 s3, s5;
	[dreg:$0x0] =	wrdreg $0x0  }
0xa8: {  	s5 =	sshll.u32 s28, $0x1;
	[dreg:$0x2] =	wrdreg s3  }
0xa9: {  	[dreg:$0x3] =	wrdreg s5  }
0xaa: {  	[dreg:$0x4] =	wrdreg $0xC0  }
0xab: {  	_ =	task [dreg:s7], $0x5FFFF  }
0xac: {  	[dreg:$0x1] =	wrdreg $0xFFFFFFFF  }
0xad: {  	[dreg:$0x0] =	wrdreg $0x60  }
0xae: {  	[dreg:$0x2] =	wrdreg s24  }
0xaf: {  	[dreg:$0x3] =	wrdreg s2  }
0xb0: {  	[dreg:$0x4] =	wrdreg $0x53000  }
0xb1: {  	[dreg:$0x5] =	wrdreg $0x9  }
0xb2: {  	_ =	task.clear_ibuf [dreg:s7], $0x6FFFF;
	_ =	strace $0x90000046  }
0xb3: {  	s29 =	simm.s32 $0x9;
	_ =	strace $0x80000048  }
0xb4: {  	_ =	swait.ge [sflag:s29], $0x1  }
0xb5: {  	[sflag:s29] =	ssyncadd.s32 $0xFFFFFFFF  }
0xb6: {  	_ =	strace $0x90000048  }
0xb7: {  	_ =	sfence  }
0xb8: {  	s30 =	sld [smem:$0x0];
	_ =	sdelay $0x2  }
0xb9: {  	s31 =	sshll.u32 s1, $0xD;
	s1 =	sshrl.u32 s1, $0x2  }
0xba: {  	s3 =	sand.u32 $0x4000, s31;
	s1 =	sadd.s32 s1, s30  }
0xbb: {  	s0 =	sor.u32 s3, s0;
	s1 =	sshll.u32 s1, $0x11  }
0xbc: {  	s0 =	sor.u32 s1, s0  }
0xbd: {  	s0 =	sadd.s32 $0x8F2B, s0  }
0xbe: {  	[sflag:s0] =	ssyncadd.remote.s32 $0x1  }
0xbf: {  	_ =	sfence.sel $0xFFFF  }
0xc0: {  	[dreg:$0x0] =	wrdreg $0xFFFFFFFF;
	(pc) =	sbr.abs _section_cstart, $3  }
0xc1: {  	[dreg:$0x1] =	wrdreg $0xFFFFFFFF  }
0xc2: {  	_ =	task.clear_ibuf [dreg:s7], $0x2FFFF;
	_ =	strace $0x9FFFFFFF  }
0xc3: {  	(tm) =	ssettm $0x7FFFFFFF  }
tec
execute0_lowered:
.L_overlay_start_1:
0x0: {  	(tag) =	ssettag $0x1  }
0x1: {  	s5 =	rddreg [dreg:$0x0]  }
0x2: {  	s8 =	rddreg [dreg:$0x1]  }
0x3: {  	s2 =	rddreg [dreg:$0x2]  }
0x4: {  	s0 =	rddreg [dreg:$0x3]  }
0x5: {  	s3 =	simm.s32 $0x0;
	s1 =	stileid.u32;
	s4 =	srdreg.scid  }
0x6: {  	s14 =	simm.s32 $0x80;
	s15 =	simm.s32 $0x5000;
	s9 =	smul.u32 $0xA00, s1  }
0x7: {  	s16 =	simm.s32 $0x0;
	[smem:$0x7FF] =	sst s3;
	s7 =	smul.u32 $0xFFFFFF60, s1  }
0x8: {  	s12 =	sand.u32 $0x1, s4;
	s4 =	sadd.s32 $0xDC00, s5;
	s13 =	smul.u32 $0x280, s1  }
0x9: {  	_ =	strace $0x80000047;
	s6 =	ssub.s32 $0x2, s12;
	s10 =	sadd.s32 s9, s5  }
.Ltmp0:
0xa: {  	s11 =	sshrl.u32 s6, $0x1;
	p0 =	slt.s32 s7, $0xFFFFF6DC;
	(pc) =	sbr.rel .LBB2_1-.Ltmp0, $4  }
0xb: {  	s5 =	sadd.s32 $0xD600, s5;
	s8 =	sadd.s32 s8, s9;
	s9 =	sshrl.u32 s13, $0x3  }
0xc: {  	s11 =	ssub.s32 s6, s11;
	s7 =	simm.s32 @!p0 $0xFFFFF6DC;
	s6 =	sadd.s32 s13, s2  }
0xd: {  	s10 =	sadd.s32 $0x3600, s10;
	p0 =	sne.s32 s12, $0x0;
	s12 =	simm.s32 $0x5080  }
0xe: {  	v0 =	vimm.f32 $1.000000000e+00;
	v1 =	vimm.f32 $0.0e+00;
	s13 =	simm.s32 $0x1;
	s7 =	sadd.s32 $0x9C4, s7;
	s11 =	smax.u32 s11, $0x1  }
.LBB2_7:
0xf: {  	[sflag:s13] =	ssyncadd.s32 $0xFFFFFF80;
	s17 =	smov.u32 s5  }
.LBB2_8:
0x10: {  	[bflag:$0x0] =	sbarrier.arrive $0xFFFF  }
0x11: {  	[tilespmem:s12], [sflag:$0x1] =	stream.linear.gather [spmem:s6], $0x280, $0x38;
	[tilespmem:$0x5580] =	vst v63  }
0x12: {  	s16 =	sadd.s32 $0x1, s16;
	_ =	swait.ge [sflag:s13], $0x280  }
0x13: {  	p1 =	sne.s32 s16, s11;
	[sflag:s13] =	ssyncset.done $0x0  }
.Ltmp1:
0x14: {  	s17 =	sadd.s32 s17, s9;
	[sflag:s13] =	ssyncadd.s32 $0xFFFFFD80;
	(pc) =	sbr.rel @!p1 .LBB2_9-.Ltmp1, $4  }
0x15: {  	[hbm4b:s17+s3] =	stream.linear.scatter [tilespmem:s12], [sflag:$0x1], $0x280, $0x38;
	[tilespmem:$0x5580] =	vst v63  }
0x16: {  	_ =	swait.ge [sflag:s13], $0x280  }
0x17: {  	[sflag:s13] =	ssyncset.done $0x0  }
0x18: {  	[sflag:s13] =	ssyncadd.s32 $0xFFFFFD80  }
.LBB2_1:
0x19: {  	[tilespmem:$0x5000] =	vst v0  }
0x1a: {  	[tilespmem:$0x5010] =	vst v0  }
0x1b: {  	[tilespmem:$0x5020] =	vst v0  }
0x1c: {  	[tilespmem:$0x5030] =	vst v0  }
0x1d: {  	[tilespmem:$0x5040] =	vst v0  }
0x1e: {  	[tilespmem:$0x5050] =	vst v0  }
0x1f: {  	[tilespmem:$0x5060] =	vst v0  }
0x20: {  	[tilespmem:$0x5070] =	vst v0  }
0x21: {  	[tilespmem:$0x5080] =	vst v1  }
0x22: {  	[tilespmem:$0x5090] =	vst v1  }
0x23: {  	[tilespmem:$0x50A0] =	vst v1  }
0x24: {  	[tilespmem:$0x50B0] =	vst v1  }
0x25: {  	[tilespmem:$0x50C0] =	vst v1  }
0x26: {  	[tilespmem:$0x50D0] =	vst v1  }
0x27: {  	[tilespmem:$0x50E0] =	vst v1  }
0x28: {  	[tilespmem:$0x50F0] =	vst v1  }
0x29: {  	[tilespmem:$0x5100] =	vst v1  }
0x2a: {  	[tilespmem:$0x5110] =	vst v1  }
0x2b: {  	[tilespmem:$0x5120] =	vst v1  }
0x2c: {  	[tilespmem:$0x5130] =	vst v1  }
0x2d: {  	[tilespmem:$0x5140] =	vst v1  }
0x2e: {  	[tilespmem:$0x5150] =	vst v1  }
0x2f: {  	[tilespmem:$0x5160] =	vst v1  }
0x30: {  	[tilespmem:$0x5170] =	vst v1  }
0x31: {  	[tilespmem:$0x5180] =	vst v1  }
0x32: {  	[tilespmem:$0x5190] =	vst v1  }
0x33: {  	[tilespmem:$0x51A0] =	vst v1  }
0x34: {  	[tilespmem:$0x51B0] =	vst v1  }
0x35: {  	[tilespmem:$0x51C0] =	vst v1  }
0x36: {  	[tilespmem:$0x51D0] =	vst v1  }
0x37: {  	[tilespmem:$0x51E0] =	vst v1  }
0x38: {  	[tilespmem:$0x51F0] =	vst v1  }
0x39: {  	[tilespmem:$0x5200] =	vst v1  }
0x3a: {  	[tilespmem:$0x5210] =	vst v1  }
0x3b: {  	[tilespmem:$0x5220] =	vst v1  }
0x3c: {  	[tilespmem:$0x5230] =	vst v1  }
0x3d: {  	[tilespmem:$0x5240] =	vst v1  }
0x3e: {  	[tilespmem:$0x5250] =	vst v1  }
0x3f: {  	[tilespmem:$0x5260] =	vst v1  }
0x40: {  	[tilespmem:$0x5270] =	vst v1  }
0x41: {  	[tilespmem:$0x5280] =	vst v1  }
0x42: {  	[tilespmem:$0x5290] =	vst v1  }
0x43: {  	[tilespmem:$0x52A0] =	vst v1  }
0x44: {  	[tilespmem:$0x52B0] =	vst v1  }
0x45: {  	[tilespmem:$0x52C0] =	vst v1  }
0x46: {  	[tilespmem:$0x52D0] =	vst v1  }
0x47: {  	[tilespmem:$0x52E0] =	vst v1  }
0x48: {  	[tilespmem:$0x52F0] =	vst v1  }
0x49: {  	[spmem:s6] =	stream.linear.scatter [tilespmem:s12], [sflag:$0x1], $0x280, $0x38;
	[tilespmem:$0x5580] =	vst v63  }
.Ltmp2:
0x4a: {  	_ =	swait.ge [sflag:s13], $0x280;
	(pc) =	sbr.rel @p0 .LBB2_5-.Ltmp2, $4  }
0x4b: {  	[sflag:s13] =	ssyncset.done $0x0  }
0x4c: {  	[sflag:s13] =	ssyncadd.s32 $0xFFFFFD80  }
0x4d: {  	[bflag:$0x0] =	sbarrier.arrive $0xFFFF  }
0x4e: {  	s17 =	simm.s32 $0x0  }
0x4f: {  	[tilespmem:s17], [sflag:$0x1] =	stream.linear.gather [hbm4b:s10+s17], $0x5000, $0x38;
	[tilespmem:$0x5580] =	vst v63  }
0x50: {  	p1 =	seq.s32 s7, $0x1;
	_ =	swait.ge [sflag:s13], $0x5000  }
.Ltmp3:
0x51: {  	[sflag:s13] =	ssyncset.done $0x0;
	(pc) =	sbr.rel @p1 .LBB2_4-.Ltmp3, $4  }
0x52: {  	[sflag:s13] =	ssyncadd.s32 $0xFFFFB000  }
0x53: {  	[spmem:s2] =	stream.indirect.scatter.add.f32 [tilespmem:s15], [sflag:$0x1], $0x1, s17, s14, $0xb8;
	[tilespmem:$0x5580] =	vst v63  }
0x54: {  	_ =	swait.ge [sflag:s13], $0x80  }
0x55: {  	s18 =	sadd.s32 $0xFFFFFFFF, s7;
	[sflag:s13] =	ssyncset.done $0x0  }
.LBB2_3:
0x56: {  	p1 =	seq.s32 s18, $0x1;
	[sflag:s13] =	ssyncadd.s32 $0xFFFFFF80;
	s17 =	sadd.s32 $0x80, s17  }
.Ltmp4:
0x57: {  	s18 =	sadd.s32 $0xFFFFFFFF, s18;
	(pc) =	sbr.rel @!p1 .LBB2_3-.Ltmp4, $4  }
0x58: {  	_ = 	snop  }
0x59: {  	[spmem:s2] =	stream.indirect.scatter.add.f32 [tilespmem:s15], [sflag:$0x1], $0x1, s17, s14, $0xb8;
	[tilespmem:$0x5580] =	vst v63  }
0x5a: {  	_ =	swait.ge [sflag:s13], $0x80  }
0x5b: {  	[sflag:s13] =	ssyncset.done $0x0  }
.LBB2_4:
.Ltmp5:
0x5c: {  	(pc) =	sbr.rel .LBB2_8-.Ltmp5, $2  }
0x5d: {  	_ =	sdelay $0x2  }
0x5e: {  	[sflag:s13] =	ssyncadd.s32 $0xFFFFFF80;
	s17 =	smov.u32 s4  }
.LBB2_5:
0x5f: {  	[tilespmem:s17], [sflag:$0x1] =	stream.linear.gather [hbm4b:s8+s17], $0x5000, $0x38;
	[tilespmem:$0x5580] =	vst v63  }
0x60: {  	p1 =	sne.s32 s7, $0x1;
	_ =	swait.ge [sflag:s13], $0x5000  }
.Ltmp6:
0x61: {  	[sflag:s13] =	ssyncset.done $0x0;
	(pc) =	sbr.rel @!p1 .LBB2_7-.Ltmp6, $4  }
0x62: {  	[sflag:s13] =	ssyncadd.s32 $0xFFFFB000  }
0x63: {  	[spmem:s2] =	stream.indirect.scatter.add.f32 [tilespmem:s15], [sflag:$0x1], $0x1, s17, s14, $0xb8;
	[tilespmem:$0x5580] =	vst v63  }
0x64: {  	_ =	swait.ge [sflag:s13], $0x80  }
0x65: {  	s18 =	sadd.s32 $0xFFFFFFFF, s7;
	[sflag:s13] =	ssyncset.done $0x0  }
.LBB2_6:
0x66: {  	p1 =	sne.s32 s18, $0x1;
	[sflag:s13] =	ssyncadd.s32 $0xFFFFFF80;
	s17 =	sadd.s32 $0x80, s17  }
.Ltmp7:
0x67: {  	s18 =	sadd.s32 $0xFFFFFFFF, s18;
	(pc) =	sbr.rel @p1 .LBB2_6-.Ltmp7, $4  }
0x68: {  	_ = 	snop  }
0x69: {  	[spmem:s2] =	stream.indirect.scatter.add.f32 [tilespmem:s15], [sflag:$0x1], $0x1, s17, s14, $0xb8;
	[tilespmem:$0x5580] =	vst v63  }
0x6a: {  	_ =	swait.ge [sflag:s13], $0x80  }
0x6b: {  	[sflag:s13] =	ssyncset.done $0x0  }
.Ltmp8:
0x6c: {  	_ = 	snop;
	(pc) =	sbr.rel .LBB2_7-.Ltmp8, $1  }
0x6d: {  	_ =	sdelay $0x3  }
.LBB2_9:
0x6e: {  	_ =	sfence.sel $0x180000  }
0x6f: {  	[bflag:$0x0] =	sbarrier.arrive $0xFFFF  }
0x70: {  	p0 =	sne.s32 s1, $0x0;
	_ =	strace $0x90000047  }
0x71: {  	s0 =	sadd.s32 @!p0 $0x100000, s0;
	[bflag:$0x2] =	sbarrier.arrive $0xFFFF  }
0x72: {  	[sflag:s0] =	ssyncadd.tile.s32 @!p0 $0x1;
	_ =	shalt  }
.Lfunc_end2:
_tile_overlayer_lowered:
.L_overlay_start_2:
0x73: {  	(tag) =	ssettag $0x2  }
0x74: {  	s0 =	rddreg [dreg:$0x0];
	s2 =	stileid.u32  }
0x75: {  	s1 =	rddreg [dreg:$0x1];
	p0 =	sne.s32 s2, $0x0  }
0x76: {  	s3 =	rddreg [dreg:$0x2];
	[bflag:$0x3] =	sbarrier.arrive $0xFFFF;
	s2 =	simm.s32 @!p0 $0x1C01  }
0x77: {  	[timem:s3], [sflag:s2] =	dma.local @!p0 [hbm:s0], s1  }
0x78: {  	s0 =	simm.s32 @!p0 $0x1  }
0x79: {  	_ =	swait.ge @!p0 [sflag:s0], s1  }
0x7a: {  	s1 =	ssub.s32 @!p0 $0x0, s1;
	[sflag:s0] =	ssyncset.done @!p0 $0x0  }
0x7b: {  	[sflag:s0] =	ssyncadd.s32 @!p0 s1  }
0x7c: {  	[bflag:$0x3] =	sbarrier.arrive $0xFFFF  }
0x7d: {  	_ =	shalt  }

</sc_bundles>
